<compile_context>
chip_gen: v7x
topology: tpu7x:2x2x1
jax: 0.10.2.dev20260603
libtpu: 0.0.44.dev20260713+nightly
codegen_flags: <defaults>
</compile_context>

<pallas_src>
import functools

import jax
import jax.numpy as jnp
from jax import lax
from jax.experimental import pallas as pl
from jax.experimental.pallas import tpu as pltpu
from jax.experimental.pallas import tpu_sc as plsc

_KNN_ROWS = 256
_TP = 128


def _mm(a, b):
    return lax.dot_general(a, b, (((1,), (0,)), ((), ())),
                           preferred_element_type=jnp.float32)


def _knn_body(xt_ref, xa_ref, ptsT_ref, wqkv_ref, wp1_ref,
              idx_ref, q_ref, u_ref, kvu_ref, *, n, rows, k, dim, ph):
    b = pl.program_id(0)
    xt = xt_ref[0]
    xa = xa_ref[0]

    qkv_t = lax.dot_general(ptsT_ref[0], wqkv_ref[...], (((0,), (1,)), ((), ())),
                            preferred_element_type=jnp.float32)

    u = _mm(xt, wp1_ref[...])
    q_ref[0] = qkv_t[:, :dim]
    u_ref[0] = u
    kv = _pack2(qkv_t[:, dim:2 * dim], qkv_t[:, 2 * dim:])
    up = _pack2(u[:, :ph // 2], u[:, ph // 2:])
    kvu_ref[0] = jnp.concatenate(
        [kv, up, jnp.zeros((rows, dim - ph // 2), jnp.int32)], axis=1)

    dot = lax.dot_general(xt, xa, (((1,), (0,)), ((), ())),
                          preferred_element_type=jnp.float32)
    sq_rows = jnp.sum(xt * xt, axis=1, keepdims=True)
    sq_all = jnp.sum(xa * xa, axis=0, keepdims=True)
    d = sq_rows + sq_all - 2.0 * dot

    iota_nf = lax.broadcasted_iota(jnp.int32, (rows, n), 1).astype(jnp.float32)
    iota_k = lax.broadcasted_iota(jnp.int32, (rows, k), 1)
    nf = jnp.float32(n)
    base = b * n
    idx_acc = jnp.zeros((rows, k), jnp.int32)
    for t in range(k):
        m = jnp.min(d, axis=1, keepdims=True)
        cand = jnp.where(d == m, iota_nf, nf)
        ai = jnp.min(cand, axis=1, keepdims=True)
        idx_acc = jnp.where(iota_k == t, ai.astype(jnp.int32) + base, idx_acc)
        if t < k - 1:
            d = jnp.where(iota_nf == ai, jnp.float32(jnp.inf), d)
    idx_ref[0] = idx_acc


def _pack2(a, b):
    ai = lax.bitcast_convert_type(a, jnp.uint32)
    bi = lax.bitcast_convert_type(b, jnp.uint32)
    one = jnp.uint32(1)
    rnd = jnp.uint32(0x7FFF)
    ar = (ai + rnd + ((ai >> 16) & one)) & jnp.uint32(0xFFFF0000)
    br = (bi + rnd + ((bi >> 16) & one)) >> 16
    return lax.bitcast_convert_type(ar | br, jnp.int32)


def _sc_gather(kvu_tab, idx_flat):
    tok = idx_flat.shape[0]
    width = kvu_tab.shape[1]
    wout = kvu_tab.shape[1]
    info = plsc.get_sparse_core_info()
    nc, ns = info.num_cores, info.num_subcores
    nw = nc * ns
    rpw = tok // nw
    ch = 128
    nb = 3
    nch = rpw // ch

    @functools.partial(
        pl.kernel,
        mesh=plsc.VectorSubcoreMesh(core_axis_name="c", subcore_axis_name="s"),
        out_type=jax.ShapeDtypeStruct((tok, wout), jnp.int32),
        scratch_types=[pltpu.VMEM((nb, ch), jnp.int32),
                       pltpu.VMEM((nb, ch, width), jnp.int32),
                       pltpu.SemaphoreType.DMA],
    )
    def gather(kvu_h, idx_h, out_h, idxv, bufs, sem):
        wid = lax.axis_index("s") * nc + lax.axis_index("c")
        base = wid * rpw

        def run(c0, cnt):
            for j in range(cnt):
                pltpu.sync_copy(idx_h.at[pl.ds(base + (c0 + j) * ch, ch)],
                                idxv.at[j])
            handles = [pltpu.async_copy(kvu_h.at[idxv.at[j]], bufs.at[j], sem)
                       for j in range(cnt)]
            for j in range(cnt):
                handles[j].wait()
                pltpu.sync_copy(bufs.at[j],
                                out_h.at[pl.ds(base + (c0 + j) * ch, ch)])

        def body(g, carry):
            run(g * nb, nb)
            return carry

        lax.fori_loop(0, nch // nb, body, 0)
        if nch % nb:
            run((nch // nb) * nb, nch % nb)

    return gather(kvu_tab, idx_flat)


def _fused_body(kvu_ref, q_ref, uc_ref,
                bp1_ref, wp2_ref, bp2_ref,
                wa1_ref, ba1_ref, wa2_ref, ba2_ref, out_ref, *,
                tp, k, dim, ph):
    t = tp * k
    xi = lax.bitcast_convert_type(kvu_ref[...], jnp.uint32)
    hi = lax.bitcast_convert_type(xi & jnp.uint32(0xFFFF0000), jnp.float32)
    lo = lax.bitcast_convert_type(xi << 16, jnp.float32)
    kg = hi[:, :dim]
    vg = lo[:, :dim]
    ug = jnp.concatenate(
        [hi[:, dim:dim + ph // 2], lo[:, dim:dim + ph // 2]], axis=1)
    q = q_ref[...]
    uc = uc_ref[...]

    ucr = jnp.broadcast_to(uc[:, None, :], (tp, k, ph)).reshape(t, ph)
    h = jnp.maximum(ucr - ug + bp1_ref[...], 0.0)
    rpe = _mm(h.astype(jnp.bfloat16), wp2_ref[...]) + bp2_ref[...]

    qr = jnp.broadcast_to(q[:, None, :], (tp, k, dim)).reshape(t, dim)
    pre = qr - kg + rpe
    a = jnp.maximum(_mm(pre.astype(jnp.bfloat16), wa1_ref[...]) + ba1_ref[...],
                    0.0)
    sim = _mm(a.astype(jnp.bfloat16), wa2_ref[...]) + ba2_ref[...]

    s3 = sim.reshape(tp, k, dim)
    mx = jnp.max(s3, axis=1, keepdims=True)
    e = jnp.exp(s3 - mx)
    den = jnp.sum(e, axis=1, keepdims=True)
    attn = e / den

    vv = (vg + rpe).reshape(tp, k, dim)
    out_ref[0] = jnp.transpose(jnp.sum(attn * vv, axis=1))


def kernel(xyz, points, W_qkv, Wp1, bp1, Wp2, bp2, Wa1, ba1, Wa2, ba2):
    b, _, n = xyz.shape
    dim = points.shape[1]
    ph = Wp1.shape[0]
    hid = Wa1.shape[0]
    k = 16

    xyz_t16 = jnp.pad(jnp.transpose(xyz, (0, 2, 1)), ((0, 0), (0, 0), (0, 13)))
    xyz_p16 = jnp.pad(xyz, ((0, 0), (0, 13), (0, 0)))
    wp1t = jnp.pad(Wp1.T, ((0, 13), (0, 0)))
    wp2t_bf = Wp2.T.astype(jnp.bfloat16)
    wa1t_bf = Wa1.T.astype(jnp.bfloat16)
    wa2t_bf = Wa2.T.astype(jnp.bfloat16)
    bp1r = bp1.reshape(1, ph)
    bp2r = bp2.reshape(1, dim)
    ba1r = ba1.reshape(1, hid)
    ba2r = ba2.reshape(1, dim)

    rows = _KNN_ROWS
    width = 2 * dim

    def _half(xyz_t16, xyz_p16, points, b):
        idx, q_t, u_t, kvu_t = pl.pallas_call(
        functools.partial(_knn_body, n=n, rows=rows, k=k, dim=dim, ph=ph),
        grid=(b, n // rows),
        in_specs=[pl.BlockSpec((1, rows, 16), lambda bi, ri: (bi, ri, 0)),
                  pl.BlockSpec((1, 16, n), lambda bi, ri: (bi, 0, 0)),
                  pl.BlockSpec((1, dim, rows), lambda bi, ri: (bi, 0, ri)),
                  pl.BlockSpec((3 * dim, dim), lambda bi, ri: (0, 0)),
                  pl.BlockSpec((16, ph), lambda bi, ri: (0, 0))],
        out_specs=[pl.BlockSpec((1, rows, k), lambda bi, ri: (bi, ri, 0)),
                   pl.BlockSpec((1, rows, dim), lambda bi, ri: (bi, ri, 0)),
                   pl.BlockSpec((1, rows, ph), lambda bi, ri: (bi, ri, 0)),
                   pl.BlockSpec((1, rows, width), lambda bi, ri: (bi, ri, 0))],
        out_shape=[jax.ShapeDtypeStruct((b, n, k), jnp.int32),
                   jax.ShapeDtypeStruct((b, n, dim), jnp.float32),
                   jax.ShapeDtypeStruct((b, n, ph), jnp.float32),
                   jax.ShapeDtypeStruct((b, n, width), jnp.int32)],
        )(xyz_t16, xyz_p16, points, W_qkv, wp1t)

        kvu_g = _sc_gather(kvu_t.reshape(b * n, width),
                           idx.reshape(b * n * k))

        tp = _TP
        tb = tp * k
        nbp = n // tp
        return pl.pallas_call(
        functools.partial(_fused_body, tp=tp, k=k, dim=dim, ph=ph),
        grid=((b * n) // tp,),
        in_specs=[
            pl.BlockSpec((tb, width), lambda i: (i, 0)),
            pl.BlockSpec((tp, dim), lambda i: (i, 0)),
            pl.BlockSpec((tp, ph), lambda i: (i, 0)),
            pl.BlockSpec((1, ph), lambda i: (0, 0)),
            pl.BlockSpec((ph, dim), lambda i: (0, 0)),
            pl.BlockSpec((1, dim), lambda i: (0, 0)),
            pl.BlockSpec((dim, hid), lambda i: (0, 0)),
            pl.BlockSpec((1, hid), lambda i: (0, 0)),
            pl.BlockSpec((hid, dim), lambda i: (0, 0)),
            pl.BlockSpec((1, dim), lambda i: (0, 0)),
        ],
        out_specs=pl.BlockSpec((1, dim, tp),
                               lambda i: (i // nbp, 0, i % nbp)),
        out_shape=jax.ShapeDtypeStruct((b, dim, n), jnp.float32),
        )(kvu_g, q_t.reshape(b * n, dim), u_t.reshape(b * n, ph),
          bp1r, wp2t_bf, bp2r, wa1t_bf, ba1r, wa2t_bf, ba2r)

    bh = b // 2
    halves = [_half(xyz_t16[i * bh:(i + 1) * bh], xyz_p16[i * bh:(i + 1) * bh],
                    points[i * bh:(i + 1) * bh], bh) for i in range(2)]
    return jnp.concatenate(halves, axis=0)

# --- scband reference (transcript-rebuilt; emitter-appended) ---
"""Pipeline reference for scband-point-transformer-layer-5617817224085 (READ-ONLY COPY).

The authoritative reference and input builder live on the scoring server;
editing this copy changes nothing except your own understanding.
"""

import jax, jax.numpy as jnp
import numpy as np

B, N, DIM, K, PH, MULT = 4, 2048, 128, 16, 64, 4

def _group(points, idx):
    # points: [B, C, N], idx: [B, N, K] -> [B, C, N, K]
    Bb, C, Nn = points.shape
    Kk = idx.shape[-1]
    idx_flat = idx.reshape(Bb, 1, Nn * Kk)
    idx_b = jnp.broadcast_to(idx_flat, (Bb, C, Nn * Kk))
    g = jnp.take_along_axis(points, idx_b, axis=2)
    return g.reshape(Bb, C, Nn, Kk)

def _knn_idx(xyz, k):
    # xyz: [B, 3, N] -> knn indices [B, N, k] (smallest sq distance)
    pts = jnp.transpose(xyz, (0, 2, 1))  # [B, N, 3]
    sq = jnp.sum(pts * pts, axis=-1)
    d = sq[:, :, None] + sq[:, None, :] - 2.0 * jnp.einsum('bnc,bmc->bnm', pts, pts)
    _, idx = jax.lax.top_k(-d, k)
    return idx

def setup_inputs(seed: int = 0) -> dict:
    key = jax.random.key(seed)
    ks = jax.random.split(key, 8)
    s = 0.02
    return {
        'xyz': jax.random.normal(ks[0], (B, 3, N), jnp.float32),
        'points': jax.random.normal(ks[1], (B, DIM, N), jnp.float32),
        'W_qkv': jax.random.normal(ks[2], (3 * DIM, DIM), jnp.float32) * s,
        'Wp1': jax.random.normal(ks[3], (PH, 3), jnp.float32) * s,
        'bp1': jnp.zeros((PH,), jnp.float32),
        'Wp2': jax.random.normal(ks[4], (DIM, PH), jnp.float32) * s,
        'bp2': jnp.zeros((DIM,), jnp.float32),
        'Wa1': jax.random.normal(ks[5], (DIM * MULT, DIM), jnp.float32) * s,
        'ba1': jnp.zeros((DIM * MULT,), jnp.float32),
        'Wa2': jax.random.normal(ks[6], (DIM, DIM * MULT), jnp.float32) * s,
        'ba2': jnp.zeros((DIM,), jnp.float32),
    }

def reference(xyz, points, W_qkv, Wp1, bp1, Wp2, bp2, Wa1, ba1, Wa2, ba2):
    idx = _knn_idx(xyz, K)  # [B, N, K]
    grouped_xyz = _group(xyz, idx)            # [B, 3, N, K]
    rel = xyz[:, :, :, None] - grouped_xyz    # [B, 3, N, K]
    h = jnp.einsum('oi,bink->bonk', Wp1, rel) + bp1[None, :, None, None]
    h = jax.nn.relu(h)
    rpe = jnp.einsum('oi,bink->bonk', Wp2, h) + bp2[None, :, None, None]  # [B, DIM, N, K]
    qkv = jnp.einsum('oi,bin->bon', W_qkv, points)  # [B, 3*DIM, N]
    q, k_, v = jnp.split(qkv, 3, axis=1)
    qk_rel = q[:, :, :, None] - _group(k_, idx)     # [B, DIM, N, K]
    v = _group(v, idx) + rpe                        # [B, DIM, N, K]
    a = jnp.einsum('oi,bink->bonk', Wa1, qk_rel + rpe) + ba1[None, :, None, None]
    a = jax.nn.relu(a)
    sim = jnp.einsum('oi,bink->bonk', Wa2, a) + ba2[None, :, None, None]  # [B, DIM, N, K]
    attn = jax.nn.softmax(sim, axis=-1)
    agg = jnp.sum(attn * v, axis=-1)  # [B, DIM, N]
    return agg

if __name__ == "__main__":
    import jax
    _d = setup_inputs()
    print(jax.jit(kernel)(*tuple(_d.values())))

</pallas_src>

<mosaic_0001>
#map = affine_map<(d0, d1) -> (0, 0)>
#map1 = affine_map<(d0, d1) -> (0)>
module attributes {stable_mosaic.version = 14 : i64} {
  func.func @gather(%arg0: i32, %arg1: i32, %arg2: memref<4096x256xi32, #tpu.memory_space<hbm>>, %arg3: memref<65536xi32, #tpu.memory_space<hbm>>, %arg4: memref<65536x256xi32, #tpu.memory_space<hbm>>, %arg5: memref<3x128xi32, #tpu.memory_space<vmem>>, %arg6: memref<3x128x256xi32, #tpu.memory_space<vmem>>, %arg7: memref<!tpu.dma_semaphore, #tpu.memory_space<semaphore_mem>>) attributes {dimension_semantics = [#tpu.dimension_semantics<core_parallel>, #tpu.dimension_semantics<subcore_parallel>], iteration_bounds = array<i64: 2, 16>, scalar_prefetch = 0 : i64, scratch_operands = 3 : i64, tpu.core_type = #tpu.core_type<sc_vector_subcore>, window_params = [{transform_indices = #map}, {transform_indices = #map1}, {transform_indices = #map}]} {
    %mul3A = arith.constant 2 : i32
    %mul3A_0 = arith.muli %arg1, %mul3A : i32
    %add3A = arith.addi %mul3A_0, %arg0 : i32
    %mul3A_1 = arith.constant 2048 : i32
    %mul3A_2 = arith.muli %add3A, %mul3A_1 : i32
    %scan3A = arith.constant 0 : i32
    %scan3A_3 = arith.constant 0 : i32
    %scan3A_4 = arith.constant 5 : i32
    %scan3A_5 = arith.addi %scan3A_3, %scan3A_4 : i32
    %scan3A_6 = arith.constant 1 : i32
    scf.for %scan3A_35 = %scan3A_3 to %scan3A_5 step %scan3A_6  : i32 {
      %mul3A_36 = arith.constant 3 : i32
      %mul3A_37 = arith.muli %scan3A_35, %mul3A_36 : i32
      %add3A_38 = arith.constant 0 : i32
      %add3A_39 = arith.addi %mul3A_37, %add3A_38 : i32
      %mul3A_40 = arith.constant 128 : i32
      %mul3A_41 = arith.muli %add3A_39, %mul3A_40 : i32
      %add3A_42 = arith.addi %mul3A_2, %mul3A_41 : i32
      %run_scoped3A_43 = arith.constant 0 : i32
      "tpu.region"() ({
        %run_scoped3A_146 = tpu.sem_alloc : memref<!tpu.dma_semaphore, #tpu.memory_space<semaphore_mem>>
        %dma_start3A_147 = arith.constant 0 : i32
        %dma_start3A_148 = tpu.memref_slice %arg5[%run_scoped3A_43, %dma_start3A_147] : memref<3x128xi32, #tpu.memory_space<vmem>> -> memref<1x128xi32, #tpu.memory_space<vmem>>
        %dma_start3A_149 = tpu.memref_squeeze %dma_start3A_148 : memref<1x128xi32, #tpu.memory_space<vmem>> -> memref<128xi32, #tpu.memory_space<vmem>>
        %dma_start3A_150 = tpu.memref_slice %arg3[%add3A_42] : memref<65536xi32, #tpu.memory_space<hbm>> -> memref<128xi32, #tpu.memory_space<hbm>>
        %dma_start3A_151 = arith.constant 0 : i32
        %dma_start3A_152 = tpu.memref_slice %arg5[%run_scoped3A_43, %dma_start3A_151] : memref<3x128xi32, #tpu.memory_space<vmem>> -> memref<1x128xi32, #tpu.memory_space<vmem>>
        %dma_start3A_153 = tpu.memref_squeeze %dma_start3A_152 : memref<1x128xi32, #tpu.memory_space<vmem>> -> memref<128xi32, #tpu.memory_space<vmem>>
        %dma_start3A_154 = tpu.memref_slice %arg3[%add3A_42] : memref<65536xi32, #tpu.memory_space<hbm>> -> memref<128xi32, #tpu.memory_space<hbm>>
        tpu.enqueue_dma source(%dma_start3A_154 : memref<128xi32, #tpu.memory_space<hbm>>) target(%dma_start3A_153 : memref<128xi32, #tpu.memory_space<vmem>>) target_semaphore(%run_scoped3A_146 : memref<!tpu.dma_semaphore, #tpu.memory_space<semaphore_mem>>)
        %dma_wait3A_155 = arith.constant 0 : i32
        %dma_wait3A_156 = tpu.memref_slice %arg5[%run_scoped3A_43, %dma_wait3A_155] : memref<3x128xi32, #tpu.memory_space<vmem>> -> memref<1x128xi32, #tpu.memory_space<vmem>>
        %dma_wait3A_157 = tpu.memref_squeeze %dma_wait3A_156 : memref<1x128xi32, #tpu.memory_space<vmem>> -> memref<128xi32, #tpu.memory_space<vmem>>
        %dma_wait3A_158 = tpu.memref_slice %arg3[%add3A_42] : memref<65536xi32, #tpu.memory_space<hbm>> -> memref<128xi32, #tpu.memory_space<hbm>>
        %dma_wait3A_159 = arith.constant 0 : i32
        %dma_wait3A_160 = tpu.memref_slice %arg5[%run_scoped3A_43, %dma_wait3A_159] : memref<3x128xi32, #tpu.memory_space<vmem>> -> memref<1x128xi32, #tpu.memory_space<vmem>>
        %dma_wait3A_161 = tpu.memref_squeeze %dma_wait3A_160 : memref<1x128xi32, #tpu.memory_space<vmem>> -> memref<128xi32, #tpu.memory_space<vmem>>
        %dma_wait3A_162 = tpu.memref_slice %arg3[%add3A_42] : memref<65536xi32, #tpu.memory_space<hbm>> -> memref<128xi32, #tpu.memory_space<hbm>>
        tpu.wait_dma2 semaphore(%run_scoped3A_146 : memref<!tpu.dma_semaphore, #tpu.memory_space<semaphore_mem>>) src(%dma_wait3A_162 : memref<128xi32, #tpu.memory_space<hbm>>) dst(%dma_wait3A_161 : memref<128xi32, #tpu.memory_space<vmem>>)
        tpu.yield
      }) : () -> ()
      %add3A_44 = arith.constant 1 : i32
      %add3A_45 = arith.addi %mul3A_37, %add3A_44 : i32
      %mul3A_46 = arith.constant 128 : i32
      %mul3A_47 = arith.muli %add3A_45, %mul3A_46 : i32
      %add3A_48 = arith.addi %mul3A_2, %mul3A_47 : i32
      %run_scoped3A_49 = arith.constant 1 : i32
      "tpu.region"() ({
        %run_scoped3A_146 = tpu.sem_alloc : memref<!tpu.dma_semaphore, #tpu.memory_space<semaphore_mem>>
        %dma_start3A_147 = arith.constant 0 : i32
        %dma_start3A_148 = tpu.memref_slice %arg5[%run_scoped3A_49, %dma_start3A_147] : memref<3x128xi32, #tpu.memory_space<vmem>> -> memref<1x128xi32, #tpu.memory_space<vmem>>
        %dma_start3A_149 = tpu.memref_squeeze %dma_start3A_148 : memref<1x128xi32, #tpu.memory_space<vmem>> -> memref<128xi32, #tpu.memory_space<vmem>>
        %dma_start3A_150 = tpu.memref_slice %arg3[%add3A_48] : memref<65536xi32, #tpu.memory_space<hbm>> -> memref<128xi32, #tpu.memory_space<hbm>>
        %dma_start3A_151 = arith.constant 0 : i32
        %dma_start3A_152 = tpu.memref_slice %arg5[%run_scoped3A_49, %dma_start3A_151] : memref<3x128xi32, #tpu.memory_space<vmem>> -> memref<1x128xi32, #tpu.memory_space<vmem>>
        %dma_start3A_153 = tpu.memref_squeeze %dma_start3A_152 : memref<1x128xi32, #tpu.memory_space<vmem>> -> memref<128xi32, #tpu.memory_space<vmem>>
        %dma_start3A_154 = tpu.memref_slice %arg3[%add3A_48] : memref<65536xi32, #tpu.memory_space<hbm>> -> memref<128xi32, #tpu.memory_space<hbm>>
        tpu.enqueue_dma source(%dma_start3A_154 : memref<128xi32, #tpu.memory_space<hbm>>) target(%dma_start3A_153 : memref<128xi32, #tpu.memory_space<vmem>>) target_semaphore(%run_scoped3A_146 : memref<!tpu.dma_semaphore, #tpu.memory_space<semaphore_mem>>)
        %dma_wait3A_155 = arith.constant 0 : i32
        %dma_wait3A_156 = tpu.memref_slice %arg5[%run_scoped3A_49, %dma_wait3A_155] : memref<3x128xi32, #tpu.memory_space<vmem>> -> memref<1x128xi32, #tpu.memory_space<vmem>>
        %dma_wait3A_157 = tpu.memref_squeeze %dma_wait3A_156 : memref<1x128xi32, #tpu.memory_space<vmem>> -> memref<128xi32, #tpu.memory_space<vmem>>
        %dma_wait3A_158 = tpu.memref_slice %arg3[%add3A_48] : memref<65536xi32, #tpu.memory_space<hbm>> -> memref<128xi32, #tpu.memory_space<hbm>>
        %dma_wait3A_159 = arith.constant 0 : i32
        %dma_wait3A_160 = tpu.memref_slice %arg5[%run_scoped3A_49, %dma_wait3A_159] : memref<3x128xi32, #tpu.memory_space<vmem>> -> memref<1x128xi32, #tpu.memory_space<vmem>>
        %dma_wait3A_161 = tpu.memref_squeeze %dma_wait3A_160 : memref<1x128xi32, #tpu.memory_space<vmem>> -> memref<128xi32, #tpu.memory_space<vmem>>
        %dma_wait3A_162 = tpu.memref_slice %arg3[%add3A_48] : memref<65536xi32, #tpu.memory_space<hbm>> -> memref<128xi32, #tpu.memory_space<hbm>>
        tpu.wait_dma2 semaphore(%run_scoped3A_146 : memref<!tpu.dma_semaphore, #tpu.memory_space<semaphore_mem>>) src(%dma_wait3A_162 : memref<128xi32, #tpu.memory_space<hbm>>) dst(%dma_wait3A_161 : memref<128xi32, #tpu.memory_space<vmem>>)
        tpu.yield
      }) : () -> ()
      %add3A_50 = arith.constant 2 : i32
      %add3A_51 = arith.addi %mul3A_37, %add3A_50 : i32
      %mul3A_52 = arith.constant 128 : i32
      %mul3A_53 = arith.muli %add3A_51, %mul3A_52 : i32
      %add3A_54 = arith.addi %mul3A_2, %mul3A_53 : i32
      %run_scoped3A_55 = arith.constant 2 : i32
      "tpu.region"() ({
        %run_scoped3A_146 = tpu.sem_alloc : memref<!tpu.dma_semaphore, #tpu.memory_space<semaphore_mem>>
        %dma_start3A_147 = arith.constant 0 : i32
        %dma_start3A_148 = tpu.memref_slice %arg5[%run_scoped3A_55, %dma_start3A_147] : memref<3x128xi32, #tpu.memory_space<vmem>> -> memref<1x128xi32, #tpu.memory_space<vmem>>
        %dma_start3A_149 = tpu.memref_squeeze %dma_start3A_148 : memref<1x128xi32, #tpu.memory_space<vmem>> -> memref<128xi32, #tpu.memory_space<vmem>>
        %dma_start3A_150 = tpu.memref_slice %arg3[%add3A_54] : memref<65536xi32, #tpu.memory_space<hbm>> -> memref<128xi32, #tpu.memory_space<hbm>>
        %dma_start3A_151 = arith.constant 0 : i32
        %dma_start3A_152 = tpu.memref_slice %arg5[%run_scoped3A_55, %dma_start3A_151] : memref<3x128xi32, #tpu.memory_space<vmem>> -> memref<1x128xi32, #tpu.memory_space<vmem>>
        %dma_start3A_153 = tpu.memref_squeeze %dma_start3A_152 : memref<1x128xi32, #tpu.memory_space<vmem>> -> memref<128xi32, #tpu.memory_space<vmem>>
        %dma_start3A_154 = tpu.memref_slice %arg3[%add3A_54] : memref<65536xi32, #tpu.memory_space<hbm>> -> memref<128xi32, #tpu.memory_space<hbm>>
        tpu.enqueue_dma source(%dma_start3A_154 : memref<128xi32, #tpu.memory_space<hbm>>) target(%dma_start3A_153 : memref<128xi32, #tpu.memory_space<vmem>>) target_semaphore(%run_scoped3A_146 : memref<!tpu.dma_semaphore, #tpu.memory_space<semaphore_mem>>)
        %dma_wait3A_155 = arith.constant 0 : i32
        %dma_wait3A_156 = tpu.memref_slice %arg5[%run_scoped3A_55, %dma_wait3A_155] : memref<3x128xi32, #tpu.memory_space<vmem>> -> memref<1x128xi32, #tpu.memory_space<vmem>>
        %dma_wait3A_157 = tpu.memref_squeeze %dma_wait3A_156 : memref<1x128xi32, #tpu.memory_space<vmem>> -> memref<128xi32, #tpu.memory_space<vmem>>
        %dma_wait3A_158 = tpu.memref_slice %arg3[%add3A_54] : memref<65536xi32, #tpu.memory_space<hbm>> -> memref<128xi32, #tpu.memory_space<hbm>>
        %dma_wait3A_159 = arith.constant 0 : i32
        %dma_wait3A_160 = tpu.memref_slice %arg5[%run_scoped3A_55, %dma_wait3A_159] : memref<3x128xi32, #tpu.memory_space<vmem>> -> memref<1x128xi32, #tpu.memory_space<vmem>>
        %dma_wait3A_161 = tpu.memref_squeeze %dma_wait3A_160 : memref<1x128xi32, #tpu.memory_space<vmem>> -> memref<128xi32, #tpu.memory_space<vmem>>
        %dma_wait3A_162 = tpu.memref_slice %arg3[%add3A_54] : memref<65536xi32, #tpu.memory_space<hbm>> -> memref<128xi32, #tpu.memory_space<hbm>>
        tpu.wait_dma2 semaphore(%run_scoped3A_146 : memref<!tpu.dma_semaphore, #tpu.memory_space<semaphore_mem>>) src(%dma_wait3A_162 : memref<128xi32, #tpu.memory_space<hbm>>) dst(%dma_wait3A_161 : memref<128xi32, #tpu.memory_space<vmem>>)
        tpu.yield
      }) : () -> ()
      %dma_start3A_56 = arith.constant 0 : i32
      %dma_start3A_57 = arith.constant 0 : i32
      %dma_start3A_58 = arith.constant 0 : i32
      %dma_start3A_59 = arith.constant 0 : i32
      %dma_start3A_60 = tpu.memref_slice %arg6[%dma_start3A_57, %dma_start3A_58, %dma_start3A_59] : memref<3x128x256xi32, #tpu.memory_space<vmem>> -> memref<1x128x256xi32, #tpu.memory_space<vmem>>
      %dma_start3A_61 = tpu.memref_squeeze %dma_start3A_60 : memref<1x128x256xi32, #tpu.memory_space<vmem>> -> memref<128x256xi32, #tpu.memory_space<vmem>>
      %dma_start3A_62 = arith.constant 0 : i32
      %dma_start3A_63 = tpu.memref_slice %arg5[%dma_start3A_56, %dma_start3A_62] : memref<3x128xi32, #tpu.memory_space<vmem>> -> memref<1x128xi32, #tpu.memory_space<vmem>>
      %dma_start3A_64 = tpu.memref_squeeze %dma_start3A_63 : memref<1x128xi32, #tpu.memory_space<vmem>> -> memref<128xi32, #tpu.memory_space<vmem>>
      %dma_start3A_65 = arith.constant 0 : i32
      %dma_start3A_66 = arith.constant 0 : i32
      %dma_start3A_67 = tpu.memref_slice %arg2[%dma_start3A_65, %dma_start3A_66] : memref<4096x256xi32, #tpu.memory_space<hbm>> -> memref<4096x256xi32, #tpu.memory_space<hbm>>
      tpu.enqueue_indirect_dma source(%dma_start3A_67 : memref<4096x256xi32, #tpu.memory_space<hbm>>) target(%dma_start3A_61 : memref<128x256xi32, #tpu.memory_space<vmem>>) offsets(%dma_start3A_64 : memref<128xi32, #tpu.memory_space<vmem>>) semaphore(%arg7 : memref<!tpu.dma_semaphore, #tpu.memory_space<semaphore_mem>>)
      %dma_start3A_68 = arith.constant 1 : i32
      %dma_start3A_69 = arith.constant 1 : i32
      %dma_start3A_70 = arith.constant 0 : i32
      %dma_start3A_71 = arith.constant 0 : i32
      %dma_start3A_72 = tpu.memref_slice %arg6[%dma_start3A_69, %dma_start3A_70, %dma_start3A_71] : memref<3x128x256xi32, #tpu.memory_space<vmem>> -> memref<1x128x256xi32, #tpu.memory_space<vmem>>
      %dma_start3A_73 = tpu.memref_squeeze %dma_start3A_72 : memref<1x128x256xi32, #tpu.memory_space<vmem>> -> memref<128x256xi32, #tpu.memory_space<vmem>>
      %dma_start3A_74 = arith.constant 0 : i32
      %dma_start3A_75 = tpu.memref_slice %arg5[%dma_start3A_68, %dma_start3A_74] : memref<3x128xi32, #tpu.memory_space<vmem>> -> memref<1x128xi32, #tpu.memory_space<vmem>>
      %dma_start3A_76 = tpu.memref_squeeze %dma_start3A_75 : memref<1x128xi32, #tpu.memory_space<vmem>> -> memref<128xi32, #tpu.memory_space<vmem>>
      %dma_start3A_77 = arith.constant 0 : i32
      %dma_start3A_78 = arith.constant 0 : i32
      %dma_start3A_79 = tpu.memref_slice %arg2[%dma_start3A_77, %dma_start3A_78] : memref<4096x256xi32, #tpu.memory_space<hbm>> -> memref<4096x256xi32, #tpu.memory_space<hbm>>
      tpu.enqueue_indirect_dma source(%dma_start3A_79 : memref<4096x256xi32, #tpu.memory_space<hbm>>) target(%dma_start3A_73 : memref<128x256xi32, #tpu.memory_space<vmem>>) offsets(%dma_start3A_76 : memref<128xi32, #tpu.memory_space<vmem>>) semaphore(%arg7 : memref<!tpu.dma_semaphore, #tpu.memory_space<semaphore_mem>>)
      %dma_start3A_80 = arith.constant 2 : i32
      %dma_start3A_81 = arith.constant 2 : i32
      %dma_start3A_82 = arith.constant 0 : i32
      %dma_start3A_83 = arith.constant 0 : i32
      %dma_start3A_84 = tpu.memref_slice %arg6[%dma_start3A_81, %dma_start3A_82, %dma_start3A_83] : memref<3x128x256xi32, #tpu.memory_space<vmem>> -> memref<1x128x256xi32, #tpu.memory_space<vmem>>
      %dma_start3A_85 = tpu.memref_squeeze %dma_start3A_84 : memref<1x128x256xi32, #tpu.memory_space<vmem>> -> memref<128x256xi32, #tpu.memory_space<vmem>>
      %dma_start3A_86 = arith.constant 0 : i32
      %dma_start3A_87 = tpu.memref_slice %arg5[%dma_start3A_80, %dma_start3A_86] : memref<3x128xi32, #tpu.memory_space<vmem>> -> memref<1x128xi32, #tpu.memory_space<vmem>>
      %dma_start3A_88 = tpu.memref_squeeze %dma_start3A_87 : memref<1x128xi32, #tpu.memory_space<vmem>> -> memref<128xi32, #tpu.memory_space<vmem>>
      %dma_start3A_89 = arith.constant 0 : i32
      %dma_start3A_90 = arith.constant 0 : i32
      %dma_start3A_91 = tpu.memref_slice %arg2[%dma_start3A_89, %dma_start3A_90] : memref<4096x256xi32, #tpu.memory_space<hbm>> -> memref<4096x256xi32, #tpu.memory_space<hbm>>
      tpu.enqueue_indirect_dma source(%dma_start3A_91 : memref<4096x256xi32, #tpu.memory_space<hbm>>) target(%dma_start3A_85 : memref<128x256xi32, #tpu.memory_space<vmem>>) offsets(%dma_start3A_88 : memref<128xi32, #tpu.memory_space<vmem>>) semaphore(%arg7 : memref<!tpu.dma_semaphore, #tpu.memory_space<semaphore_mem>>)
      %dma_wait3A_92 = arith.constant 0 : i32
      %dma_wait3A_93 = arith.constant 0 : i32
      %dma_wait3A_94 = arith.constant 0 : i32
      %dma_wait3A_95 = arith.constant 0 : i32
      %dma_wait3A_96 = tpu.memref_slice %arg6[%dma_wait3A_93, %dma_wait3A_94, %dma_wait3A_95] : memref<3x128x256xi32, #tpu.memory_space<vmem>> -> memref<1x128x256xi32, #tpu.memory_space<vmem>>
      %dma_wait3A_97 = tpu.memref_squeeze %dma_wait3A_96 : memref<1x128x256xi32, #tpu.memory_space<vmem>> -> memref<128x256xi32, #tpu.memory_space<vmem>>
      %dma_wait3A_98 = arith.constant 0 : i32
      %dma_wait3A_99 = tpu.memref_slice %arg5[%dma_wait3A_92, %dma_wait3A_98] : memref<3x128xi32, #tpu.memory_space<vmem>> -> memref<1x128xi32, #tpu.memory_space<vmem>>
      %dma_wait3A_100 = tpu.memref_squeeze %dma_wait3A_99 : memref<1x128xi32, #tpu.memory_space<vmem>> -> memref<128xi32, #tpu.memory_space<vmem>>
      %dma_wait3A_101 = arith.constant 0 : i32
      %dma_wait3A_102 = arith.constant 0 : i32
      %dma_wait3A_103 = tpu.memref_slice %arg2[%dma_wait3A_101, %dma_wait3A_102] : memref<4096x256xi32, #tpu.memory_space<hbm>> -> memref<4096x256xi32, #tpu.memory_space<hbm>>
      tpu.wait_indirect_dma semaphore(%arg7 : memref<!tpu.dma_semaphore, #tpu.memory_space<semaphore_mem>>) src(%dma_wait3A_103 : memref<4096x256xi32, #tpu.memory_space<hbm>>) dst(%dma_wait3A_97 : memref<128x256xi32, #tpu.memory_space<vmem>>)
      %add3A_104 = arith.constant 0 : i32
      %add3A_105 = arith.addi %mul3A_37, %add3A_104 : i32
      %mul3A_106 = arith.constant 128 : i32
      %mul3A_107 = arith.muli %add3A_105, %mul3A_106 : i32
      %add3A_108 = arith.addi %mul3A_2, %mul3A_107 : i32
      %run_scoped3A_109 = arith.constant 0 : i32
      "tpu.region"() ({
        %run_scoped3A_146 = tpu.sem_alloc : memref<!tpu.dma_semaphore, #tpu.memory_space<semaphore_mem>>
        %dma_start3A_147 = arith.constant 0 : i32
        %dma_start3A_148 = arith.constant 0 : i32
        %dma_start3A_149 = tpu.memref_slice %arg6[%run_scoped3A_109, %dma_start3A_147, %dma_start3A_148] : memref<3x128x256xi32, #tpu.memory_space<vmem>> -> memref<1x128x256xi32, #tpu.memory_space<vmem>>
        %dma_start3A_150 = tpu.memref_squeeze %dma_start3A_149 : memref<1x128x256xi32, #tpu.memory_space<vmem>> -> memref<128x256xi32, #tpu.memory_space<vmem>>
        %dma_start3A_151 = arith.constant 0 : i32
        %dma_start3A_152 = tpu.memref_slice %arg4[%add3A_108, %dma_start3A_151] : memref<65536x256xi32, #tpu.memory_space<hbm>> -> memref<128x256xi32, #tpu.memory_space<hbm>>
        %dma_start3A_153 = arith.constant 0 : i32
        %dma_start3A_154 = tpu.memref_slice %arg4[%add3A_108, %dma_start3A_153] : memref<65536x256xi32, #tpu.memory_space<hbm>> -> memref<128x256xi32, #tpu.memory_space<hbm>>
        %dma_start3A_155 = arith.constant 0 : i32
        %dma_start3A_156 = arith.constant 0 : i32
        %dma_start3A_157 = tpu.memref_slice %arg6[%run_scoped3A_109, %dma_start3A_155, %dma_start3A_156] : memref<3x128x256xi32, #tpu.memory_space<vmem>> -> memref<1x128x256xi32, #tpu.memory_space<vmem>>
        %dma_start3A_158 = tpu.memref_squeeze %dma_start3A_157 : memref<1x128x256xi32, #tpu.memory_space<vmem>> -> memref<128x256xi32, #tpu.memory_space<vmem>>
        tpu.enqueue_dma source(%dma_start3A_158 : memref<128x256xi32, #tpu.memory_space<vmem>>) target(%dma_start3A_154 : memref<128x256xi32, #tpu.memory_space<hbm>>) target_semaphore(%run_scoped3A_146 : memref<!tpu.dma_semaphore, #tpu.memory_space<semaphore_mem>>)
        %dma_wait3A_159 = arith.constant 0 : i32
        %dma_wait3A_160 = arith.constant 0 : i32
        %dma_wait3A_161 = tpu.memref_slice %arg6[%run_scoped3A_109, %dma_wait3A_159, %dma_wait3A_160] : memref<3x128x256xi32, #tpu.memory_space<vmem>> -> memref<1x128x256xi32, #tpu.memory_space<vmem>>
        %dma_wait3A_162 = tpu.memref_squeeze %dma_wait3A_161 : memref<1x128x256xi32, #tpu.memory_space<vmem>> -> memref<128x256xi32, #tpu.memory_space<vmem>>
        %dma_wait3A_163 = arith.constant 0 : i32
        %dma_wait3A_164 = tpu.memref_slice %arg4[%add3A_108, %dma_wait3A_163] : memref<65536x256xi32, #tpu.memory_space<hbm>> -> memref<128x256xi32, #tpu.memory_space<hbm>>
        %dma_wait3A_165 = arith.constant 0 : i32
        %dma_wait3A_166 = tpu.memref_slice %arg4[%add3A_108, %dma_wait3A_165] : memref<65536x256xi32, #tpu.memory_space<hbm>> -> memref<128x256xi32, #tpu.memory_space<hbm>>
        %dma_wait3A_167 = arith.constant 0 : i32
        %dma_wait3A_168 = arith.constant 0 : i32
        %dma_wait3A_169 = tpu.memref_slice %arg6[%run_scoped3A_109, %dma_wait3A_167, %dma_wait3A_168] : memref<3x128x256xi32, #tpu.memory_space<vmem>> -> memref<1x128x256xi32, #tpu.memory_space<vmem>>
        %dma_wait3A_170 = tpu.memref_squeeze %dma_wait3A_169 : memref<1x128x256xi32, #tpu.memory_space<vmem>> -> memref<128x256xi32, #tpu.memory_space<vmem>>
        tpu.wait_dma2 semaphore(%run_scoped3A_146 : memref<!tpu.dma_semaphore, #tpu.memory_space<semaphore_mem>>) src(%dma_wait3A_170 : memref<128x256xi32, #tpu.memory_space<vmem>>) dst(%dma_wait3A_166 : memref<128x256xi32, #tpu.memory_space<hbm>>)
        tpu.yield
      }) : () -> ()
      %dma_wait3A_110 = arith.constant 1 : i32
      %dma_wait3A_111 = arith.constant 1 : i32
      %dma_wait3A_112 = arith.constant 0 : i32
      %dma_wait3A_113 = arith.constant 0 : i32
      %dma_wait3A_114 = tpu.memref_slice %arg6[%dma_wait3A_111, %dma_wait3A_112, %dma_wait3A_113] : memref<3x128x256xi32, #tpu.memory_space<vmem>> -> memref<1x128x256xi32, #tpu.memory_space<vmem>>
      %dma_wait3A_115 = tpu.memref_squeeze %dma_wait3A_114 : memref<1x128x256xi32, #tpu.memory_space<vmem>> -> memref<128x256xi32, #tpu.memory_space<vmem>>
      %dma_wait3A_116 = arith.constant 0 : i32
      %dma_wait3A_117 = tpu.memref_slice %arg5[%dma_wait3A_110, %dma_wait3A_116] : memref<3x128xi32, #tpu.memory_space<vmem>> -> memref<1x128xi32, #tpu.memory_space<vmem>>
      %dma_wait3A_118 = tpu.memref_squeeze %dma_wait3A_117 : memref<1x128xi32, #tpu.memory_space<vmem>> -> memref<128xi32, #tpu.memory_space<vmem>>
      %dma_wait3A_119 = arith.constant 0 : i32
      %dma_wait3A_120 = arith.constant 0 : i32
      %dma_wait3A_121 = tpu.memref_slice %arg2[%dma_wait3A_119, %dma_wait3A_120] : memref<4096x256xi32, #tpu.memory_space<hbm>> -> memref<4096x256xi32, #tpu.memory_space<hbm>>
      tpu.wait_indirect_dma semaphore(%arg7 : memref<!tpu.dma_semaphore, #tpu.memory_space<semaphore_mem>>) src(%dma_wait3A_121 : memref<4096x256xi32, #tpu.memory_space<hbm>>) dst(%dma_wait3A_115 : memref<128x256xi32, #tpu.memory_space<vmem>>)
      %add3A_122 = arith.constant 1 : i32
      %add3A_123 = arith.addi %mul3A_37, %add3A_122 : i32
      %mul3A_124 = arith.constant 128 : i32
      %mul3A_125 = arith.muli %add3A_123, %mul3A_124 : i32
      %add3A_126 = arith.addi %mul3A_2, %mul3A_125 : i32
      %run_scoped3A_127 = arith.constant 1 : i32
      "tpu.region"() ({
        %run_scoped3A_146 = tpu.sem_alloc : memref<!tpu.dma_semaphore, #tpu.memory_space<semaphore_mem>>
        %dma_start3A_147 = arith.constant 0 : i32
        %dma_start3A_148 = arith.constant 0 : i32
        %dma_start3A_149 = tpu.memref_slice %arg6[%run_scoped3A_127, %dma_start3A_147, %dma_start3A_148] : memref<3x128x256xi32, #tpu.memory_space<vmem>> -> memref<1x128x256xi32, #tpu.memory_space<vmem>>
        %dma_start3A_150 = tpu.memref_squeeze %dma_start3A_149 : memref<1x128x256xi32, #tpu.memory_space<vmem>> -> memref<128x256xi32, #tpu.memory_space<vmem>>
        %dma_start3A_151 = arith.constant 0 : i32
        %dma_start3A_152 = tpu.memref_slice %arg4[%add3A_126, %dma_start3A_151] : memref<65536x256xi32, #tpu.memory_space<hbm>> -> memref<128x256xi32, #tpu.memory_space<hbm>>
        %dma_start3A_153 = arith.constant 0 : i32
        %dma_start3A_154 = tpu.memref_slice %arg4[%add3A_126, %dma_start3A_153] : memref<65536x256xi32, #tpu.memory_space<hbm>> -> memref<128x256xi32, #tpu.memory_space<hbm>>
        %dma_start3A_155 = arith.constant 0 : i32
        %dma_start3A_156 = arith.constant 0 : i32
        %dma_start3A_157 = tpu.memref_slice %arg6[%run_scoped3A_127, %dma_start3A_155, %dma_start3A_156] : memref<3x128x256xi32, #tpu.memory_space<vmem>> -> memref<1x128x256xi32, #tpu.memory_space<vmem>>
        %dma_start3A_158 = tpu.memref_squeeze %dma_start3A_157 : memref<1x128x256xi32, #tpu.memory_space<vmem>> -> memref<128x256xi32, #tpu.memory_space<vmem>>
        tpu.enqueue_dma source(%dma_start3A_158 : memref<128x256xi32, #tpu.memory_space<vmem>>) target(%dma_start3A_154 : memref<128x256xi32, #tpu.memory_space<hbm>>) target_semaphore(%run_scoped3A_146 : memref<!tpu.dma_semaphore, #tpu.memory_space<semaphore_mem>>)
        %dma_wait3A_159 = arith.constant 0 : i32
        %dma_wait3A_160 = arith.constant 0 : i32
        %dma_wait3A_161 = tpu.memref_slice %arg6[%run_scoped3A_127, %dma_wait3A_159, %dma_wait3A_160] : memref<3x128x256xi32, #tpu.memory_space<vmem>> -> memref<1x128x256xi32, #tpu.memory_space<vmem>>
        %dma_wait3A_162 = tpu.memref_squeeze %dma_wait3A_161 : memref<1x128x256xi32, #tpu.memory_space<vmem>> -> memref<128x256xi32, #tpu.memory_space<vmem>>
        %dma_wait3A_163 = arith.constant 0 : i32
        %dma_wait3A_164 = tpu.memref_slice %arg4[%add3A_126, %dma_wait3A_163] : memref<65536x256xi32, #tpu.memory_space<hbm>> -> memref<128x256xi32, #tpu.memory_space<hbm>>
        %dma_wait3A_165 = arith.constant 0 : i32
        %dma_wait3A_166 = tpu.memref_slice %arg4[%add3A_126, %dma_wait3A_165] : memref<65536x256xi32, #tpu.memory_space<hbm>> -> memref<128x256xi32, #tpu.memory_space<hbm>>
        %dma_wait3A_167 = arith.constant 0 : i32
        %dma_wait3A_168 = arith.constant 0 : i32
        %dma_wait3A_169 = tpu.memref_slice %arg6[%run_scoped3A_127, %dma_wait3A_167, %dma_wait3A_168] : memref<3x128x256xi32, #tpu.memory_space<vmem>> -> memref<1x128x256xi32, #tpu.memory_space<vmem>>
        %dma_wait3A_170 = tpu.memref_squeeze %dma_wait3A_169 : memref<1x128x256xi32, #tpu.memory_space<vmem>> -> memref<128x256xi32, #tpu.memory_space<vmem>>
        tpu.wait_dma2 semaphore(%run_scoped3A_146 : memref<!tpu.dma_semaphore, #tpu.memory_space<semaphore_mem>>) src(%dma_wait3A_170 : memref<128x256xi32, #tpu.memory_space<vmem>>) dst(%dma_wait3A_166 : memref<128x256xi32, #tpu.memory_space<hbm>>)
        tpu.yield
      }) : () -> ()
      %dma_wait3A_128 = arith.constant 2 : i32
      %dma_wait3A_129 = arith.constant 2 : i32
      %dma_wait3A_130 = arith.constant 0 : i32
      %dma_wait3A_131 = arith.constant 0 : i32
      %dma_wait3A_132 = tpu.memref_slice %arg6[%dma_wait3A_129, %dma_wait3A_130, %dma_wait3A_131] : memref<3x128x256xi32, #tpu.memory_space<vmem>> -> memref<1x128x256xi32, #tpu.memory_space<vmem>>
      %dma_wait3A_133 = tpu.memref_squeeze %dma_wait3A_132 : memref<1x128x256xi32, #tpu.memory_space<vmem>> -> memref<128x256xi32, #tpu.memory_space<vmem>>
      %dma_wait3A_134 = arith.constant 0 : i32
      %dma_wait3A_135 = tpu.memref_slice %arg5[%dma_wait3A_128, %dma_wait3A_134] : memref<3x128xi32, #tpu.memory_space<vmem>> -> memref<1x128xi32, #tpu.memory_space<vmem>>
      %dma_wait3A_136 = tpu.memref_squeeze %dma_wait3A_135 : memref<1x128xi32, #tpu.memory_space<vmem>> -> memref<128xi32, #tpu.memory_space<vmem>>
      %dma_wait3A_137 = arith.constant 0 : i32
      %dma_wait3A_138 = arith.constant 0 : i32
      %dma_wait3A_139 = tpu.memref_slice %arg2[%dma_wait3A_137, %dma_wait3A_138] : memref<4096x256xi32, #tpu.memory_space<hbm>> -> memref<4096x256xi32, #tpu.memory_space<hbm>>
      tpu.wait_indirect_dma semaphore(%arg7 : memref<!tpu.dma_semaphore, #tpu.memory_space<semaphore_mem>>) src(%dma_wait3A_139 : memref<4096x256xi32, #tpu.memory_space<hbm>>) dst(%dma_wait3A_133 : memref<128x256xi32, #tpu.memory_space<vmem>>)
      %add3A_140 = arith.constant 2 : i32
      %add3A_141 = arith.addi %mul3A_37, %add3A_140 : i32
      %mul3A_142 = arith.constant 128 : i32
      %mul3A_143 = arith.muli %add3A_141, %mul3A_142 : i32
      %add3A_144 = arith.addi %mul3A_2, %mul3A_143 : i32
      %run_scoped3A_145 = arith.constant 2 : i32
      "tpu.region"() ({
        %run_scoped3A_146 = tpu.sem_alloc : memref<!tpu.dma_semaphore, #tpu.memory_space<semaphore_mem>>
        %dma_start3A_147 = arith.constant 0 : i32
        %dma_start3A_148 = arith.constant 0 : i32
        %dma_start3A_149 = tpu.memref_slice %arg6[%run_scoped3A_145, %dma_start3A_147, %dma_start3A_148] : memref<3x128x256xi32, #tpu.memory_space<vmem>> -> memref<1x128x256xi32, #tpu.memory_space<vmem>>
        %dma_start3A_150 = tpu.memref_squeeze %dma_start3A_149 : memref<1x128x256xi32, #tpu.memory_space<vmem>> -> memref<128x256xi32, #tpu.memory_space<vmem>>
        %dma_start3A_151 = arith.constant 0 : i32
        %dma_start3A_152 = tpu.memref_slice %arg4[%add3A_144, %dma_start3A_151] : memref<65536x256xi32, #tpu.memory_space<hbm>> -> memref<128x256xi32, #tpu.memory_space<hbm>>
        %dma_start3A_153 = arith.constant 0 : i32
        %dma_start3A_154 = tpu.memref_slice %arg4[%add3A_144, %dma_start3A_153] : memref<65536x256xi32, #tpu.memory_space<hbm>> -> memref<128x256xi32, #tpu.memory_space<hbm>>
        %dma_start3A_155 = arith.constant 0 : i32
        %dma_start3A_156 = arith.constant 0 : i32
        %dma_start3A_157 = tpu.memref_slice %arg6[%run_scoped3A_145, %dma_start3A_155, %dma_start3A_156] : memref<3x128x256xi32, #tpu.memory_space<vmem>> -> memref<1x128x256xi32, #tpu.memory_space<vmem>>
        %dma_start3A_158 = tpu.memref_squeeze %dma_start3A_157 : memref<1x128x256xi32, #tpu.memory_space<vmem>> -> memref<128x256xi32, #tpu.memory_space<vmem>>
        tpu.enqueue_dma source(%dma_start3A_158 : memref<128x256xi32, #tpu.memory_space<vmem>>) target(%dma_start3A_154 : memref<128x256xi32, #tpu.memory_space<hbm>>) target_semaphore(%run_scoped3A_146 : memref<!tpu.dma_semaphore, #tpu.memory_space<semaphore_mem>>)
        %dma_wait3A_159 = arith.constant 0 : i32
        %dma_wait3A_160 = arith.constant 0 : i32
        %dma_wait3A_161 = tpu.memref_slice %arg6[%run_scoped3A_145, %dma_wait3A_159, %dma_wait3A_160] : memref<3x128x256xi32, #tpu.memory_space<vmem>> -> memref<1x128x256xi32, #tpu.memory_space<vmem>>
        %dma_wait3A_162 = tpu.memref_squeeze %dma_wait3A_161 : memref<1x128x256xi32, #tpu.memory_space<vmem>> -> memref<128x256xi32, #tpu.memory_space<vmem>>
        %dma_wait3A_163 = arith.constant 0 : i32
        %dma_wait3A_164 = tpu.memref_slice %arg4[%add3A_144, %dma_wait3A_163] : memref<65536x256xi32, #tpu.memory_space<hbm>> -> memref<128x256xi32, #tpu.memory_space<hbm>>
        %dma_wait3A_165 = arith.constant 0 : i32
        %dma_wait3A_166 = tpu.memref_slice %arg4[%add3A_144, %dma_wait3A_165] : memref<65536x256xi32, #tpu.memory_space<hbm>> -> memref<128x256xi32, #tpu.memory_space<hbm>>
        %dma_wait3A_167 = arith.constant 0 : i32
        %dma_wait3A_168 = arith.constant 0 : i32
        %dma_wait3A_169 = tpu.memref_slice %arg6[%run_scoped3A_145, %dma_wait3A_167, %dma_wait3A_168] : memref<3x128x256xi32, #tpu.memory_space<vmem>> -> memref<1x128x256xi32, #tpu.memory_space<vmem>>
        %dma_wait3A_170 = tpu.memref_squeeze %dma_wait3A_169 : memref<1x128x256xi32, #tpu.memory_space<vmem>> -> memref<128x256xi32, #tpu.memory_space<vmem>>
        tpu.wait_dma2 semaphore(%run_scoped3A_146 : memref<!tpu.dma_semaphore, #tpu.memory_space<semaphore_mem>>) src(%dma_wait3A_170 : memref<128x256xi32, #tpu.memory_space<vmem>>) dst(%dma_wait3A_166 : memref<128x256xi32, #tpu.memory_space<hbm>>)
        tpu.yield
      }) : () -> ()
    }
    %scan3A_7 = arith.constant 5 : i32
    %add3A_8 = arith.constant 1920 : i32
    %add3A_9 = arith.addi %mul3A_2, %add3A_8 : i32
    %run_scoped3A = arith.constant 0 : i32
    "tpu.region"() ({
      %run_scoped3A_35 = tpu.sem_alloc : memref<!tpu.dma_semaphore, #tpu.memory_space<semaphore_mem>>
      %dma_start3A_36 = arith.constant 0 : i32
      %dma_start3A_37 = tpu.memref_slice %arg5[%run_scoped3A, %dma_start3A_36] : memref<3x128xi32, #tpu.memory_space<vmem>> -> memref<1x128xi32, #tpu.memory_space<vmem>>
      %dma_start3A_38 = tpu.memref_squeeze %dma_start3A_37 : memref<1x128xi32, #tpu.memory_space<vmem>> -> memref<128xi32, #tpu.memory_space<vmem>>
      %dma_start3A_39 = tpu.memref_slice %arg3[%add3A_9] : memref<65536xi32, #tpu.memory_space<hbm>> -> memref<128xi32, #tpu.memory_space<hbm>>
      %dma_start3A_40 = arith.constant 0 : i32
      %dma_start3A_41 = tpu.memref_slice %arg5[%run_scoped3A, %dma_start3A_40] : memref<3x128xi32, #tpu.memory_space<vmem>> -> memref<1x128xi32, #tpu.memory_space<vmem>>
      %dma_start3A_42 = tpu.memref_squeeze %dma_start3A_41 : memref<1x128xi32, #tpu.memory_space<vmem>> -> memref<128xi32, #tpu.memory_space<vmem>>
      %dma_start3A_43 = tpu.memref_slice %arg3[%add3A_9] : memref<65536xi32, #tpu.memory_space<hbm>> -> memref<128xi32, #tpu.memory_space<hbm>>
      tpu.enqueue_dma source(%dma_start3A_43 : memref<128xi32, #tpu.memory_space<hbm>>) target(%dma_start3A_42 : memref<128xi32, #tpu.memory_space<vmem>>) target_semaphore(%run_scoped3A_35 : memref<!tpu.dma_semaphore, #tpu.memory_space<semaphore_mem>>)
      %dma_wait3A_44 = arith.constant 0 : i32
      %dma_wait3A_45 = tpu.memref_slice %arg5[%run_scoped3A, %dma_wait3A_44] : memref<3x128xi32, #tpu.memory_space<vmem>> -> memref<1x128xi32, #tpu.memory_space<vmem>>
      %dma_wait3A_46 = tpu.memref_squeeze %dma_wait3A_45 : memref<1x128xi32, #tpu.memory_space<vmem>> -> memref<128xi32, #tpu.memory_space<vmem>>
      %dma_wait3A_47 = tpu.memref_slice %arg3[%add3A_9] : memref<65536xi32, #tpu.memory_space<hbm>> -> memref<128xi32, #tpu.memory_space<hbm>>
      %dma_wait3A_48 = arith.constant 0 : i32
      %dma_wait3A_49 = tpu.memref_slice %arg5[%run_scoped3A, %dma_wait3A_48] : memref<3x128xi32, #tpu.memory_space<vmem>> -> memref<1x128xi32, #tpu.memory_space<vmem>>
      %dma_wait3A_50 = tpu.memref_squeeze %dma_wait3A_49 : memref<1x128xi32, #tpu.memory_space<vmem>> -> memref<128xi32, #tpu.memory_space<vmem>>
      %dma_wait3A_51 = tpu.memref_slice %arg3[%add3A_9] : memref<65536xi32, #tpu.memory_space<hbm>> -> memref<128xi32, #tpu.memory_space<hbm>>
      tpu.wait_dma2 semaphore(%run_scoped3A_35 : memref<!tpu.dma_semaphore, #tpu.memory_space<semaphore_mem>>) src(%dma_wait3A_51 : memref<128xi32, #tpu.memory_space<hbm>>) dst(%dma_wait3A_50 : memref<128xi32, #tpu.memory_space<vmem>>)
      tpu.yield
    }) : () -> ()
    %dma_start3A = arith.constant 0 : i32
    %dma_start3A_10 = arith.constant 0 : i32
    %dma_start3A_11 = arith.constant 0 : i32
    %dma_start3A_12 = arith.constant 0 : i32
    %dma_start3A_13 = tpu.memref_slice %arg6[%dma_start3A_10, %dma_start3A_11, %dma_start3A_12] : memref<3x128x256xi32, #tpu.memory_space<vmem>> -> memref<1x128x256xi32, #tpu.memory_space<vmem>>
    %dma_start3A_14 = tpu.memref_squeeze %dma_start3A_13 : memref<1x128x256xi32, #tpu.memory_space<vmem>> -> memref<128x256xi32, #tpu.memory_space<vmem>>
    %dma_start3A_15 = arith.constant 0 : i32
    %dma_start3A_16 = tpu.memref_slice %arg5[%dma_start3A, %dma_start3A_15] : memref<3x128xi32, #tpu.memory_space<vmem>> -> memref<1x128xi32, #tpu.memory_space<vmem>>
    %dma_start3A_17 = tpu.memref_squeeze %dma_start3A_16 : memref<1x128xi32, #tpu.memory_space<vmem>> -> memref<128xi32, #tpu.memory_space<vmem>>
    %dma_start3A_18 = arith.constant 0 : i32
    %dma_start3A_19 = arith.constant 0 : i32
    %dma_start3A_20 = tpu.memref_slice %arg2[%dma_start3A_18, %dma_start3A_19] : memref<4096x256xi32, #tpu.memory_space<hbm>> -> memref<4096x256xi32, #tpu.memory_space<hbm>>
    tpu.enqueue_indirect_dma source(%dma_start3A_20 : memref<4096x256xi32, #tpu.memory_space<hbm>>) target(%dma_start3A_14 : memref<128x256xi32, #tpu.memory_space<vmem>>) offsets(%dma_start3A_17 : memref<128xi32, #tpu.memory_space<vmem>>) semaphore(%arg7 : memref<!tpu.dma_semaphore, #tpu.memory_space<semaphore_mem>>)
    %dma_wait3A = arith.constant 0 : i32
    %dma_wait3A_21 = arith.constant 0 : i32
    %dma_wait3A_22 = arith.constant 0 : i32
    %dma_wait3A_23 = arith.constant 0 : i32
    %dma_wait3A_24 = tpu.memref_slice %arg6[%dma_wait3A_21, %dma_wait3A_22, %dma_wait3A_23] : memref<3x128x256xi32, #tpu.memory_space<vmem>> -> memref<1x128x256xi32, #tpu.memory_space<vmem>>
    %dma_wait3A_25 = tpu.memref_squeeze %dma_wait3A_24 : memref<1x128x256xi32, #tpu.memory_space<vmem>> -> memref<128x256xi32, #tpu.memory_space<vmem>>
    %dma_wait3A_26 = arith.constant 0 : i32
    %dma_wait3A_27 = tpu.memref_slice %arg5[%dma_wait3A, %dma_wait3A_26] : memref<3x128xi32, #tpu.memory_space<vmem>> -> memref<1x128xi32, #tpu.memory_space<vmem>>
    %dma_wait3A_28 = tpu.memref_squeeze %dma_wait3A_27 : memref<1x128xi32, #tpu.memory_space<vmem>> -> memref<128xi32, #tpu.memory_space<vmem>>
    %dma_wait3A_29 = arith.constant 0 : i32
    %dma_wait3A_30 = arith.constant 0 : i32
    %dma_wait3A_31 = tpu.memref_slice %arg2[%dma_wait3A_29, %dma_wait3A_30] : memref<4096x256xi32, #tpu.memory_space<hbm>> -> memref<4096x256xi32, #tpu.memory_space<hbm>>
    tpu.wait_indirect_dma semaphore(%arg7 : memref<!tpu.dma_semaphore, #tpu.memory_space<semaphore_mem>>) src(%dma_wait3A_31 : memref<4096x256xi32, #tpu.memory_space<hbm>>) dst(%dma_wait3A_25 : memref<128x256xi32, #tpu.memory_space<vmem>>)
    %add3A_32 = arith.constant 1920 : i32
    %add3A_33 = arith.addi %mul3A_2, %add3A_32 : i32
    %run_scoped3A_34 = arith.constant 0 : i32
    "tpu.region"() ({
      %run_scoped3A_35 = tpu.sem_alloc : memref<!tpu.dma_semaphore, #tpu.memory_space<semaphore_mem>>
      %dma_start3A_36 = arith.constant 0 : i32
      %dma_start3A_37 = arith.constant 0 : i32
      %dma_start3A_38 = tpu.memref_slice %arg6[%run_scoped3A_34, %dma_start3A_36, %dma_start3A_37] : memref<3x128x256xi32, #tpu.memory_space<vmem>> -> memref<1x128x256xi32, #tpu.memory_space<vmem>>
      %dma_start3A_39 = tpu.memref_squeeze %dma_start3A_38 : memref<1x128x256xi32, #tpu.memory_space<vmem>> -> memref<128x256xi32, #tpu.memory_space<vmem>>
      %dma_start3A_40 = arith.constant 0 : i32
      %dma_start3A_41 = tpu.memref_slice %arg4[%add3A_33, %dma_start3A_40] : memref<65536x256xi32, #tpu.memory_space<hbm>> -> memref<128x256xi32, #tpu.memory_space<hbm>>
      %dma_start3A_42 = arith.constant 0 : i32
      %dma_start3A_43 = tpu.memref_slice %arg4[%add3A_33, %dma_start3A_42] : memref<65536x256xi32, #tpu.memory_space<hbm>> -> memref<128x256xi32, #tpu.memory_space<hbm>>
      %dma_start3A_44 = arith.constant 0 : i32
      %dma_start3A_45 = arith.constant 0 : i32
      %dma_start3A_46 = tpu.memref_slice %arg6[%run_scoped3A_34, %dma_start3A_44, %dma_start3A_45] : memref<3x128x256xi32, #tpu.memory_space<vmem>> -> memref<1x128x256xi32, #tpu.memory_space<vmem>>
      %dma_start3A_47 = tpu.memref_squeeze %dma_start3A_46 : memref<1x128x256xi32, #tpu.memory_space<vmem>> -> memref<128x256xi32, #tpu.memory_space<vmem>>
      tpu.enqueue_dma source(%dma_start3A_47 : memref<128x256xi32, #tpu.memory_space<vmem>>) target(%dma_start3A_43 : memref<128x256xi32, #tpu.memory_space<hbm>>) target_semaphore(%run_scoped3A_35 : memref<!tpu.dma_semaphore, #tpu.memory_space<semaphore_mem>>)
      %dma_wait3A_48 = arith.constant 0 : i32
      %dma_wait3A_49 = arith.constant 0 : i32
      %dma_wait3A_50 = tpu.memref_slice %arg6[%run_scoped3A_34, %dma_wait3A_48, %dma_wait3A_49] : memref<3x128x256xi32, #tpu.memory_space<vmem>> -> memref<1x128x256xi32, #tpu.memory_space<vmem>>
      %dma_wait3A_51 = tpu.memref_squeeze %dma_wait3A_50 : memref<1x128x256xi32, #tpu.memory_space<vmem>> -> memref<128x256xi32, #tpu.memory_space<vmem>>
      %dma_wait3A_52 = arith.constant 0 : i32
      %dma_wait3A_53 = tpu.memref_slice %arg4[%add3A_33, %dma_wait3A_52] : memref<65536x256xi32, #tpu.memory_space<hbm>> -> memref<128x256xi32, #tpu.memory_space<hbm>>
      %dma_wait3A_54 = arith.constant 0 : i32
      %dma_wait3A_55 = tpu.memref_slice %arg4[%add3A_33, %dma_wait3A_54] : memref<65536x256xi32, #tpu.memory_space<hbm>> -> memref<128x256xi32, #tpu.memory_space<hbm>>
      %dma_wait3A_56 = arith.constant 0 : i32
      %dma_wait3A_57 = arith.constant 0 : i32
      %dma_wait3A_58 = tpu.memref_slice %arg6[%run_scoped3A_34, %dma_wait3A_56, %dma_wait3A_57] : memref<3x128x256xi32, #tpu.memory_space<vmem>> -> memref<1x128x256xi32, #tpu.memory_space<vmem>>
      %dma_wait3A_59 = tpu.memref_squeeze %dma_wait3A_58 : memref<1x128x256xi32, #tpu.memory_space<vmem>> -> memref<128x256xi32, #tpu.memory_space<vmem>>
      tpu.wait_dma2 semaphore(%run_scoped3A_35 : memref<!tpu.dma_semaphore, #tpu.memory_space<semaphore_mem>>) src(%dma_wait3A_59 : memref<128x256xi32, #tpu.memory_space<vmem>>) dst(%dma_wait3A_55 : memref<128x256xi32, #tpu.memory_space<hbm>>)
      tpu.yield
    }) : () -> ()
    return
  }
}

#map = affine_map<(d0, d1) -> (0, 0)>
#map1 = affine_map<(d0, d1) -> (0)>
module attributes {stable_mosaic.version = 14 : i64} {
  func.func @gather(%arg0: i32, %arg1: i32, %arg2: memref<4096x256xi32, #tpu.memory_space<hbm>>, %arg3: memref<65536xi32, #tpu.memory_space<hbm>>, %arg4: memref<65536x256xi32, #tpu.memory_space<hbm>>, %arg5: memref<3x128xi32, #tpu.memory_space<vmem>>, %arg6: memref<3x128x256xi32, #tpu.memory_space<vmem>>, %arg7: memref<!tpu.dma_semaphore, #tpu.memory_space<semaphore_mem>>) attributes {dimension_semantics = [#tpu.dimension_semantics<core_parallel>, #tpu.dimension_semantics<subcore_parallel>], iteration_bounds = array<i64: 2, 16>, scalar_prefetch = 0 : i64, scratch_operands = 3 : i64, tpu.core_type = #tpu.core_type<sc_vector_subcore>, window_params = [{transform_indices = #map}, {transform_indices = #map1}, {transform_indices = #map}]} {
    %mul3A = arith.constant 2 : i32
    %mul3A_0 = arith.muli %arg1, %mul3A : i32
    %add3A = arith.addi %mul3A_0, %arg0 : i32
    %mul3A_1 = arith.constant 2048 : i32
    %mul3A_2 = arith.muli %add3A, %mul3A_1 : i32
    %scan3A = arith.constant 0 : i32
    %scan3A_3 = arith.constant 0 : i32
    %scan3A_4 = arith.constant 5 : i32
    %scan3A_5 = arith.addi %scan3A_3, %scan3A_4 : i32
    %scan3A_6 = arith.constant 1 : i32
    scf.for %scan3A_35 = %scan3A_3 to %scan3A_5 step %scan3A_6  : i32 {
      %mul3A_36 = arith.constant 3 : i32
      %mul3A_37 = arith.muli %scan3A_35, %mul3A_36 : i32
      %add3A_38 = arith.constant 0 : i32
      %add3A_39 = arith.addi %mul3A_37, %add3A_38 : i32
      %mul3A_40 = arith.constant 128 : i32
      %mul3A_41 = arith.muli %add3A_39, %mul3A_40 : i32
      %add3A_42 = arith.addi %mul3A_2, %mul3A_41 : i32
      %run_scoped3A_43 = arith.constant 0 : i32
      "tpu.region"() ({
        %run_scoped3A_146 = tpu.sem_alloc : memref<!tpu.dma_semaphore, #tpu.memory_space<semaphore_mem>>
        %dma_start3A_147 = arith.constant 0 : i32
        %dma_start3A_148 = tpu.memref_slice %arg5[%run_scoped3A_43, %dma_start3A_147] : memref<3x128xi32, #tpu.memory_space<vmem>> -> memref<1x128xi32, #tpu.memory_space<vmem>>
        %dma_start3A_149 = tpu.memref_squeeze %dma_start3A_148 : memref<1x128xi32, #tpu.memory_space<vmem>> -> memref<128xi32, #tpu.memory_space<vmem>>
        %dma_start3A_150 = tpu.memref_slice %arg3[%add3A_42] : memref<65536xi32, #tpu.memory_space<hbm>> -> memref<128xi32, #tpu.memory_space<hbm>>
        %dma_start3A_151 = arith.constant 0 : i32
        %dma_start3A_152 = tpu.memref_slice %arg5[%run_scoped3A_43, %dma_start3A_151] : memref<3x128xi32, #tpu.memory_space<vmem>> -> memref<1x128xi32, #tpu.memory_space<vmem>>
        %dma_start3A_153 = tpu.memref_squeeze %dma_start3A_152 : memref<1x128xi32, #tpu.memory_space<vmem>> -> memref<128xi32, #tpu.memory_space<vmem>>
        %dma_start3A_154 = tpu.memref_slice %arg3[%add3A_42] : memref<65536xi32, #tpu.memory_space<hbm>> -> memref<128xi32, #tpu.memory_space<hbm>>
        tpu.enqueue_dma source(%dma_start3A_154 : memref<128xi32, #tpu.memory_space<hbm>>) target(%dma_start3A_153 : memref<128xi32, #tpu.memory_space<vmem>>) target_semaphore(%run_scoped3A_146 : memref<!tpu.dma_semaphore, #tpu.memory_space<semaphore_mem>>)
        %dma_wait3A_155 = arith.constant 0 : i32
        %dma_wait3A_156 = tpu.memref_slice %arg5[%run_scoped3A_43, %dma_wait3A_155] : memref<3x128xi32, #tpu.memory_space<vmem>> -> memref<1x128xi32, #tpu.memory_space<vmem>>
        %dma_wait3A_157 = tpu.memref_squeeze %dma_wait3A_156 : memref<1x128xi32, #tpu.memory_space<vmem>> -> memref<128xi32, #tpu.memory_space<vmem>>
        %dma_wait3A_158 = tpu.memref_slice %arg3[%add3A_42] : memref<65536xi32, #tpu.memory_space<hbm>> -> memref<128xi32, #tpu.memory_space<hbm>>
        %dma_wait3A_159 = arith.constant 0 : i32
        %dma_wait3A_160 = tpu.memref_slice %arg5[%run_scoped3A_43, %dma_wait3A_159] : memref<3x128xi32, #tpu.memory_space<vmem>> -> memref<1x128xi32, #tpu.memory_space<vmem>>
        %dma_wait3A_161 = tpu.memref_squeeze %dma_wait3A_160 : memref<1x128xi32, #tpu.memory_space<vmem>> -> memref<128xi32, #tpu.memory_space<vmem>>
        %dma_wait3A_162 = tpu.memref_slice %arg3[%add3A_42] : memref<65536xi32, #tpu.memory_space<hbm>> -> memref<128xi32, #tpu.memory_space<hbm>>
        tpu.wait_dma2 semaphore(%run_scoped3A_146 : memref<!tpu.dma_semaphore, #tpu.memory_space<semaphore_mem>>) src(%dma_wait3A_162 : memref<128xi32, #tpu.memory_space<hbm>>) dst(%dma_wait3A_161 : memref<128xi32, #tpu.memory_space<vmem>>)
        tpu.yield
      }) : () -> ()
      %add3A_44 = arith.constant 1 : i32
      %add3A_45 = arith.addi %mul3A_37, %add3A_44 : i32
      %mul3A_46 = arith.constant 128 : i32
      %mul3A_47 = arith.muli %add3A_45, %mul3A_46 : i32
      %add3A_48 = arith.addi %mul3A_2, %mul3A_47 : i32
      %run_scoped3A_49 = arith.constant 1 : i32
      "tpu.region"() ({
        %run_scoped3A_146 = tpu.sem_alloc : memref<!tpu.dma_semaphore, #tpu.memory_space<semaphore_mem>>
        %dma_start3A_147 = arith.constant 0 : i32
        %dma_start3A_148 = tpu.memref_slice %arg5[%run_scoped3A_49, %dma_start3A_147] : memref<3x128xi32, #tpu.memory_space<vmem>> -> memref<1x128xi32, #tpu.memory_space<vmem>>
        %dma_start3A_149 = tpu.memref_squeeze %dma_start3A_148 : memref<1x128xi32, #tpu.memory_space<vmem>> -> memref<128xi32, #tpu.memory_space<vmem>>
        %dma_start3A_150 = tpu.memref_slice %arg3[%add3A_48] : memref<65536xi32, #tpu.memory_space<hbm>> -> memref<128xi32, #tpu.memory_space<hbm>>
        %dma_start3A_151 = arith.constant 0 : i32
        %dma_start3A_152 = tpu.memref_slice %arg5[%run_scoped3A_49, %dma_start3A_151] : memref<3x128xi32, #tpu.memory_space<vmem>> -> memref<1x128xi32, #tpu.memory_space<vmem>>
        %dma_start3A_153 = tpu.memref_squeeze %dma_start3A_152 : memref<1x128xi32, #tpu.memory_space<vmem>> -> memref<128xi32, #tpu.memory_space<vmem>>
        %dma_start3A_154 = tpu.memref_slice %arg3[%add3A_48] : memref<65536xi32, #tpu.memory_space<hbm>> -> memref<128xi32, #tpu.memory_space<hbm>>
        tpu.enqueue_dma source(%dma_start3A_154 : memref<128xi32, #tpu.memory_space<hbm>>) target(%dma_start3A_153 : memref<128xi32, #tpu.memory_space<vmem>>) target_semaphore(%run_scoped3A_146 : memref<!tpu.dma_semaphore, #tpu.memory_space<semaphore_mem>>)
        %dma_wait3A_155 = arith.constant 0 : i32
        %dma_wait3A_156 = tpu.memref_slice %arg5[%run_scoped3A_49, %dma_wait3A_155] : memref<3x128xi32, #tpu.memory_space<vmem>> -> memref<1x128xi32, #tpu.memory_space<vmem>>
        %dma_wait3A_157 = tpu.memref_squeeze %dma_wait3A_156 : memref<1x128xi32, #tpu.memory_space<vmem>> -> memref<128xi32, #tpu.memory_space<vmem>>
        %dma_wait3A_158 = tpu.memref_slice %arg3[%add3A_48] : memref<65536xi32, #tpu.memory_space<hbm>> -> memref<128xi32, #tpu.memory_space<hbm>>
        %dma_wait3A_159 = arith.constant 0 : i32
        %dma_wait3A_160 = tpu.memref_slice %arg5[%run_scoped3A_49, %dma_wait3A_159] : memref<3x128xi32, #tpu.memory_space<vmem>> -> memref<1x128xi32, #tpu.memory_space<vmem>>
        %dma_wait3A_161 = tpu.memref_squeeze %dma_wait3A_160 : memref<1x128xi32, #tpu.memory_space<vmem>> -> memref<128xi32, #tpu.memory_space<vmem>>
        %dma_wait3A_162 = tpu.memref_slice %arg3[%add3A_48] : memref<65536xi32, #tpu.memory_space<hbm>> -> memref<128xi32, #tpu.memory_space<hbm>>
        tpu.wait_dma2 semaphore(%run_scoped3A_146 : memref<!tpu.dma_semaphore, #tpu.memory_space<semaphore_mem>>) src(%dma_wait3A_162 : memref<128xi32, #tpu.memory_space<hbm>>) dst(%dma_wait3A_161 : memref<128xi32, #tpu.memory_space<vmem>>)
        tpu.yield
      }) : () -> ()
      %add3A_50 = arith.constant 2 : i32
      %add3A_51 = arith.addi %mul3A_37, %add3A_50 : i32
      %mul3A_52 = arith.constant 128 : i32
      %mul3A_53 = arith.muli %add3A_51, %mul3A_52 : i32
      %add3A_54 = arith.addi %mul3A_2, %mul3A_53 : i32
      %run_scoped3A_55 = arith.constant 2 : i32
      "tpu.region"() ({
        %run_scoped3A_146 = tpu.sem_alloc : memref<!tpu.dma_semaphore, #tpu.memory_space<semaphore_mem>>
        %dma_start3A_147 = arith.constant 0 : i32
        %dma_start3A_148 = tpu.memref_slice %arg5[%run_scoped3A_55, %dma_start3A_147] : memref<3x128xi32, #tpu.memory_space<vmem>> -> memref<1x128xi32, #tpu.memory_space<vmem>>
        %dma_start3A_149 = tpu.memref_squeeze %dma_start3A_148 : memref<1x128xi32, #tpu.memory_space<vmem>> -> memref<128xi32, #tpu.memory_space<vmem>>
        %dma_start3A_150 = tpu.memref_slice %arg3[%add3A_54] : memref<65536xi32, #tpu.memory_space<hbm>> -> memref<128xi32, #tpu.memory_space<hbm>>
        %dma_start3A_151 = arith.constant 0 : i32
        %dma_start3A_152 = tpu.memref_slice %arg5[%run_scoped3A_55, %dma_start3A_151] : memref<3x128xi32, #tpu.memory_space<vmem>> -> memref<1x128xi32, #tpu.memory_space<vmem>>
        %dma_start3A_153 = tpu.memref_squeeze %dma_start3A_152 : memref<1x128xi32, #tpu.memory_space<vmem>> -> memref<128xi32, #tpu.memory_space<vmem>>
        %dma_start3A_154 = tpu.memref_slice %arg3[%add3A_54] : memref<65536xi32, #tpu.memory_space<hbm>> -> memref<128xi32, #tpu.memory_space<hbm>>
        tpu.enqueue_dma source(%dma_start3A_154 : memref<128xi32, #tpu.memory_space<hbm>>) target(%dma_start3A_153 : memref<128xi32, #tpu.memory_space<vmem>>) target_semaphore(%run_scoped3A_146 : memref<!tpu.dma_semaphore, #tpu.memory_space<semaphore_mem>>)
        %dma_wait3A_155 = arith.constant 0 : i32
        %dma_wait3A_156 = tpu.memref_slice %arg5[%run_scoped3A_55, %dma_wait3A_155] : memref<3x128xi32, #tpu.memory_space<vmem>> -> memref<1x128xi32, #tpu.memory_space<vmem>>
        %dma_wait3A_157 = tpu.memref_squeeze %dma_wait3A_156 : memref<1x128xi32, #tpu.memory_space<vmem>> -> memref<128xi32, #tpu.memory_space<vmem>>
        %dma_wait3A_158 = tpu.memref_slice %arg3[%add3A_54] : memref<65536xi32, #tpu.memory_space<hbm>> -> memref<128xi32, #tpu.memory_space<hbm>>
        %dma_wait3A_159 = arith.constant 0 : i32
        %dma_wait3A_160 = tpu.memref_slice %arg5[%run_scoped3A_55, %dma_wait3A_159] : memref<3x128xi32, #tpu.memory_space<vmem>> -> memref<1x128xi32, #tpu.memory_space<vmem>>
        %dma_wait3A_161 = tpu.memref_squeeze %dma_wait3A_160 : memref<1x128xi32, #tpu.memory_space<vmem>> -> memref<128xi32, #tpu.memory_space<vmem>>
        %dma_wait3A_162 = tpu.memref_slice %arg3[%add3A_54] : memref<65536xi32, #tpu.memory_space<hbm>> -> memref<128xi32, #tpu.memory_space<hbm>>
        tpu.wait_dma2 semaphore(%run_scoped3A_146 : memref<!tpu.dma_semaphore, #tpu.memory_space<semaphore_mem>>) src(%dma_wait3A_162 : memref<128xi32, #tpu.memory_space<hbm>>) dst(%dma_wait3A_161 : memref<128xi32, #tpu.memory_space<vmem>>)
        tpu.yield
      }) : () -> ()
      %dma_start3A_56 = arith.constant 0 : i32
      %dma_start3A_57 = arith.constant 0 : i32
      %dma_start3A_58 = arith.constant 0 : i32
      %dma_start3A_59 = arith.constant 0 : i32
      %dma_start3A_60 = tpu.memref_slice %arg6[%dma_start3A_57, %dma_start3A_58, %dma_start3A_59] : memref<3x128x256xi32, #tpu.memory_space<vmem>> -> memref<1x128x256xi32, #tpu.memory_space<vmem>>
      %dma_start3A_61 = tpu.memref_squeeze %dma_start3A_60 : memref<1x128x256xi32, #tpu.memory_space<vmem>> -> memref<128x256xi32, #tpu.memory_space<vmem>>
      %dma_start3A_62 = arith.constant 0 : i32
      %dma_start3A_63 = tpu.memref_slice %arg5[%dma_start3A_56, %dma_start3A_62] : memref<3x128xi32, #tpu.memory_space<vmem>> -> memref<1x128xi32, #tpu.memory_space<vmem>>
      %dma_start3A_64 = tpu.memref_squeeze %dma_start3A_63 : memref<1x128xi32, #tpu.memory_space<vmem>> -> memref<128xi32, #tpu.memory_space<vmem>>
      %dma_start3A_65 = arith.constant 0 : i32
      %dma_start3A_66 = arith.constant 0 : i32
      %dma_start3A_67 = tpu.memref_slice %arg2[%dma_start3A_65, %dma_start3A_66] : memref<4096x256xi32, #tpu.memory_space<hbm>> -> memref<4096x256xi32, #tpu.memory_space<hbm>>
      tpu.enqueue_indirect_dma source(%dma_start3A_67 : memref<4096x256xi32, #tpu.memory_space<hbm>>) target(%dma_start3A_61 : memref<128x256xi32, #tpu.memory_space<vmem>>) offsets(%dma_start3A_64 : memref<128xi32, #tpu.memory_space<vmem>>) semaphore(%arg7 : memref<!tpu.dma_semaphore, #tpu.memory_space<semaphore_mem>>)
      %dma_start3A_68 = arith.constant 1 : i32
      %dma_start3A_69 = arith.constant 1 : i32
      %dma_start3A_70 = arith.constant 0 : i32
      %dma_start3A_71 = arith.constant 0 : i32
      %dma_start3A_72 = tpu.memref_slice %arg6[%dma_start3A_69, %dma_start3A_70, %dma_start3A_71] : memref<3x128x256xi32, #tpu.memory_space<vmem>> -> memref<1x128x256xi32, #tpu.memory_space<vmem>>
      %dma_start3A_73 = tpu.memref_squeeze %dma_start3A_72 : memref<1x128x256xi32, #tpu.memory_space<vmem>> -> memref<128x256xi32, #tpu.memory_space<vmem>>
      %dma_start3A_74 = arith.constant 0 : i32
      %dma_start3A_75 = tpu.memref_slice %arg5[%dma_start3A_68, %dma_start3A_74] : memref<3x128xi32, #tpu.memory_space<vmem>> -> memref<1x128xi32, #tpu.memory_space<vmem>>
      %dma_start3A_76 = tpu.memref_squeeze %dma_start3A_75 : memref<1x128xi32, #tpu.memory_space<vmem>> -> memref<128xi32, #tpu.memory_space<vmem>>
      %dma_start3A_77 = arith.constant 0 : i32
      %dma_start3A_78 = arith.constant 0 : i32
      %dma_start3A_79 = tpu.memref_slice %arg2[%dma_start3A_77, %dma_start3A_78] : memref<4096x256xi32, #tpu.memory_space<hbm>> -> memref<4096x256xi32, #tpu.memory_space<hbm>>
      tpu.enqueue_indirect_dma source(%dma_start3A_79 : memref<4096x256xi32, #tpu.memory_space<hbm>>) target(%dma_start3A_73 : memref<128x256xi32, #tpu.memory_space<vmem>>) offsets(%dma_start3A_76 : memref<128xi32, #tpu.memory_space<vmem>>) semaphore(%arg7 : memref<!tpu.dma_semaphore, #tpu.memory_space<semaphore_mem>>)
      %dma_start3A_80 = arith.constant 2 : i32
      %dma_start3A_81 = arith.constant 2 : i32
      %dma_start3A_82 = arith.constant 0 : i32
      %dma_start3A_83 = arith.constant 0 : i32
      %dma_start3A_84 = tpu.memref_slice %arg6[%dma_start3A_81, %dma_start3A_82, %dma_start3A_83] : memref<3x128x256xi32, #tpu.memory_space<vmem>> -> memref<1x128x256xi32, #tpu.memory_space<vmem>>
      %dma_start3A_85 = tpu.memref_squeeze %dma_start3A_84 : memref<1x128x256xi32, #tpu.memory_space<vmem>> -> memref<128x256xi32, #tpu.memory_space<vmem>>
      %dma_start3A_86 = arith.constant 0 : i32
      %dma_start3A_87 = tpu.memref_slice %arg5[%dma_start3A_80, %dma_start3A_86] : memref<3x128xi32, #tpu.memory_space<vmem>> -> memref<1x128xi32, #tpu.memory_space<vmem>>
      %dma_start3A_88 = tpu.memref_squeeze %dma_start3A_87 : memref<1x128xi32, #tpu.memory_space<vmem>> -> memref<128xi32, #tpu.memory_space<vmem>>
      %dma_start3A_89 = arith.constant 0 : i32
      %dma_start3A_90 = arith.constant 0 : i32
      %dma_start3A_91 = tpu.memref_slice %arg2[%dma_start3A_89, %dma_start3A_90] : memref<4096x256xi32, #tpu.memory_space<hbm>> -> memref<4096x256xi32, #tpu.memory_space<hbm>>
      tpu.enqueue_indirect_dma source(%dma_start3A_91 : memref<4096x256xi32, #tpu.memory_space<hbm>>) target(%dma_start3A_85 : memref<128x256xi32, #tpu.memory_space<vmem>>) offsets(%dma_start3A_88 : memref<128xi32, #tpu.memory_space<vmem>>) semaphore(%arg7 : memref<!tpu.dma_semaphore, #tpu.memory_space<semaphore_mem>>)
      %dma_wait3A_92 = arith.constant 0 : i32
      %dma_wait3A_93 = arith.constant 0 : i32
      %dma_wait3A_94 = arith.constant 0 : i32
      %dma_wait3A_95 = arith.constant 0 : i32
      %dma_wait3A_96 = tpu.memref_slice %arg6[%dma_wait3A_93, %dma_wait3A_94, %dma_wait3A_95] : memref<3x128x256xi32, #tpu.memory_space<vmem>> -> memref<1x128x256xi32, #tpu.memory_space<vmem>>
      %dma_wait3A_97 = tpu.memref_squeeze %dma_wait3A_96 : memref<1x128x256xi32, #tpu.memory_space<vmem>> -> memref<128x256xi32, #tpu.memory_space<vmem>>
      %dma_wait3A_98 = arith.constant 0 : i32
      %dma_wait3A_99 = tpu.memref_slice %arg5[%dma_wait3A_92, %dma_wait3A_98] : memref<3x128xi32, #tpu.memory_space<vmem>> -> memref<1x128xi32, #tpu.memory_space<vmem>>
      %dma_wait3A_100 = tpu.memref_squeeze %dma_wait3A_99 : memref<1x128xi32, #tpu.memory_space<vmem>> -> memref<128xi32, #tpu.memory_space<vmem>>
      %dma_wait3A_101 = arith.constant 0 : i32
      %dma_wait3A_102 = arith.constant 0 : i32
      %dma_wait3A_103 = tpu.memref_slice %arg2[%dma_wait3A_101, %dma_wait3A_102] : memref<4096x256xi32, #tpu.memory_space<hbm>> -> memref<4096x256xi32, #tpu.memory_space<hbm>>
      tpu.wait_indirect_dma semaphore(%arg7 : memref<!tpu.dma_semaphore, #tpu.memory_space<semaphore_mem>>) src(%dma_wait3A_103 : memref<4096x256xi32, #tpu.memory_space<hbm>>) dst(%dma_wait3A_97 : memref<128x256xi32, #tpu.memory_space<vmem>>)
      %add3A_104 = arith.constant 0 : i32
      %add3A_105 = arith.addi %mul3A_37, %add3A_104 : i32
      %mul3A_106 = arith.constant 128 : i32
      %mul3A_107 = arith.muli %add3A_105, %mul3A_106 : i32
      %add3A_108 = arith.addi %mul3A_2, %mul3A_107 : i32
      %run_scoped3A_109 = arith.constant 0 : i32
      "tpu.region"() ({
        %run_scoped3A_146 = tpu.sem_alloc : memref<!tpu.dma_semaphore, #tpu.memory_space<semaphore_mem>>
        %dma_start3A_147 = arith.constant 0 : i32
        %dma_start3A_148 = arith.constant 0 : i32
        %dma_start3A_149 = tpu.memref_slice %arg6[%run_scoped3A_109, %dma_start3A_147, %dma_start3A_148] : memref<3x128x256xi32, #tpu.memory_space<vmem>> -> memref<1x128x256xi32, #tpu.memory_space<vmem>>
        %dma_start3A_150 = tpu.memref_squeeze %dma_start3A_149 : memref<1x128x256xi32, #tpu.memory_space<vmem>> -> memref<128x256xi32, #tpu.memory_space<vmem>>
        %dma_start3A_151 = arith.constant 0 : i32
        %dma_start3A_152 = tpu.memref_slice %arg4[%add3A_108, %dma_start3A_151] : memref<65536x256xi32, #tpu.memory_space<hbm>> -> memref<128x256xi32, #tpu.memory_space<hbm>>
        %dma_start3A_153 = arith.constant 0 : i32
        %dma_start3A_154 = tpu.memref_slice %arg4[%add3A_108, %dma_start3A_153] : memref<65536x256xi32, #tpu.memory_space<hbm>> -> memref<128x256xi32, #tpu.memory_space<hbm>>
        %dma_start3A_155 = arith.constant 0 : i32
        %dma_start3A_156 = arith.constant 0 : i32
        %dma_start3A_157 = tpu.memref_slice %arg6[%run_scoped3A_109, %dma_start3A_155, %dma_start3A_156] : memref<3x128x256xi32, #tpu.memory_space<vmem>> -> memref<1x128x256xi32, #tpu.memory_space<vmem>>
        %dma_start3A_158 = tpu.memref_squeeze %dma_start3A_157 : memref<1x128x256xi32, #tpu.memory_space<vmem>> -> memref<128x256xi32, #tpu.memory_space<vmem>>
        tpu.enqueue_dma source(%dma_start3A_158 : memref<128x256xi32, #tpu.memory_space<vmem>>) target(%dma_start3A_154 : memref<128x256xi32, #tpu.memory_space<hbm>>) target_semaphore(%run_scoped3A_146 : memref<!tpu.dma_semaphore, #tpu.memory_space<semaphore_mem>>)
        %dma_wait3A_159 = arith.constant 0 : i32
        %dma_wait3A_160 = arith.constant 0 : i32
        %dma_wait3A_161 = tpu.memref_slice %arg6[%run_scoped3A_109, %dma_wait3A_159, %dma_wait3A_160] : memref<3x128x256xi32, #tpu.memory_space<vmem>> -> memref<1x128x256xi32, #tpu.memory_space<vmem>>
        %dma_wait3A_162 = tpu.memref_squeeze %dma_wait3A_161 : memref<1x128x256xi32, #tpu.memory_space<vmem>> -> memref<128x256xi32, #tpu.memory_space<vmem>>
        %dma_wait3A_163 = arith.constant 0 : i32
        %dma_wait3A_164 = tpu.memref_slice %arg4[%add3A_108, %dma_wait3A_163] : memref<65536x256xi32, #tpu.memory_space<hbm>> -> memref<128x256xi32, #tpu.memory_space<hbm>>
        %dma_wait3A_165 = arith.constant 0 : i32
        %dma_wait3A_166 = tpu.memref_slice %arg4[%add3A_108, %dma_wait3A_165] : memref<65536x256xi32, #tpu.memory_space<hbm>> -> memref<128x256xi32, #tpu.memory_space<hbm>>
        %dma_wait3A_167 = arith.constant 0 : i32
        %dma_wait3A_168 = arith.constant 0 : i32
        %dma_wait3A_169 = tpu.memref_slice %arg6[%run_scoped3A_109, %dma_wait3A_167, %dma_wait3A_168] : memref<3x128x256xi32, #tpu.memory_space<vmem>> -> memref<1x128x256xi32, #tpu.memory_space<vmem>>
        %dma_wait3A_170 = tpu.memref_squeeze %dma_wait3A_169 : memref<1x128x256xi32, #tpu.memory_space<vmem>> -> memref<128x256xi32, #tpu.memory_space<vmem>>
        tpu.wait_dma2 semaphore(%run_scoped3A_146 : memref<!tpu.dma_semaphore, #tpu.memory_space<semaphore_mem>>) src(%dma_wait3A_170 : memref<128x256xi32, #tpu.memory_space<vmem>>) dst(%dma_wait3A_166 : memref<128x256xi32, #tpu.memory_space<hbm>>)
        tpu.yield
      }) : () -> ()
      %dma_wait3A_110 = arith.constant 1 : i32
      %dma_wait3A_111 = arith.constant 1 : i32
      %dma_wait3A_112 = arith.constant 0 : i32
      %dma_wait3A_113 = arith.constant 0 : i32
      %dma_wait3A_114 = tpu.memref_slice %arg6[%dma_wait3A_111, %dma_wait3A_112, %dma_wait3A_113] : memref<3x128x256xi32, #tpu.memory_space<vmem>> -> memref<1x128x256xi32, #tpu.memory_space<vmem>>
      %dma_wait3A_115 = tpu.memref_squeeze %dma_wait3A_114 : memref<1x128x256xi32, #tpu.memory_space<vmem>> -> memref<128x256xi32, #tpu.memory_space<vmem>>
      %dma_wait3A_116 = arith.constant 0 : i32
      %dma_wait3A_117 = tpu.memref_slice %arg5[%dma_wait3A_110, %dma_wait3A_116] : memref<3x128xi32, #tpu.memory_space<vmem>> -> memref<1x128xi32, #tpu.memory_space<vmem>>
      %dma_wait3A_118 = tpu.memref_squeeze %dma_wait3A_117 : memref<1x128xi32, #tpu.memory_space<vmem>> -> memref<128xi32, #tpu.memory_space<vmem>>
      %dma_wait3A_119 = arith.constant 0 : i32
      %dma_wait3A_120 = arith.constant 0 : i32
      %dma_wait3A_121 = tpu.memref_slice %arg2[%dma_wait3A_119, %dma_wait3A_120] : memref<4096x256xi32, #tpu.memory_space<hbm>> -> memref<4096x256xi32, #tpu.memory_space<hbm>>
      tpu.wait_indirect_dma semaphore(%arg7 : memref<!tpu.dma_semaphore, #tpu.memory_space<semaphore_mem>>) src(%dma_wait3A_121 : memref<4096x256xi32, #tpu.memory_space<hbm>>) dst(%dma_wait3A_115 : memref<128x256xi32, #tpu.memory_space<vmem>>)
      %add3A_122 = arith.constant 1 : i32
      %add3A_123 = arith.addi %mul3A_37, %add3A_122 : i32
      %mul3A_124 = arith.constant 128 : i32
      %mul3A_125 = arith.muli %add3A_123, %mul3A_124 : i32
      %add3A_126 = arith.addi %mul3A_2, %mul3A_125 : i32
      %run_scoped3A_127 = arith.constant 1 : i32
      "tpu.region"() ({
        %run_scoped3A_146 = tpu.sem_alloc : memref<!tpu.dma_semaphore, #tpu.memory_space<semaphore_mem>>
        %dma_start3A_147 = arith.constant 0 : i32
        %dma_start3A_148 = arith.constant 0 : i32
        %dma_start3A_149 = tpu.memref_slice %arg6[%run_scoped3A_127, %dma_start3A_147, %dma_start3A_148] : memref<3x128x256xi32, #tpu.memory_space<vmem>> -> memref<1x128x256xi32, #tpu.memory_space<vmem>>
        %dma_start3A_150 = tpu.memref_squeeze %dma_start3A_149 : memref<1x128x256xi32, #tpu.memory_space<vmem>> -> memref<128x256xi32, #tpu.memory_space<vmem>>
        %dma_start3A_151 = arith.constant 0 : i32
        %dma_start3A_152 = tpu.memref_slice %arg4[%add3A_126, %dma_start3A_151] : memref<65536x256xi32, #tpu.memory_space<hbm>> -> memref<128x256xi32, #tpu.memory_space<hbm>>
        %dma_start3A_153 = arith.constant 0 : i32
        %dma_start3A_154 = tpu.memref_slice %arg4[%add3A_126, %dma_start3A_153] : memref<65536x256xi32, #tpu.memory_space<hbm>> -> memref<128x256xi32, #tpu.memory_space<hbm>>
        %dma_start3A_155 = arith.constant 0 : i32
        %dma_start3A_156 = arith.constant 0 : i32
        %dma_start3A_157 = tpu.memref_slice %arg6[%run_scoped3A_127, %dma_start3A_155, %dma_start3A_156] : memref<3x128x256xi32, #tpu.memory_space<vmem>> -> memref<1x128x256xi32, #tpu.memory_space<vmem>>
        %dma_start3A_158 = tpu.memref_squeeze %dma_start3A_157 : memref<1x128x256xi32, #tpu.memory_space<vmem>> -> memref<128x256xi32, #tpu.memory_space<vmem>>
        tpu.enqueue_dma source(%dma_start3A_158 : memref<128x256xi32, #tpu.memory_space<vmem>>) target(%dma_start3A_154 : memref<128x256xi32, #tpu.memory_space<hbm>>) target_semaphore(%run_scoped3A_146 : memref<!tpu.dma_semaphore, #tpu.memory_space<semaphore_mem>>)
        %dma_wait3A_159 = arith.constant 0 : i32
        %dma_wait3A_160 = arith.constant 0 : i32
        %dma_wait3A_161 = tpu.memref_slice %arg6[%run_scoped3A_127, %dma_wait3A_159, %dma_wait3A_160] : memref<3x128x256xi32, #tpu.memory_space<vmem>> -> memref<1x128x256xi32, #tpu.memory_space<vmem>>
        %dma_wait3A_162 = tpu.memref_squeeze %dma_wait3A_161 : memref<1x128x256xi32, #tpu.memory_space<vmem>> -> memref<128x256xi32, #tpu.memory_space<vmem>>
        %dma_wait3A_163 = arith.constant 0 : i32
        %dma_wait3A_164 = tpu.memref_slice %arg4[%add3A_126, %dma_wait3A_163] : memref<65536x256xi32, #tpu.memory_space<hbm>> -> memref<128x256xi32, #tpu.memory_space<hbm>>
        %dma_wait3A_165 = arith.constant 0 : i32
        %dma_wait3A_166 = tpu.memref_slice %arg4[%add3A_126, %dma_wait3A_165] : memref<65536x256xi32, #tpu.memory_space<hbm>> -> memref<128x256xi32, #tpu.memory_space<hbm>>
        %dma_wait3A_167 = arith.constant 0 : i32
        %dma_wait3A_168 = arith.constant 0 : i32
        %dma_wait3A_169 = tpu.memref_slice %arg6[%run_scoped3A_127, %dma_wait3A_167, %dma_wait3A_168] : memref<3x128x256xi32, #tpu.memory_space<vmem>> -> memref<1x128x256xi32, #tpu.memory_space<vmem>>
        %dma_wait3A_170 = tpu.memref_squeeze %dma_wait3A_169 : memref<1x128x256xi32, #tpu.memory_space<vmem>> -> memref<128x256xi32, #tpu.memory_space<vmem>>
        tpu.wait_dma2 semaphore(%run_scoped3A_146 : memref<!tpu.dma_semaphore, #tpu.memory_space<semaphore_mem>>) src(%dma_wait3A_170 : memref<128x256xi32, #tpu.memory_space<vmem>>) dst(%dma_wait3A_166 : memref<128x256xi32, #tpu.memory_space<hbm>>)
        tpu.yield
      }) : () -> ()
      %dma_wait3A_128 = arith.constant 2 : i32
      %dma_wait3A_129 = arith.constant 2 : i32
      %dma_wait3A_130 = arith.constant 0 : i32
      %dma_wait3A_131 = arith.constant 0 : i32
      %dma_wait3A_132 = tpu.memref_slice %arg6[%dma_wait3A_129, %dma_wait3A_130, %dma_wait3A_131] : memref<3x128x256xi32, #tpu.memory_space<vmem>> -> memref<1x128x256xi32, #tpu.memory_space<vmem>>
      %dma_wait3A_133 = tpu.memref_squeeze %dma_wait3A_132 : memref<1x128x256xi32, #tpu.memory_space<vmem>> -> memref<128x256xi32, #tpu.memory_space<vmem>>
      %dma_wait3A_134 = arith.constant 0 : i32
      %dma_wait3A_135 = tpu.memref_slice %arg5[%dma_wait3A_128, %dma_wait3A_134] : memref<3x128xi32, #tpu.memory_space<vmem>> -> memref<1x128xi32, #tpu.memory_space<vmem>>
      %dma_wait3A_136 = tpu.memref_squeeze %dma_wait3A_135 : memref<1x128xi32, #tpu.memory_space<vmem>> -> memref<128xi32, #tpu.memory_space<vmem>>
      %dma_wait3A_137 = arith.constant 0 : i32
      %dma_wait3A_138 = arith.constant 0 : i32
      %dma_wait3A_139 = tpu.memref_slice %arg2[%dma_wait3A_137, %dma_wait3A_138] : memref<4096x256xi32, #tpu.memory_space<hbm>> -> memref<4096x256xi32, #tpu.memory_space<hbm>>
      tpu.wait_indirect_dma semaphore(%arg7 : memref<!tpu.dma_semaphore, #tpu.memory_space<semaphore_mem>>) src(%dma_wait3A_139 : memref<4096x256xi32, #tpu.memory_space<hbm>>) dst(%dma_wait3A_133 : memref<128x256xi32, #tpu.memory_space<vmem>>)
      %add3A_140 = arith.constant 2 : i32
      %add3A_141 = arith.addi %mul3A_37, %add3A_140 : i32
      %mul3A_142 = arith.constant 128 : i32
      %mul3A_143 = arith.muli %add3A_141, %mul3A_142 : i32
      %add3A_144 = arith.addi %mul3A_2, %mul3A_143 : i32
      %run_scoped3A_145 = arith.constant 2 : i32
      "tpu.region"() ({
        %run_scoped3A_146 = tpu.sem_alloc : memref<!tpu.dma_semaphore, #tpu.memory_space<semaphore_mem>>
        %dma_start3A_147 = arith.constant 0 : i32
        %dma_start3A_148 = arith.constant 0 : i32
        %dma_start3A_149 = tpu.memref_slice %arg6[%run_scoped3A_145, %dma_start3A_147, %dma_start3A_148] : memref<3x128x256xi32, #tpu.memory_space<vmem>> -> memref<1x128x256xi32, #tpu.memory_space<vmem>>
        %dma_start3A_150 = tpu.memref_squeeze %dma_start3A_149 : memref<1x128x256xi32, #tpu.memory_space<vmem>> -> memref<128x256xi32, #tpu.memory_space<vmem>>
        %dma_start3A_151 = arith.constant 0 : i32
        %dma_start3A_152 = tpu.memref_slice %arg4[%add3A_144, %dma_start3A_151] : memref<65536x256xi32, #tpu.memory_space<hbm>> -> memref<128x256xi32, #tpu.memory_space<hbm>>
        %dma_start3A_153 = arith.constant 0 : i32
        %dma_start3A_154 = tpu.memref_slice %arg4[%add3A_144, %dma_start3A_153] : memref<65536x256xi32, #tpu.memory_space<hbm>> -> memref<128x256xi32, #tpu.memory_space<hbm>>
        %dma_start3A_155 = arith.constant 0 : i32
        %dma_start3A_156 = arith.constant 0 : i32
        %dma_start3A_157 = tpu.memref_slice %arg6[%run_scoped3A_145, %dma_start3A_155, %dma_start3A_156] : memref<3x128x256xi32, #tpu.memory_space<vmem>> -> memref<1x128x256xi32, #tpu.memory_space<vmem>>
        %dma_start3A_158 = tpu.memref_squeeze %dma_start3A_157 : memref<1x128x256xi32, #tpu.memory_space<vmem>> -> memref<128x256xi32, #tpu.memory_space<vmem>>
        tpu.enqueue_dma source(%dma_start3A_158 : memref<128x256xi32, #tpu.memory_space<vmem>>) target(%dma_start3A_154 : memref<128x256xi32, #tpu.memory_space<hbm>>) target_semaphore(%run_scoped3A_146 : memref<!tpu.dma_semaphore, #tpu.memory_space<semaphore_mem>>)
        %dma_wait3A_159 = arith.constant 0 : i32
        %dma_wait3A_160 = arith.constant 0 : i32
        %dma_wait3A_161 = tpu.memref_slice %arg6[%run_scoped3A_145, %dma_wait3A_159, %dma_wait3A_160] : memref<3x128x256xi32, #tpu.memory_space<vmem>> -> memref<1x128x256xi32, #tpu.memory_space<vmem>>
        %dma_wait3A_162 = tpu.memref_squeeze %dma_wait3A_161 : memref<1x128x256xi32, #tpu.memory_space<vmem>> -> memref<128x256xi32, #tpu.memory_space<vmem>>
        %dma_wait3A_163 = arith.constant 0 : i32
        %dma_wait3A_164 = tpu.memref_slice %arg4[%add3A_144, %dma_wait3A_163] : memref<65536x256xi32, #tpu.memory_space<hbm>> -> memref<128x256xi32, #tpu.memory_space<hbm>>
        %dma_wait3A_165 = arith.constant 0 : i32
        %dma_wait3A_166 = tpu.memref_slice %arg4[%add3A_144, %dma_wait3A_165] : memref<65536x256xi32, #tpu.memory_space<hbm>> -> memref<128x256xi32, #tpu.memory_space<hbm>>
        %dma_wait3A_167 = arith.constant 0 : i32
        %dma_wait3A_168 = arith.constant 0 : i32
        %dma_wait3A_169 = tpu.memref_slice %arg6[%run_scoped3A_145, %dma_wait3A_167, %dma_wait3A_168] : memref<3x128x256xi32, #tpu.memory_space<vmem>> -> memref<1x128x256xi32, #tpu.memory_space<vmem>>
        %dma_wait3A_170 = tpu.memref_squeeze %dma_wait3A_169 : memref<1x128x256xi32, #tpu.memory_space<vmem>> -> memref<128x256xi32, #tpu.memory_space<vmem>>
        tpu.wait_dma2 semaphore(%run_scoped3A_146 : memref<!tpu.dma_semaphore, #tpu.memory_space<semaphore_mem>>) src(%dma_wait3A_170 : memref<128x256xi32, #tpu.memory_space<vmem>>) dst(%dma_wait3A_166 : memref<128x256xi32, #tpu.memory_space<hbm>>)
        tpu.yield
      }) : () -> ()
    }
    %scan3A_7 = arith.constant 5 : i32
    %add3A_8 = arith.constant 1920 : i32
    %add3A_9 = arith.addi %mul3A_2, %add3A_8 : i32
    %run_scoped3A = arith.constant 0 : i32
    "tpu.region"() ({
      %run_scoped3A_35 = tpu.sem_alloc : memref<!tpu.dma_semaphore, #tpu.memory_space<semaphore_mem>>
      %dma_start3A_36 = arith.constant 0 : i32
      %dma_start3A_37 = tpu.memref_slice %arg5[%run_scoped3A, %dma_start3A_36] : memref<3x128xi32, #tpu.memory_space<vmem>> -> memref<1x128xi32, #tpu.memory_space<vmem>>
      %dma_start3A_38 = tpu.memref_squeeze %dma_start3A_37 : memref<1x128xi32, #tpu.memory_space<vmem>> -> memref<128xi32, #tpu.memory_space<vmem>>
      %dma_start3A_39 = tpu.memref_slice %arg3[%add3A_9] : memref<65536xi32, #tpu.memory_space<hbm>> -> memref<128xi32, #tpu.memory_space<hbm>>
      %dma_start3A_40 = arith.constant 0 : i32
      %dma_start3A_41 = tpu.memref_slice %arg5[%run_scoped3A, %dma_start3A_40] : memref<3x128xi32, #tpu.memory_space<vmem>> -> memref<1x128xi32, #tpu.memory_space<vmem>>
      %dma_start3A_42 = tpu.memref_squeeze %dma_start3A_41 : memref<1x128xi32, #tpu.memory_space<vmem>> -> memref<128xi32, #tpu.memory_space<vmem>>
      %dma_start3A_43 = tpu.memref_slice %arg3[%add3A_9] : memref<65536xi32, #tpu.memory_space<hbm>> -> memref<128xi32, #tpu.memory_space<hbm>>
      tpu.enqueue_dma source(%dma_start3A_43 : memref<128xi32, #tpu.memory_space<hbm>>) target(%dma_start3A_42 : memref<128xi32, #tpu.memory_space<vmem>>) target_semaphore(%run_scoped3A_35 : memref<!tpu.dma_semaphore, #tpu.memory_space<semaphore_mem>>)
      %dma_wait3A_44 = arith.constant 0 : i32
      %dma_wait3A_45 = tpu.memref_slice %arg5[%run_scoped3A, %dma_wait3A_44] : memref<3x128xi32, #tpu.memory_space<vmem>> -> memref<1x128xi32, #tpu.memory_space<vmem>>
      %dma_wait3A_46 = tpu.memref_squeeze %dma_wait3A_45 : memref<1x128xi32, #tpu.memory_space<vmem>> -> memref<128xi32, #tpu.memory_space<vmem>>
      %dma_wait3A_47 = tpu.memref_slice %arg3[%add3A_9] : memref<65536xi32, #tpu.memory_space<hbm>> -> memref<128xi32, #tpu.memory_space<hbm>>
      %dma_wait3A_48 = arith.constant 0 : i32
      %dma_wait3A_49 = tpu.memref_slice %arg5[%run_scoped3A, %dma_wait3A_48] : memref<3x128xi32, #tpu.memory_space<vmem>> -> memref<1x128xi32, #tpu.memory_space<vmem>>
      %dma_wait3A_50 = tpu.memref_squeeze %dma_wait3A_49 : memref<1x128xi32, #tpu.memory_space<vmem>> -> memref<128xi32, #tpu.memory_space<vmem>>
      %dma_wait3A_51 = tpu.memref_slice %arg3[%add3A_9] : memref<65536xi32, #tpu.memory_space<hbm>> -> memref<128xi32, #tpu.memory_space<hbm>>
      tpu.wait_dma2 semaphore(%run_scoped3A_35 : memref<!tpu.dma_semaphore, #tpu.memory_space<semaphore_mem>>) src(%dma_wait3A_51 : memref<128xi32, #tpu.memory_space<hbm>>) dst(%dma_wait3A_50 : memref<128xi32, #tpu.memory_space<vmem>>)
      tpu.yield
    }) : () -> ()
    %dma_start3A = arith.constant 0 : i32
    %dma_start3A_10 = arith.constant 0 : i32
    %dma_start3A_11 = arith.constant 0 : i32
    %dma_start3A_12 = arith.constant 0 : i32
    %dma_start3A_13 = tpu.memref_slice %arg6[%dma_start3A_10, %dma_start3A_11, %dma_start3A_12] : memref<3x128x256xi32, #tpu.memory_space<vmem>> -> memref<1x128x256xi32, #tpu.memory_space<vmem>>
    %dma_start3A_14 = tpu.memref_squeeze %dma_start3A_13 : memref<1x128x256xi32, #tpu.memory_space<vmem>> -> memref<128x256xi32, #tpu.memory_space<vmem>>
    %dma_start3A_15 = arith.constant 0 : i32
    %dma_start3A_16 = tpu.memref_slice %arg5[%dma_start3A, %dma_start3A_15] : memref<3x128xi32, #tpu.memory_space<vmem>> -> memref<1x128xi32, #tpu.memory_space<vmem>>
    %dma_start3A_17 = tpu.memref_squeeze %dma_start3A_16 : memref<1x128xi32, #tpu.memory_space<vmem>> -> memref<128xi32, #tpu.memory_space<vmem>>
    %dma_start3A_18 = arith.constant 0 : i32
    %dma_start3A_19 = arith.constant 0 : i32
    %dma_start3A_20 = tpu.memref_slice %arg2[%dma_start3A_18, %dma_start3A_19] : memref<4096x256xi32, #tpu.memory_space<hbm>> -> memref<4096x256xi32, #tpu.memory_space<hbm>>
    tpu.enqueue_indirect_dma source(%dma_start3A_20 : memref<4096x256xi32, #tpu.memory_space<hbm>>) target(%dma_start3A_14 : memref<128x256xi32, #tpu.memory_space<vmem>>) offsets(%dma_start3A_17 : memref<128xi32, #tpu.memory_space<vmem>>) semaphore(%arg7 : memref<!tpu.dma_semaphore, #tpu.memory_space<semaphore_mem>>)
    %dma_wait3A = arith.constant 0 : i32
    %dma_wait3A_21 = arith.constant 0 : i32
    %dma_wait3A_22 = arith.constant 0 : i32
    %dma_wait3A_23 = arith.constant 0 : i32
    %dma_wait3A_24 = tpu.memref_slice %arg6[%dma_wait3A_21, %dma_wait3A_22, %dma_wait3A_23] : memref<3x128x256xi32, #tpu.memory_space<vmem>> -> memref<1x128x256xi32, #tpu.memory_space<vmem>>
    %dma_wait3A_25 = tpu.memref_squeeze %dma_wait3A_24 : memref<1x128x256xi32, #tpu.memory_space<vmem>> -> memref<128x256xi32, #tpu.memory_space<vmem>>
    %dma_wait3A_26 = arith.constant 0 : i32
    %dma_wait3A_27 = tpu.memref_slice %arg5[%dma_wait3A, %dma_wait3A_26] : memref<3x128xi32, #tpu.memory_space<vmem>> -> memref<1x128xi32, #tpu.memory_space<vmem>>
    %dma_wait3A_28 = tpu.memref_squeeze %dma_wait3A_27 : memref<1x128xi32, #tpu.memory_space<vmem>> -> memref<128xi32, #tpu.memory_space<vmem>>
    %dma_wait3A_29 = arith.constant 0 : i32
    %dma_wait3A_30 = arith.constant 0 : i32
    %dma_wait3A_31 = tpu.memref_slice %arg2[%dma_wait3A_29, %dma_wait3A_30] : memref<4096x256xi32, #tpu.memory_space<hbm>> -> memref<4096x256xi32, #tpu.memory_space<hbm>>
    tpu.wait_indirect_dma semaphore(%arg7 : memref<!tpu.dma_semaphore, #tpu.memory_space<semaphore_mem>>) src(%dma_wait3A_31 : memref<4096x256xi32, #tpu.memory_space<hbm>>) dst(%dma_wait3A_25 : memref<128x256xi32, #tpu.memory_space<vmem>>)
    %add3A_32 = arith.constant 1920 : i32
    %add3A_33 = arith.addi %mul3A_2, %add3A_32 : i32
    %run_scoped3A_34 = arith.constant 0 : i32
    "tpu.region"() ({
      %run_scoped3A_35 = tpu.sem_alloc : memref<!tpu.dma_semaphore, #tpu.memory_space<semaphore_mem>>
      %dma_start3A_36 = arith.constant 0 : i32
      %dma_start3A_37 = arith.constant 0 : i32
      %dma_start3A_38 = tpu.memref_slice %arg6[%run_scoped3A_34, %dma_start3A_36, %dma_start3A_37] : memref<3x128x256xi32, #tpu.memory_space<vmem>> -> memref<1x128x256xi32, #tpu.memory_space<vmem>>
      %dma_start3A_39 = tpu.memref_squeeze %dma_start3A_38 : memref<1x128x256xi32, #tpu.memory_space<vmem>> -> memref<128x256xi32, #tpu.memory_space<vmem>>
      %dma_start3A_40 = arith.constant 0 : i32
      %dma_start3A_41 = tpu.memref_slice %arg4[%add3A_33, %dma_start3A_40] : memref<65536x256xi32, #tpu.memory_space<hbm>> -> memref<128x256xi32, #tpu.memory_space<hbm>>
      %dma_start3A_42 = arith.constant 0 : i32
      %dma_start3A_43 = tpu.memref_slice %arg4[%add3A_33, %dma_start3A_42] : memref<65536x256xi32, #tpu.memory_space<hbm>> -> memref<128x256xi32, #tpu.memory_space<hbm>>
      %dma_start3A_44 = arith.constant 0 : i32
      %dma_start3A_45 = arith.constant 0 : i32
      %dma_start3A_46 = tpu.memref_slice %arg6[%run_scoped3A_34, %dma_start3A_44, %dma_start3A_45] : memref<3x128x256xi32, #tpu.memory_space<vmem>> -> memref<1x128x256xi32, #tpu.memory_space<vmem>>
      %dma_start3A_47 = tpu.memref_squeeze %dma_start3A_46 : memref<1x128x256xi32, #tpu.memory_space<vmem>> -> memref<128x256xi32, #tpu.memory_space<vmem>>
      tpu.enqueue_dma source(%dma_start3A_47 : memref<128x256xi32, #tpu.memory_space<vmem>>) target(%dma_start3A_43 : memref<128x256xi32, #tpu.memory_space<hbm>>) target_semaphore(%run_scoped3A_35 : memref<!tpu.dma_semaphore, #tpu.memory_space<semaphore_mem>>)
      %dma_wait3A_48 = arith.constant 0 : i32
      %dma_wait3A_49 = arith.constant 0 : i32
      %dma_wait3A_50 = tpu.memref_slice %arg6[%run_scoped3A_34, %dma_wait3A_48, %dma_wait3A_49] : memref<3x128x256xi32, #tpu.memory_space<vmem>> -> memref<1x128x256xi32, #tpu.memory_space<vmem>>
      %dma_wait3A_51 = tpu.memref_squeeze %dma_wait3A_50 : memref<1x128x256xi32, #tpu.memory_space<vmem>> -> memref<128x256xi32, #tpu.memory_space<vmem>>
      %dma_wait3A_52 = arith.constant 0 : i32
      %dma_wait3A_53 = tpu.memref_slice %arg4[%add3A_33, %dma_wait3A_52] : memref<65536x256xi32, #tpu.memory_space<hbm>> -> memref<128x256xi32, #tpu.memory_space<hbm>>
      %dma_wait3A_54 = arith.constant 0 : i32
      %dma_wait3A_55 = tpu.memref_slice %arg4[%add3A_33, %dma_wait3A_54] : memref<65536x256xi32, #tpu.memory_space<hbm>> -> memref<128x256xi32, #tpu.memory_space<hbm>>
      %dma_wait3A_56 = arith.constant 0 : i32
      %dma_wait3A_57 = arith.constant 0 : i32
      %dma_wait3A_58 = tpu.memref_slice %arg6[%run_scoped3A_34, %dma_wait3A_56, %dma_wait3A_57] : memref<3x128x256xi32, #tpu.memory_space<vmem>> -> memref<1x128x256xi32, #tpu.memory_space<vmem>>
      %dma_wait3A_59 = tpu.memref_squeeze %dma_wait3A_58 : memref<1x128x256xi32, #tpu.memory_space<vmem>> -> memref<128x256xi32, #tpu.memory_space<vmem>>
      tpu.wait_dma2 semaphore(%run_scoped3A_35 : memref<!tpu.dma_semaphore, #tpu.memory_space<semaphore_mem>>) src(%dma_wait3A_59 : memref<128x256xi32, #tpu.memory_space<vmem>>) dst(%dma_wait3A_55 : memref<128x256xi32, #tpu.memory_space<hbm>>)
      tpu.yield
    }) : () -> ()
    return
  }
}

module attributes {stable_mosaic.version = 14 : i64} {
  func.func @_knn_body(%arg0: i32, %arg1: i32, %arg2: memref<1x256x16xf32, #tpu.memory_space<vmem>>, %arg3: memref<1x16x2048xf32, #tpu.memory_space<vmem>>, %arg4: memref<1x128x256xf32, #tpu.memory_space<vmem>>, %arg5: memref<384x128xf32, #tpu.memory_space<vmem>>, %arg6: memref<16x64xf32, #tpu.memory_space<vmem>>, %arg7: memref<1x256x16xi32, #tpu.memory_space<vmem>>, %arg8: memref<1x256x128xf32, #tpu.memory_space<vmem>>, %arg9: memref<1x256x64xf32, #tpu.memory_space<vmem>>, %arg10: memref<1x256x256xi32, #tpu.memory_space<vmem>>) attributes {dimension_semantics = [#tpu.dimension_semantics<arbitrary>, #tpu.dimension_semantics<arbitrary>], iteration_bounds = array<i64: 2, 8>, scalar_prefetch = 0 : i64, scratch_operands = 0 : i64, tpu.core_type = #tpu.core_type<tc>, window_params = [{transform_indices = @transform_0, window_bounds = array<i64: 1, 256, 16>}, {transform_indices = @transform_1, window_bounds = array<i64: 1, 16, 2048>}, {transform_indices = @transform_2, window_bounds = array<i64: 1, 128, 256>}, {pipeline_mode = #tpu.pipeline_mode<synchronous>, transform_indices = @transform_3, window_bounds = array<i64: 384, 128>}, {pipeline_mode = #tpu.pipeline_mode<synchronous>, transform_indices = @transform_4, window_bounds = array<i64: 16, 64>}, {transform_indices = @transform_5, window_bounds = array<i64: 1, 256, 16>}, {transform_indices = @transform_6, window_bounds = array<i64: 1, 256, 128>}, {transform_indices = @transform_7, window_bounds = array<i64: 1, 256, 64>}, {transform_indices = @transform_8, window_bounds = array<i64: 1, 256, 256>}]} {
    %get3A = arith.constant 0 : index
    %get3A_0 = arith.constant 0 : index
    %get3A_1 = arith.constant 0 : index
    %get3A_2 = vector.load %arg2[%get3A, %get3A_0, %get3A_1] : memref<1x256x16xf32, #tpu.memory_space<vmem>>, vector<1x256x16xf32>
    %get3A_3 = vector.shape_cast %get3A_2 : vector<1x256x16xf32> to vector<256x16xf32>
    %get3A_4 = arith.constant 0 : index
    %get3A_5 = arith.constant 0 : index
    %get3A_6 = arith.constant 0 : index
    %get3A_7 = vector.load %arg3[%get3A_4, %get3A_5, %get3A_6] : memref<1x16x2048xf32, #tpu.memory_space<vmem>>, vector<1x16x2048xf32>
    %get3A_8 = vector.shape_cast %get3A_7 : vector<1x16x2048xf32> to vector<16x2048xf32>
    %get3A_9 = arith.constant 0 : index
    %get3A_10 = arith.constant 0 : index
    %get3A_11 = arith.constant 0 : index
    %get3A_12 = vector.load %arg4[%get3A_9, %get3A_10, %get3A_11] : memref<1x128x256xf32, #tpu.memory_space<vmem>>, vector<1x128x256xf32>
    %get3A_13 = vector.shape_cast %get3A_12 : vector<1x128x256xf32> to vector<128x256xf32>
    %get3A_14 = arith.constant 0 : index
    %get3A_15 = arith.constant 0 : index
    %get3A_16 = vector.load %arg5[%get3A_14, %get3A_15] : memref<384x128xf32, #tpu.memory_space<vmem>>, vector<384x128xf32>
    %dot_general3A = arith.constant dense<0.000000e+00> : vector<256x384xf32>
    %dot_general3A_17 = tpu.matmul %get3A_13, %get3A_16, %dot_general3A {dimension_numbers = #tpu.dot_dimension_numbers<[0], [1], [1], [0], [0, 1, 1, 0], [], []>, transpose_lhs_hint = false} : vector<128x256xf32>, vector<384x128xf32>, vector<256x384xf32> -> vector<256x384xf32>
    %get3A_18 = arith.constant 0 : index
    %get3A_19 = arith.constant 0 : index
    %get3A_20 = vector.load %arg6[%get3A_18, %get3A_19] : memref<16x64xf32, #tpu.memory_space<vmem>>, vector<16x64xf32>
    %dot_general3A_21 = arith.constant dense<0.000000e+00> : vector<256x64xf32>
    %dot_general3A_22 = tpu.matmul %get3A_3, %get3A_20, %dot_general3A_21 {dimension_numbers = #tpu.dot_dimension_numbers<[1], [0], [0], [1], [0, 0, 1, 1], [], []>, transpose_lhs_hint = false} : vector<256x16xf32>, vector<16x64xf32>, vector<256x64xf32> -> vector<256x64xf32>
    %slice3A = vector.extract_strided_slice %dot_general3A_17 {offsets = [0, 0], sizes = [256, 128], strides = [1, 1]} : vector<256x384xf32> to vector<256x128xf32>
    %swap3A = arith.constant 0 : index
    %swap3A_23 = arith.constant 0 : index
    %swap3A_24 = arith.constant 0 : index
    %swap3A_25 = vector.load %arg8[%swap3A, %swap3A_23, %swap3A_24] : memref<1x256x128xf32, #tpu.memory_space<vmem>>, vector<1x256x128xf32>
    %swap3A_26 = vector.shape_cast %swap3A_25 : vector<1x256x128xf32> to vector<256x128xf32>
    %swap3A_27 = vector.shape_cast %slice3A : vector<256x128xf32> to vector<1x256x128xf32>
    tpu.vector_store %arg8[%swap3A, %swap3A_23, %swap3A_24], %swap3A_27 {strides = array<i32>} : memref<1x256x128xf32, #tpu.memory_space<vmem>>, vector<1x256x128xf32>,
    %swap3A_28 = arith.constant 0 : index
    %swap3A_29 = arith.constant 0 : index
    %swap3A_30 = arith.constant 0 : index
    %swap3A_31 = vector.load %arg9[%swap3A_28, %swap3A_29, %swap3A_30] : memref<1x256x64xf32, #tpu.memory_space<vmem>>, vector<1x256x64xf32>
    %swap3A_32 = vector.shape_cast %swap3A_31 : vector<1x256x64xf32> to vector<256x64xf32>
    %swap3A_33 = vector.shape_cast %dot_general3A_22 : vector<256x64xf32> to vector<1x256x64xf32>
    tpu.vector_store %arg9[%swap3A_28, %swap3A_29, %swap3A_30], %swap3A_33 {strides = array<i32>} : memref<1x256x64xf32, #tpu.memory_space<vmem>>, vector<1x256x64xf32>,
    %slice3A_34 = vector.extract_strided_slice %dot_general3A_17 {offsets = [0, 128], sizes = [256, 128], strides = [1, 1]} : vector<256x384xf32> to vector<256x128xf32>
    %slice3A_35 = vector.extract_strided_slice %dot_general3A_17 {offsets = [0, 256], sizes = [256, 128], strides = [1, 1]} : vector<256x384xf32> to vector<256x128xf32>
    %bitcast_convert_type3A = tpu.bitcast %slice3A_34 : vector<256x128xf32> -> vector<256x128xi32>
    %bitcast_convert_type3A_36 = tpu.bitcast %slice3A_35 : vector<256x128xf32> -> vector<256x128xi32>
    %add3A = arith.constant 32767 : i32
    %add3A_37 = vector.broadcast %add3A : i32 to vector<256x128xi32>
    %add3A_38 = arith.addi %bitcast_convert_type3A, %add3A_37 : vector<256x128xi32>
    %shift_right_logical3A = arith.constant 16 : i32
    %shift_right_logical3A_39 = vector.broadcast %shift_right_logical3A : i32 to vector<256x128xi32>
    %shift_right_logical3A_40 = arith.shrui %bitcast_convert_type3A, %shift_right_logical3A_39 : vector<256x128xi32>
    %and3A = arith.constant 1 : i32
    %and3A_41 = vector.broadcast %and3A : i32 to vector<256x128xi32>
    %and3A_42 = arith.andi %shift_right_logical3A_40, %and3A_41 : vector<256x128xi32>
    %add3A_43 = arith.addi %add3A_38, %and3A_42 : vector<256x128xi32>
    %and3A_44 = arith.constant -65536 : i32
    %and3A_45 = vector.broadcast %and3A_44 : i32 to vector<256x128xi32>
    %and3A_46 = arith.andi %add3A_43, %and3A_45 : vector<256x128xi32>
    %add3A_47 = arith.constant 32767 : i32
    %add3A_48 = vector.broadcast %add3A_47 : i32 to vector<256x128xi32>
    %add3A_49 = arith.addi %bitcast_convert_type3A_36, %add3A_48 : vector<256x128xi32>
    %shift_right_logical3A_50 = arith.constant 16 : i32
    %shift_right_logical3A_51 = vector.broadcast %shift_right_logical3A_50 : i32 to vector<256x128xi32>
    %shift_right_logical3A_52 = arith.shrui %bitcast_convert_type3A_36, %shift_right_logical3A_51 : vector<256x128xi32>
    %and3A_53 = arith.constant 1 : i32
    %and3A_54 = vector.broadcast %and3A_53 : i32 to vector<256x128xi32>
    %and3A_55 = arith.andi %shift_right_logical3A_52, %and3A_54 : vector<256x128xi32>
    %add3A_56 = arith.addi %add3A_49, %and3A_55 : vector<256x128xi32>
    %shift_right_logical3A_57 = arith.constant 16 : i32
    %shift_right_logical3A_58 = vector.broadcast %shift_right_logical3A_57 : i32 to vector<256x128xi32>
    %shift_right_logical3A_59 = arith.shrui %add3A_56, %shift_right_logical3A_58 : vector<256x128xi32>
    %or3A = arith.ori %and3A_46, %shift_right_logical3A_59 : vector<256x128xi32>
    %bitcast_convert_type3A_60 = tpu.bitcast %or3A : vector<256x128xi32> -> vector<256x128xi32>
    %slice3A_61 = vector.extract_strided_slice %dot_general3A_22 {offsets = [0, 0], sizes = [256, 32], strides = [1, 1]} : vector<256x64xf32> to vector<256x32xf32>
    %slice3A_62 = vector.extract_strided_slice %dot_general3A_22 {offsets = [0, 32], sizes = [256, 32], strides = [1, 1]} : vector<256x64xf32> to vector<256x32xf32>
    %bitcast_convert_type3A_63 = tpu.bitcast %slice3A_61 : vector<256x32xf32> -> vector<256x32xi32>
    %bitcast_convert_type3A_64 = tpu.bitcast %slice3A_62 : vector<256x32xf32> -> vector<256x32xi32>
    %add3A_65 = arith.constant 32767 : i32
    %add3A_66 = vector.broadcast %add3A_65 : i32 to vector<256x32xi32>
    %add3A_67 = arith.addi %bitcast_convert_type3A_63, %add3A_66 : vector<256x32xi32>
    %shift_right_logical3A_68 = arith.constant 16 : i32
    %shift_right_logical3A_69 = vector.broadcast %shift_right_logical3A_68 : i32 to vector<256x32xi32>
    %shift_right_logical3A_70 = arith.shrui %bitcast_convert_type3A_63, %shift_right_logical3A_69 : vector<256x32xi32>
    %and3A_71 = arith.constant 1 : i32
    %and3A_72 = vector.broadcast %and3A_71 : i32 to vector<256x32xi32>
    %and3A_73 = arith.andi %shift_right_logical3A_70, %and3A_72 : vector<256x32xi32>
    %add3A_74 = arith.addi %add3A_67, %and3A_73 : vector<256x32xi32>
    %and3A_75 = arith.constant -65536 : i32
    %and3A_76 = vector.broadcast %and3A_75 : i32 to vector<256x32xi32>
    %and3A_77 = arith.andi %add3A_74, %and3A_76 : vector<256x32xi32>
    %add3A_78 = arith.constant 32767 : i32
    %add3A_79 = vector.broadcast %add3A_78 : i32 to vector<256x32xi32>
    %add3A_80 = arith.addi %bitcast_convert_type3A_64, %add3A_79 : vector<256x32xi32>
    %shift_right_logical3A_81 = arith.constant 16 : i32
    %shift_right_logical3A_82 = vector.broadcast %shift_right_logical3A_81 : i32 to vector<256x32xi32>
    %shift_right_logical3A_83 = arith.shrui %bitcast_convert_type3A_64, %shift_right_logical3A_82 : vector<256x32xi32>
    %and3A_84 = arith.constant 1 : i32
    %and3A_85 = vector.broadcast %and3A_84 : i32 to vector<256x32xi32>
    %and3A_86 = arith.andi %shift_right_logical3A_83, %and3A_85 : vector<256x32xi32>
    %add3A_87 = arith.addi %add3A_80, %and3A_86 : vector<256x32xi32>
    %shift_right_logical3A_88 = arith.constant 16 : i32
    %shift_right_logical3A_89 = vector.broadcast %shift_right_logical3A_88 : i32 to vector<256x32xi32>
    %shift_right_logical3A_90 = arith.shrui %add3A_87, %shift_right_logical3A_89 : vector<256x32xi32>
    %or3A_91 = arith.ori %and3A_77, %shift_right_logical3A_90 : vector<256x32xi32>
    %bitcast_convert_type3A_92 = tpu.bitcast %or3A_91 : vector<256x32xi32> -> vector<256x32xi32>
    %broadcast_in_dim3A = arith.constant 0 : i32
    %broadcast_in_dim3A_93 = vector.broadcast %broadcast_in_dim3A : i32 to vector<256x96xi32>
    %concatenate3A = tpu.concatenate %bitcast_convert_type3A_60, %bitcast_convert_type3A_92, %broadcast_in_dim3A_93 in 1 : vector<256x128xi32>, vector<256x32xi32>, vector<256x96xi32> -> vector<256x256xi32>
    %swap3A_94 = arith.constant 0 : index
    %swap3A_95 = arith.constant 0 : index
    %swap3A_96 = arith.constant 0 : index
    %swap3A_97 = vector.load %arg10[%swap3A_94, %swap3A_95, %swap3A_96] : memref<1x256x256xi32, #tpu.memory_space<vmem>>, vector<1x256x256xi32>
    %swap3A_98 = vector.shape_cast %swap3A_97 : vector<1x256x256xi32> to vector<256x256xi32>
    %swap3A_99 = vector.shape_cast %concatenate3A : vector<256x256xi32> to vector<1x256x256xi32>
    tpu.vector_store %arg10[%swap3A_94, %swap3A_95, %swap3A_96], %swap3A_99 {strides = array<i32>} : memref<1x256x256xi32, #tpu.memory_space<vmem>>, vector<1x256x256xi32>,
    %dot_general3A_100 = arith.constant dense<0.000000e+00> : vector<256x2048xf32>
    %dot_general3A_101 = tpu.matmul %get3A_3, %get3A_8, %dot_general3A_100 {dimension_numbers = #tpu.dot_dimension_numbers<[1], [0], [0], [1], [0, 0, 1, 1], [], []>, transpose_lhs_hint = false} : vector<256x16xf32>, vector<16x2048xf32>, vector<256x2048xf32> -> vector<256x2048xf32>
    %mul3A = arith.mulf %get3A_3, %get3A_3 : vector<256x16xf32>
    %reduce_sum3A = arith.constant dense<0.000000e+00> : vector<256xf32>
    %reduce_sum3A_102 = vector.multi_reduction <add>, %mul3A, %reduce_sum3A [1] : vector<256x16xf32> to vector<256xf32>
    %broadcast_in_dim3A_103 = vector.shape_cast %reduce_sum3A_102 : vector<256xf32> to vector<256x1xf32>
    %mul3A_104 = arith.mulf %get3A_8, %get3A_8 : vector<16x2048xf32>
    %reduce_sum3A_105 = arith.constant dense<0.000000e+00> : vector<2048xf32>
    %reduce_sum3A_106 = vector.multi_reduction <add>, %mul3A_104, %reduce_sum3A_105 [0] : vector<16x2048xf32> to vector<2048xf32>
    %broadcast_in_dim3A_107 = vector.shape_cast %reduce_sum3A_106 : vector<2048xf32> to vector<1x2048xf32>
    %add3A_108 = vector.broadcast %broadcast_in_dim3A_103 : vector<256x1xf32> to vector<256x2048xf32>
    %add3A_109 = vector.broadcast %broadcast_in_dim3A_107 : vector<1x2048xf32> to vector<256x2048xf32>
    %add3A_110 = arith.addf %add3A_108, %add3A_109 : vector<256x2048xf32>
    %mul3A_111 = arith.constant 2.000000e+00 : f32
    %mul3A_112 = vector.broadcast %mul3A_111 : f32 to vector<256x2048xf32>
    %mul3A_113 = arith.mulf %mul3A_112, %dot_general3A_101 : vector<256x2048xf32>
    %sub3A = arith.subf %add3A_110, %mul3A_113 : vector<256x2048xf32>
    %iota3A = tpu.iota {dimensions = array<i32: 1>} : vector<256x2048xi32>
    %convert_element_type3A = arith.sitofp %iota3A : vector<256x2048xi32> to vector<256x2048xf32>
    %iota3A_114 = tpu.iota {dimensions = array<i32: 1>} : vector<256x16xi32>
    %mul3A_115 = arith.constant 2048 : i32
    %mul3A_116 = arith.muli %arg0, %mul3A_115 : i32
    %broadcast_in_dim3A_117 = arith.constant 0 : i32
    %broadcast_in_dim3A_118 = vector.broadcast %broadcast_in_dim3A_117 : i32 to vector<256x16xi32>
    %reduce_min3A = arith.constant dense<0x7F800000> : vector<256xf32>
    %reduce_min3A_119 = vector.multi_reduction <minimumf>, %sub3A, %reduce_min3A [1] : vector<256x2048xf32> to vector<256xf32>
    %broadcast_in_dim3A_120 = vector.shape_cast %reduce_min3A_119 : vector<256xf32> to vector<256x1xf32>
    %eq3A = vector.broadcast %broadcast_in_dim3A_120 : vector<256x1xf32> to vector<256x2048xf32>
    %eq3A_121 = arith.cmpf oeq, %sub3A, %eq3A : vector<256x2048xf32>
    %jit3A = arith.constant 2.048000e+03 : f32
    %broadcast_in_dim3A_122 = vector.broadcast %jit3A : f32 to vector<256x2048xf32>
    %select_n3A = arith.select %eq3A_121, %convert_element_type3A, %broadcast_in_dim3A_122 : vector<256x2048xi1>, vector<256x2048xf32>
    %reduce_min3A_123 = arith.constant dense<0x7F800000> : vector<256xf32>
    %reduce_min3A_124 = vector.multi_reduction <minimumf>, %select_n3A, %reduce_min3A_123 [1] : vector<256x2048xf32> to vector<256xf32>
    %broadcast_in_dim3A_125 = vector.shape_cast %reduce_min3A_124 : vector<256xf32> to vector<256x1xf32>
    %eq3A_126 = arith.constant 0 : i32
    %eq3A_127 = vector.broadcast %eq3A_126 : i32 to vector<256x16xi32>
    %eq3A_128 = arith.cmpi eq, %iota3A_114, %eq3A_127 : vector<256x16xi32>
    %convert_element_type3A_129 = arith.fptosi %broadcast_in_dim3A_125 : vector<256x1xf32> to vector<256x1xi32>
    %add3A_130 = vector.broadcast %mul3A_116 : i32 to vector<256x1xi32>
    %add3A_131 = arith.addi %convert_element_type3A_129, %add3A_130 : vector<256x1xi32>
    %broadcast_in_dim3A_132 = vector.shape_cast %add3A_131 : vector<256x1xi32> to vector<256x1xi32>
    %broadcast_in_dim3A_133 = vector.broadcast %broadcast_in_dim3A_132 : vector<256x1xi32> to vector<256x16xi32>
    %select_n3A_134 = arith.select %eq3A_128, %broadcast_in_dim3A_133, %broadcast_in_dim3A_118 : vector<256x16xi1>, vector<256x16xi32>
    %eq3A_135 = vector.broadcast %broadcast_in_dim3A_125 : vector<256x1xf32> to vector<256x2048xf32>
    %eq3A_136 = arith.cmpf oeq, %convert_element_type3A, %eq3A_135 : vector<256x2048xf32>
    %jit3A_137 = arith.constant 0x7F800000 : f32
    %broadcast_in_dim3A_138 = vector.broadcast %jit3A_137 : f32 to vector<256x2048xf32>
    %select_n3A_139 = arith.select %eq3A_136, %broadcast_in_dim3A_138, %sub3A : vector<256x2048xi1>, vector<256x2048xf32>
    %reduce_min3A_140 = arith.constant dense<0x7F800000> : vector<256xf32>
    %reduce_min3A_141 = vector.multi_reduction <minimumf>, %select_n3A_139, %reduce_min3A_140 [1] : vector<256x2048xf32> to vector<256xf32>
    %broadcast_in_dim3A_142 = vector.shape_cast %reduce_min3A_141 : vector<256xf32> to vector<256x1xf32>
    %eq3A_143 = vector.broadcast %broadcast_in_dim3A_142 : vector<256x1xf32> to vector<256x2048xf32>
    %eq3A_144 = arith.cmpf oeq, %select_n3A_139, %eq3A_143 : vector<256x2048xf32>
    %jit3A_145 = arith.constant 2.048000e+03 : f32
    %broadcast_in_dim3A_146 = vector.broadcast %jit3A_145 : f32 to vector<256x2048xf32>
    %select_n3A_147 = arith.select %eq3A_144, %convert_element_type3A, %broadcast_in_dim3A_146 : vector<256x2048xi1>, vector<256x2048xf32>
    %reduce_min3A_148 = arith.constant dense<0x7F800000> : vector<256xf32>
    %reduce_min3A_149 = vector.multi_reduction <minimumf>, %select_n3A_147, %reduce_min3A_148 [1] : vector<256x2048xf32> to vector<256xf32>
    %broadcast_in_dim3A_150 = vector.shape_cast %reduce_min3A_149 : vector<256xf32> to vector<256x1xf32>
    %eq3A_151 = arith.constant 1 : i32
    %eq3A_152 = vector.broadcast %eq3A_151 : i32 to vector<256x16xi32>
    %eq3A_153 = arith.cmpi eq, %iota3A_114, %eq3A_152 : vector<256x16xi32>
    %convert_element_type3A_154 = arith.fptosi %broadcast_in_dim3A_150 : vector<256x1xf32> to vector<256x1xi32>
    %add3A_155 = vector.broadcast %mul3A_116 : i32 to vector<256x1xi32>
    %add3A_156 = arith.addi %convert_element_type3A_154, %add3A_155 : vector<256x1xi32>
    %broadcast_in_dim3A_157 = vector.shape_cast %add3A_156 : vector<256x1xi32> to vector<256x1xi32>
    %broadcast_in_dim3A_158 = vector.broadcast %broadcast_in_dim3A_157 : vector<256x1xi32> to vector<256x16xi32>
    %select_n3A_159 = arith.select %eq3A_153, %broadcast_in_dim3A_158, %select_n3A_134 : vector<256x16xi1>, vector<256x16xi32>
    %eq3A_160 = vector.broadcast %broadcast_in_dim3A_150 : vector<256x1xf32> to vector<256x2048xf32>
    %eq3A_161 = arith.cmpf oeq, %convert_element_type3A, %eq3A_160 : vector<256x2048xf32>
    %jit3A_162 = arith.constant 0x7F800000 : f32
    %broadcast_in_dim3A_163 = vector.broadcast %jit3A_162 : f32 to vector<256x2048xf32>
    %select_n3A_164 = arith.select %eq3A_161, %broadcast_in_dim3A_163, %select_n3A_139 : vector<256x2048xi1>, vector<256x2048xf32>
    %reduce_min3A_165 = arith.constant dense<0x7F800000> : vector<256xf32>
    %reduce_min3A_166 = vector.multi_reduction <minimumf>, %select_n3A_164, %reduce_min3A_165 [1] : vector<256x2048xf32> to vector<256xf32>
    %broadcast_in_dim3A_167 = vector.shape_cast %reduce_min3A_166 : vector<256xf32> to vector<256x1xf32>
    %eq3A_168 = vector.broadcast %broadcast_in_dim3A_167 : vector<256x1xf32> to vector<256x2048xf32>
    %eq3A_169 = arith.cmpf oeq, %select_n3A_164, %eq3A_168 : vector<256x2048xf32>
    %jit3A_170 = arith.constant 2.048000e+03 : f32
    %broadcast_in_dim3A_171 = vector.broadcast %jit3A_170 : f32 to vector<256x2048xf32>
    %select_n3A_172 = arith.select %eq3A_169, %convert_element_type3A, %broadcast_in_dim3A_171 : vector<256x2048xi1>, vector<256x2048xf32>
    %reduce_min3A_173 = arith.constant dense<0x7F800000> : vector<256xf32>
    %reduce_min3A_174 = vector.multi_reduction <minimumf>, %select_n3A_172, %reduce_min3A_173 [1] : vector<256x2048xf32> to vector<256xf32>
    %broadcast_in_dim3A_175 = vector.shape_cast %reduce_min3A_174 : vector<256xf32> to vector<256x1xf32>
    %eq3A_176 = arith.constant 2 : i32
    %eq3A_177 = vector.broadcast %eq3A_176 : i32 to vector<256x16xi32>
    %eq3A_178 = arith.cmpi eq, %iota3A_114, %eq3A_177 : vector<256x16xi32>
    %convert_element_type3A_179 = arith.fptosi %broadcast_in_dim3A_175 : vector<256x1xf32> to vector<256x1xi32>
    %add3A_180 = vector.broadcast %mul3A_116 : i32 to vector<256x1xi32>
    %add3A_181 = arith.addi %convert_element_type3A_179, %add3A_180 : vector<256x1xi32>
    %broadcast_in_dim3A_182 = vector.shape_cast %add3A_181 : vector<256x1xi32> to vector<256x1xi32>
    %broadcast_in_dim3A_183 = vector.broadcast %broadcast_in_dim3A_182 : vector<256x1xi32> to vector<256x16xi32>
    %select_n3A_184 = arith.select %eq3A_178, %broadcast_in_dim3A_183, %select_n3A_159 : vector<256x16xi1>, vector<256x16xi32>
    %eq3A_185 = vector.broadcast %broadcast_in_dim3A_175 : vector<256x1xf32> to vector<256x2048xf32>
    %eq3A_186 = arith.cmpf oeq, %convert_element_type3A, %eq3A_185 : vector<256x2048xf32>
    %jit3A_187 = arith.constant 0x7F800000 : f32
    %broadcast_in_dim3A_188 = vector.broadcast %jit3A_187 : f32 to vector<256x2048xf32>
    %select_n3A_189 = arith.select %eq3A_186, %broadcast_in_dim3A_188, %select_n3A_164 : vector<256x2048xi1>, vector<256x2048xf32>
    %reduce_min3A_190 = arith.constant dense<0x7F800000> : vector<256xf32>
    %reduce_min3A_191 = vector.multi_reduction <minimumf>, %select_n3A_189, %reduce_min3A_190 [1] : vector<256x2048xf32> to vector<256xf32>
    %broadcast_in_dim3A_192 = vector.shape_cast %reduce_min3A_191 : vector<256xf32> to vector<256x1xf32>
    %eq3A_193 = vector.broadcast %broadcast_in_dim3A_192 : vector<256x1xf32> to vector<256x2048xf32>
    %eq3A_194 = arith.cmpf oeq, %select_n3A_189, %eq3A_193 : vector<256x2048xf32>
    %jit3A_195 = arith.constant 2.048000e+03 : f32
    %broadcast_in_dim3A_196 = vector.broadcast %jit3A_195 : f32 to vector<256x2048xf32>
    %select_n3A_197 = arith.select %eq3A_194, %convert_element_type3A, %broadcast_in_dim3A_196 : vector<256x2048xi1>, vector<256x2048xf32>
    %reduce_min3A_198 = arith.constant dense<0x7F800000> : vector<256xf32>
    %reduce_min3A_199 = vector.multi_reduction <minimumf>, %select_n3A_197, %reduce_min3A_198 [1] : vector<256x2048xf32> to vector<256xf32>
    %broadcast_in_dim3A_200 = vector.shape_cast %reduce_min3A_199 : vector<256xf32> to vector<256x1xf32>
    %eq3A_201 = arith.constant 3 : i32
    %eq3A_202 = vector.broadcast %eq3A_201 : i32 to vector<256x16xi32>
    %eq3A_203 = arith.cmpi eq, %iota3A_114, %eq3A_202 : vector<256x16xi32>
    %convert_element_type3A_204 = arith.fptosi %broadcast_in_dim3A_200 : vector<256x1xf32> to vector<256x1xi32>
    %add3A_205 = vector.broadcast %mul3A_116 : i32 to vector<256x1xi32>
    %add3A_206 = arith.addi %convert_element_type3A_204, %add3A_205 : vector<256x1xi32>
    %broadcast_in_dim3A_207 = vector.shape_cast %add3A_206 : vector<256x1xi32> to vector<256x1xi32>
    %broadcast_in_dim3A_208 = vector.broadcast %broadcast_in_dim3A_207 : vector<256x1xi32> to vector<256x16xi32>
    %select_n3A_209 = arith.select %eq3A_203, %broadcast_in_dim3A_208, %select_n3A_184 : vector<256x16xi1>, vector<256x16xi32>
    %eq3A_210 = vector.broadcast %broadcast_in_dim3A_200 : vector<256x1xf32> to vector<256x2048xf32>
    %eq3A_211 = arith.cmpf oeq, %convert_element_type3A, %eq3A_210 : vector<256x2048xf32>
    %jit3A_212 = arith.constant 0x7F800000 : f32
    %broadcast_in_dim3A_213 = vector.broadcast %jit3A_212 : f32 to vector<256x2048xf32>
    %select_n3A_214 = arith.select %eq3A_211, %broadcast_in_dim3A_213, %select_n3A_189 : vector<256x2048xi1>, vector<256x2048xf32>
    %reduce_min3A_215 = arith.constant dense<0x7F800000> : vector<256xf32>
    %reduce_min3A_216 = vector.multi_reduction <minimumf>, %select_n3A_214, %reduce_min3A_215 [1] : vector<256x2048xf32> to vector<256xf32>
    %broadcast_in_dim3A_217 = vector.shape_cast %reduce_min3A_216 : vector<256xf32> to vector<256x1xf32>
    %eq3A_218 = vector.broadcast %broadcast_in_dim3A_217 : vector<256x1xf32> to vector<256x2048xf32>
    %eq3A_219 = arith.cmpf oeq, %select_n3A_214, %eq3A_218 : vector<256x2048xf32>
    %jit3A_220 = arith.constant 2.048000e+03 : f32
    %broadcast_in_dim3A_221 = vector.broadcast %jit3A_220 : f32 to vector<256x2048xf32>
    %select_n3A_222 = arith.select %eq3A_219, %convert_element_type3A, %broadcast_in_dim3A_221 : vector<256x2048xi1>, vector<256x2048xf32>
    %reduce_min3A_223 = arith.constant dense<0x7F800000> : vector<256xf32>
    %reduce_min3A_224 = vector.multi_reduction <minimumf>, %select_n3A_222, %reduce_min3A_223 [1] : vector<256x2048xf32> to vector<256xf32>
    %broadcast_in_dim3A_225 = vector.shape_cast %reduce_min3A_224 : vector<256xf32> to vector<256x1xf32>
    %eq3A_226 = arith.constant 4 : i32
    %eq3A_227 = vector.broadcast %eq3A_226 : i32 to vector<256x16xi32>
    %eq3A_228 = arith.cmpi eq, %iota3A_114, %eq3A_227 : vector<256x16xi32>
    %convert_element_type3A_229 = arith.fptosi %broadcast_in_dim3A_225 : vector<256x1xf32> to vector<256x1xi32>
    %add3A_230 = vector.broadcast %mul3A_116 : i32 to vector<256x1xi32>
    %add3A_231 = arith.addi %convert_element_type3A_229, %add3A_230 : vector<256x1xi32>
    %broadcast_in_dim3A_232 = vector.shape_cast %add3A_231 : vector<256x1xi32> to vector<256x1xi32>
    %broadcast_in_dim3A_233 = vector.broadcast %broadcast_in_dim3A_232 : vector<256x1xi32> to vector<256x16xi32>
    %select_n3A_234 = arith.select %eq3A_228, %broadcast_in_dim3A_233, %select_n3A_209 : vector<256x16xi1>, vector<256x16xi32>
    %eq3A_235 = vector.broadcast %broadcast_in_dim3A_225 : vector<256x1xf32> to vector<256x2048xf32>
    %eq3A_236 = arith.cmpf oeq, %convert_element_type3A, %eq3A_235 : vector<256x2048xf32>
    %jit3A_237 = arith.constant 0x7F800000 : f32
    %broadcast_in_dim3A_238 = vector.broadcast %jit3A_237 : f32 to vector<256x2048xf32>
    %select_n3A_239 = arith.select %eq3A_236, %broadcast_in_dim3A_238, %select_n3A_214 : vector<256x2048xi1>, vector<256x2048xf32>
    %reduce_min3A_240 = arith.constant dense<0x7F800000> : vector<256xf32>
    %reduce_min3A_241 = vector.multi_reduction <minimumf>, %select_n3A_239, %reduce_min3A_240 [1] : vector<256x2048xf32> to vector<256xf32>
    %broadcast_in_dim3A_242 = vector.shape_cast %reduce_min3A_241 : vector<256xf32> to vector<256x1xf32>
    %eq3A_243 = vector.broadcast %broadcast_in_dim3A_242 : vector<256x1xf32> to vector<256x2048xf32>
    %eq3A_244 = arith.cmpf oeq, %select_n3A_239, %eq3A_243 : vector<256x2048xf32>
    %jit3A_245 = arith.constant 2.048000e+03 : f32
    %broadcast_in_dim3A_246 = vector.broadcast %jit3A_245 : f32 to vector<256x2048xf32>
    %select_n3A_247 = arith.select %eq3A_244, %convert_element_type3A, %broadcast_in_dim3A_246 : vector<256x2048xi1>, vector<256x2048xf32>
    %reduce_min3A_248 = arith.constant dense<0x7F800000> : vector<256xf32>
    %reduce_min3A_249 = vector.multi_reduction <minimumf>, %select_n3A_247, %reduce_min3A_248 [1] : vector<256x2048xf32> to vector<256xf32>
    %broadcast_in_dim3A_250 = vector.shape_cast %reduce_min3A_249 : vector<256xf32> to vector<256x1xf32>
    %eq3A_251 = arith.constant 5 : i32
    %eq3A_252 = vector.broadcast %eq3A_251 : i32 to vector<256x16xi32>
    %eq3A_253 = arith.cmpi eq, %iota3A_114, %eq3A_252 : vector<256x16xi32>
    %convert_element_type3A_254 = arith.fptosi %broadcast_in_dim3A_250 : vector<256x1xf32> to vector<256x1xi32>
    %add3A_255 = vector.broadcast %mul3A_116 : i32 to vector<256x1xi32>
    %add3A_256 = arith.addi %convert_element_type3A_254, %add3A_255 : vector<256x1xi32>
    %broadcast_in_dim3A_257 = vector.shape_cast %add3A_256 : vector<256x1xi32> to vector<256x1xi32>
    %broadcast_in_dim3A_258 = vector.broadcast %broadcast_in_dim3A_257 : vector<256x1xi32> to vector<256x16xi32>
    %select_n3A_259 = arith.select %eq3A_253, %broadcast_in_dim3A_258, %select_n3A_234 : vector<256x16xi1>, vector<256x16xi32>
    %eq3A_260 = vector.broadcast %broadcast_in_dim3A_250 : vector<256x1xf32> to vector<256x2048xf32>
    %eq3A_261 = arith.cmpf oeq, %convert_element_type3A, %eq3A_260 : vector<256x2048xf32>
    %jit3A_262 = arith.constant 0x7F800000 : f32
    %broadcast_in_dim3A_263 = vector.broadcast %jit3A_262 : f32 to vector<256x2048xf32>
    %select_n3A_264 = arith.select %eq3A_261, %broadcast_in_dim3A_263, %select_n3A_239 : vector<256x2048xi1>, vector<256x2048xf32>
    %reduce_min3A_265 = arith.constant dense<0x7F800000> : vector<256xf32>
    %reduce_min3A_266 = vector.multi_reduction <minimumf>, %select_n3A_264, %reduce_min3A_265 [1] : vector<256x2048xf32> to vector<256xf32>
    %broadcast_in_dim3A_267 = vector.shape_cast %reduce_min3A_266 : vector<256xf32> to vector<256x1xf32>
    %eq3A_268 = vector.broadcast %broadcast_in_dim3A_267 : vector<256x1xf32> to vector<256x2048xf32>
    %eq3A_269 = arith.cmpf oeq, %select_n3A_264, %eq3A_268 : vector<256x2048xf32>
    %jit3A_270 = arith.constant 2.048000e+03 : f32
    %broadcast_in_dim3A_271 = vector.broadcast %jit3A_270 : f32 to vector<256x2048xf32>
    %select_n3A_272 = arith.select %eq3A_269, %convert_element_type3A, %broadcast_in_dim3A_271 : vector<256x2048xi1>, vector<256x2048xf32>
    %reduce_min3A_273 = arith.constant dense<0x7F800000> : vector<256xf32>
    %reduce_min3A_274 = vector.multi_reduction <minimumf>, %select_n3A_272, %reduce_min3A_273 [1] : vector<256x2048xf32> to vector<256xf32>
    %broadcast_in_dim3A_275 = vector.shape_cast %reduce_min3A_274 : vector<256xf32> to vector<256x1xf32>
    %eq3A_276 = arith.constant 6 : i32
    %eq3A_277 = vector.broadcast %eq3A_276 : i32 to vector<256x16xi32>
    %eq3A_278 = arith.cmpi eq, %iota3A_114, %eq3A_277 : vector<256x16xi32>
    %convert_element_type3A_279 = arith.fptosi %broadcast_in_dim3A_275 : vector<256x1xf32> to vector<256x1xi32>
    %add3A_280 = vector.broadcast %mul3A_116 : i32 to vector<256x1xi32>
    %add3A_281 = arith.addi %convert_element_type3A_279, %add3A_280 : vector<256x1xi32>
    %broadcast_in_dim3A_282 = vector.shape_cast %add3A_281 : vector<256x1xi32> to vector<256x1xi32>
    %broadcast_in_dim3A_283 = vector.broadcast %broadcast_in_dim3A_282 : vector<256x1xi32> to vector<256x16xi32>
    %select_n3A_284 = arith.select %eq3A_278, %broadcast_in_dim3A_283, %select_n3A_259 : vector<256x16xi1>, vector<256x16xi32>
    %eq3A_285 = vector.broadcast %broadcast_in_dim3A_275 : vector<256x1xf32> to vector<256x2048xf32>
    %eq3A_286 = arith.cmpf oeq, %convert_element_type3A, %eq3A_285 : vector<256x2048xf32>
    %jit3A_287 = arith.constant 0x7F800000 : f32
    %broadcast_in_dim3A_288 = vector.broadcast %jit3A_287 : f32 to vector<256x2048xf32>
    %select_n3A_289 = arith.select %eq3A_286, %broadcast_in_dim3A_288, %select_n3A_264 : vector<256x2048xi1>, vector<256x2048xf32>
    %reduce_min3A_290 = arith.constant dense<0x7F800000> : vector<256xf32>
    %reduce_min3A_291 = vector.multi_reduction <minimumf>, %select_n3A_289, %reduce_min3A_290 [1] : vector<256x2048xf32> to vector<256xf32>
    %broadcast_in_dim3A_292 = vector.shape_cast %reduce_min3A_291 : vector<256xf32> to vector<256x1xf32>
    %eq3A_293 = vector.broadcast %broadcast_in_dim3A_292 : vector<256x1xf32> to vector<256x2048xf32>
    %eq3A_294 = arith.cmpf oeq, %select_n3A_289, %eq3A_293 : vector<256x2048xf32>
    %jit3A_295 = arith.constant 2.048000e+03 : f32
    %broadcast_in_dim3A_296 = vector.broadcast %jit3A_295 : f32 to vector<256x2048xf32>
    %select_n3A_297 = arith.select %eq3A_294, %convert_element_type3A, %broadcast_in_dim3A_296 : vector<256x2048xi1>, vector<256x2048xf32>
    %reduce_min3A_298 = arith.constant dense<0x7F800000> : vector<256xf32>
    %reduce_min3A_299 = vector.multi_reduction <minimumf>, %select_n3A_297, %reduce_min3A_298 [1] : vector<256x2048xf32> to vector<256xf32>
    %broadcast_in_dim3A_300 = vector.shape_cast %reduce_min3A_299 : vector<256xf32> to vector<256x1xf32>
    %eq3A_301 = arith.constant 7 : i32
    %eq3A_302 = vector.broadcast %eq3A_301 : i32 to vector<256x16xi32>
    %eq3A_303 = arith.cmpi eq, %iota3A_114, %eq3A_302 : vector<256x16xi32>
    %convert_element_type3A_304 = arith.fptosi %broadcast_in_dim3A_300 : vector<256x1xf32> to vector<256x1xi32>
    %add3A_305 = vector.broadcast %mul3A_116 : i32 to vector<256x1xi32>
    %add3A_306 = arith.addi %convert_element_type3A_304, %add3A_305 : vector<256x1xi32>
    %broadcast_in_dim3A_307 = vector.shape_cast %add3A_306 : vector<256x1xi32> to vector<256x1xi32>
    %broadcast_in_dim3A_308 = vector.broadcast %broadcast_in_dim3A_307 : vector<256x1xi32> to vector<256x16xi32>
    %select_n3A_309 = arith.select %eq3A_303, %broadcast_in_dim3A_308, %select_n3A_284 : vector<256x16xi1>, vector<256x16xi32>
    %eq3A_310 = vector.broadcast %broadcast_in_dim3A_300 : vector<256x1xf32> to vector<256x2048xf32>
    %eq3A_311 = arith.cmpf oeq, %convert_element_type3A, %eq3A_310 : vector<256x2048xf32>
    %jit3A_312 = arith.constant 0x7F800000 : f32
    %broadcast_in_dim3A_313 = vector.broadcast %jit3A_312 : f32 to vector<256x2048xf32>
    %select_n3A_314 = arith.select %eq3A_311, %broadcast_in_dim3A_313, %select_n3A_289 : vector<256x2048xi1>, vector<256x2048xf32>
    %reduce_min3A_315 = arith.constant dense<0x7F800000> : vector<256xf32>
    %reduce_min3A_316 = vector.multi_reduction <minimumf>, %select_n3A_314, %reduce_min3A_315 [1] : vector<256x2048xf32> to vector<256xf32>
    %broadcast_in_dim3A_317 = vector.shape_cast %reduce_min3A_316 : vector<256xf32> to vector<256x1xf32>
    %eq3A_318 = vector.broadcast %broadcast_in_dim3A_317 : vector<256x1xf32> to vector<256x2048xf32>
    %eq3A_319 = arith.cmpf oeq, %select_n3A_314, %eq3A_318 : vector<256x2048xf32>
    %jit3A_320 = arith.constant 2.048000e+03 : f32
    %broadcast_in_dim3A_321 = vector.broadcast %jit3A_320 : f32 to vector<256x2048xf32>
    %select_n3A_322 = arith.select %eq3A_319, %convert_element_type3A, %broadcast_in_dim3A_321 : vector<256x2048xi1>, vector<256x2048xf32>
    %reduce_min3A_323 = arith.constant dense<0x7F800000> : vector<256xf32>
    %reduce_min3A_324 = vector.multi_reduction <minimumf>, %select_n3A_322, %reduce_min3A_323 [1] : vector<256x2048xf32> to vector<256xf32>
    %broadcast_in_dim3A_325 = vector.shape_cast %reduce_min3A_324 : vector<256xf32> to vector<256x1xf32>
    %eq3A_326 = arith.constant 8 : i32
    %eq3A_327 = vector.broadcast %eq3A_326 : i32 to vector<256x16xi32>
    %eq3A_328 = arith.cmpi eq, %iota3A_114, %eq3A_327 : vector<256x16xi32>
    %convert_element_type3A_329 = arith.fptosi %broadcast_in_dim3A_325 : vector<256x1xf32> to vector<256x1xi32>
    %add3A_330 = vector.broadcast %mul3A_116 : i32 to vector<256x1xi32>
    %add3A_331 = arith.addi %convert_element_type3A_329, %add3A_330 : vector<256x1xi32>
    %broadcast_in_dim3A_332 = vector.shape_cast %add3A_331 : vector<256x1xi32> to vector<256x1xi32>
    %broadcast_in_dim3A_333 = vector.broadcast %broadcast_in_dim3A_332 : vector<256x1xi32> to vector<256x16xi32>
    %select_n3A_334 = arith.select %eq3A_328, %broadcast_in_dim3A_333, %select_n3A_309 : vector<256x16xi1>, vector<256x16xi32>
    %eq3A_335 = vector.broadcast %broadcast_in_dim3A_325 : vector<256x1xf32> to vector<256x2048xf32>
    %eq3A_336 = arith.cmpf oeq, %convert_element_type3A, %eq3A_335 : vector<256x2048xf32>
    %jit3A_337 = arith.constant 0x7F800000 : f32
    %broadcast_in_dim3A_338 = vector.broadcast %jit3A_337 : f32 to vector<256x2048xf32>
    %select_n3A_339 = arith.select %eq3A_336, %broadcast_in_dim3A_338, %select_n3A_314 : vector<256x2048xi1>, vector<256x2048xf32>
    %reduce_min3A_340 = arith.constant dense<0x7F800000> : vector<256xf32>
    %reduce_min3A_341 = vector.multi_reduction <minimumf>, %select_n3A_339, %reduce_min3A_340 [1] : vector<256x2048xf32> to vector<256xf32>
    %broadcast_in_dim3A_342 = vector.shape_cast %reduce_min3A_341 : vector<256xf32> to vector<256x1xf32>
    %eq3A_343 = vector.broadcast %broadcast_in_dim3A_342 : vector<256x1xf32> to vector<256x2048xf32>
    %eq3A_344 = arith.cmpf oeq, %select_n3A_339, %eq3A_343 : vector<256x2048xf32>
    %jit3A_345 = arith.constant 2.048000e+03 : f32
    %broadcast_in_dim3A_346 = vector.broadcast %jit3A_345 : f32 to vector<256x2048xf32>
    %select_n3A_347 = arith.select %eq3A_344, %convert_element_type3A, %broadcast_in_dim3A_346 : vector<256x2048xi1>, vector<256x2048xf32>
    %reduce_min3A_348 = arith.constant dense<0x7F800000> : vector<256xf32>
    %reduce_min3A_349 = vector.multi_reduction <minimumf>, %select_n3A_347, %reduce_min3A_348 [1] : vector<256x2048xf32> to vector<256xf32>
    %broadcast_in_dim3A_350 = vector.shape_cast %reduce_min3A_349 : vector<256xf32> to vector<256x1xf32>
    %eq3A_351 = arith.constant 9 : i32
    %eq3A_352 = vector.broadcast %eq3A_351 : i32 to vector<256x16xi32>
    %eq3A_353 = arith.cmpi eq, %iota3A_114, %eq3A_352 : vector<256x16xi32>
    %convert_element_type3A_354 = arith.fptosi %broadcast_in_dim3A_350 : vector<256x1xf32> to vector<256x1xi32>
    %add3A_355 = vector.broadcast %mul3A_116 : i32 to vector<256x1xi32>
    %add3A_356 = arith.addi %convert_element_type3A_354, %add3A_355 : vector<256x1xi32>
    %broadcast_in_dim3A_357 = vector.shape_cast %add3A_356 : vector<256x1xi32> to vector<256x1xi32>
    %broadcast_in_dim3A_358 = vector.broadcast %broadcast_in_dim3A_357 : vector<256x1xi32> to vector<256x16xi32>
    %select_n3A_359 = arith.select %eq3A_353, %broadcast_in_dim3A_358, %select_n3A_334 : vector<256x16xi1>, vector<256x16xi32>
    %eq3A_360 = vector.broadcast %broadcast_in_dim3A_350 : vector<256x1xf32> to vector<256x2048xf32>
    %eq3A_361 = arith.cmpf oeq, %convert_element_type3A, %eq3A_360 : vector<256x2048xf32>
    %jit3A_362 = arith.constant 0x7F800000 : f32
    %broadcast_in_dim3A_363 = vector.broadcast %jit3A_362 : f32 to vector<256x2048xf32>
    %select_n3A_364 = arith.select %eq3A_361, %broadcast_in_dim3A_363, %select_n3A_339 : vector<256x2048xi1>, vector<256x2048xf32>
    %reduce_min3A_365 = arith.constant dense<0x7F800000> : vector<256xf32>
    %reduce_min3A_366 = vector.multi_reduction <minimumf>, %select_n3A_364, %reduce_min3A_365 [1] : vector<256x2048xf32> to vector<256xf32>
    %broadcast_in_dim3A_367 = vector.shape_cast %reduce_min3A_366 : vector<256xf32> to vector<256x1xf32>
    %eq3A_368 = vector.broadcast %broadcast_in_dim3A_367 : vector<256x1xf32> to vector<256x2048xf32>
    %eq3A_369 = arith.cmpf oeq, %select_n3A_364, %eq3A_368 : vector<256x2048xf32>
    %jit3A_370 = arith.constant 2.048000e+03 : f32
    %broadcast_in_dim3A_371 = vector.broadcast %jit3A_370 : f32 to vector<256x2048xf32>
    %select_n3A_372 = arith.select %eq3A_369, %convert_element_type3A, %broadcast_in_dim3A_371 : vector<256x2048xi1>, vector<256x2048xf32>
    %reduce_min3A_373 = arith.constant dense<0x7F800000> : vector<256xf32>
    %reduce_min3A_374 = vector.multi_reduction <minimumf>, %select_n3A_372, %reduce_min3A_373 [1] : vector<256x2048xf32> to vector<256xf32>
    %broadcast_in_dim3A_375 = vector.shape_cast %reduce_min3A_374 : vector<256xf32> to vector<256x1xf32>
    %eq3A_376 = arith.constant 10 : i32
    %eq3A_377 = vector.broadcast %eq3A_376 : i32 to vector<256x16xi32>
    %eq3A_378 = arith.cmpi eq, %iota3A_114, %eq3A_377 : vector<256x16xi32>
    %convert_element_type3A_379 = arith.fptosi %broadcast_in_dim3A_375 : vector<256x1xf32> to vector<256x1xi32>
    %add3A_380 = vector.broadcast %mul3A_116 : i32 to vector<256x1xi32>
    %add3A_381 = arith.addi %convert_element_type3A_379, %add3A_380 : vector<256x1xi32>
    %broadcast_in_dim3A_382 = vector.shape_cast %add3A_381 : vector<256x1xi32> to vector<256x1xi32>
    %broadcast_in_dim3A_383 = vector.broadcast %broadcast_in_dim3A_382 : vector<256x1xi32> to vector<256x16xi32>
    %select_n3A_384 = arith.select %eq3A_378, %broadcast_in_dim3A_383, %select_n3A_359 : vector<256x16xi1>, vector<256x16xi32>
    %eq3A_385 = vector.broadcast %broadcast_in_dim3A_375 : vector<256x1xf32> to vector<256x2048xf32>
    %eq3A_386 = arith.cmpf oeq, %convert_element_type3A, %eq3A_385 : vector<256x2048xf32>
    %jit3A_387 = arith.constant 0x7F800000 : f32
    %broadcast_in_dim3A_388 = vector.broadcast %jit3A_387 : f32 to vector<256x2048xf32>
    %select_n3A_389 = arith.select %eq3A_386, %broadcast_in_dim3A_388, %select_n3A_364 : vector<256x2048xi1>, vector<256x2048xf32>
    %reduce_min3A_390 = arith.constant dense<0x7F800000> : vector<256xf32>
    %reduce_min3A_391 = vector.multi_reduction <minimumf>, %select_n3A_389, %reduce_min3A_390 [1] : vector<256x2048xf32> to vector<256xf32>
    %broadcast_in_dim3A_392 = vector.shape_cast %reduce_min3A_391 : vector<256xf32> to vector<256x1xf32>
    %eq3A_393 = vector.broadcast %broadcast_in_dim3A_392 : vector<256x1xf32> to vector<256x2048xf32>
    %eq3A_394 = arith.cmpf oeq, %select_n3A_389, %eq3A_393 : vector<256x2048xf32>
    %jit3A_395 = arith.constant 2.048000e+03 : f32
    %broadcast_in_dim3A_396 = vector.broadcast %jit3A_395 : f32 to vector<256x2048xf32>
    %select_n3A_397 = arith.select %eq3A_394, %convert_element_type3A, %broadcast_in_dim3A_396 : vector<256x2048xi1>, vector<256x2048xf32>
    %reduce_min3A_398 = arith.constant dense<0x7F800000> : vector<256xf32>
    %reduce_min3A_399 = vector.multi_reduction <minimumf>, %select_n3A_397, %reduce_min3A_398 [1] : vector<256x2048xf32> to vector<256xf32>
    %broadcast_in_dim3A_400 = vector.shape_cast %reduce_min3A_399 : vector<256xf32> to vector<256x1xf32>
    %eq3A_401 = arith.constant 11 : i32
    %eq3A_402 = vector.broadcast %eq3A_401 : i32 to vector<256x16xi32>
    %eq3A_403 = arith.cmpi eq, %iota3A_114, %eq3A_402 : vector<256x16xi32>
    %convert_element_type3A_404 = arith.fptosi %broadcast_in_dim3A_400 : vector<256x1xf32> to vector<256x1xi32>
    %add3A_405 = vector.broadcast %mul3A_116 : i32 to vector<256x1xi32>
    %add3A_406 = arith.addi %convert_element_type3A_404, %add3A_405 : vector<256x1xi32>
    %broadcast_in_dim3A_407 = vector.shape_cast %add3A_406 : vector<256x1xi32> to vector<256x1xi32>
    %broadcast_in_dim3A_408 = vector.broadcast %broadcast_in_dim3A_407 : vector<256x1xi32> to vector<256x16xi32>
    %select_n3A_409 = arith.select %eq3A_403, %broadcast_in_dim3A_408, %select_n3A_384 : vector<256x16xi1>, vector<256x16xi32>
    %eq3A_410 = vector.broadcast %broadcast_in_dim3A_400 : vector<256x1xf32> to vector<256x2048xf32>
    %eq3A_411 = arith.cmpf oeq, %convert_element_type3A, %eq3A_410 : vector<256x2048xf32>
    %jit3A_412 = arith.constant 0x7F800000 : f32
    %broadcast_in_dim3A_413 = vector.broadcast %jit3A_412 : f32 to vector<256x2048xf32>
    %select_n3A_414 = arith.select %eq3A_411, %broadcast_in_dim3A_413, %select_n3A_389 : vector<256x2048xi1>, vector<256x2048xf32>
    %reduce_min3A_415 = arith.constant dense<0x7F800000> : vector<256xf32>
    %reduce_min3A_416 = vector.multi_reduction <minimumf>, %select_n3A_414, %reduce_min3A_415 [1] : vector<256x2048xf32> to vector<256xf32>
    %broadcast_in_dim3A_417 = vector.shape_cast %reduce_min3A_416 : vector<256xf32> to vector<256x1xf32>
    %eq3A_418 = vector.broadcast %broadcast_in_dim3A_417 : vector<256x1xf32> to vector<256x2048xf32>
    %eq3A_419 = arith.cmpf oeq, %select_n3A_414, %eq3A_418 : vector<256x2048xf32>
    %jit3A_420 = arith.constant 2.048000e+03 : f32
    %broadcast_in_dim3A_421 = vector.broadcast %jit3A_420 : f32 to vector<256x2048xf32>
    %select_n3A_422 = arith.select %eq3A_419, %convert_element_type3A, %broadcast_in_dim3A_421 : vector<256x2048xi1>, vector<256x2048xf32>
    %reduce_min3A_423 = arith.constant dense<0x7F800000> : vector<256xf32>
    %reduce_min3A_424 = vector.multi_reduction <minimumf>, %select_n3A_422, %reduce_min3A_423 [1] : vector<256x2048xf32> to vector<256xf32>
    %broadcast_in_dim3A_425 = vector.shape_cast %reduce_min3A_424 : vector<256xf32> to vector<256x1xf32>
    %eq3A_426 = arith.constant 12 : i32
    %eq3A_427 = vector.broadcast %eq3A_426 : i32 to vector<256x16xi32>
    %eq3A_428 = arith.cmpi eq, %iota3A_114, %eq3A_427 : vector<256x16xi32>
    %convert_element_type3A_429 = arith.fptosi %broadcast_in_dim3A_425 : vector<256x1xf32> to vector<256x1xi32>
    %add3A_430 = vector.broadcast %mul3A_116 : i32 to vector<256x1xi32>
    %add3A_431 = arith.addi %convert_element_type3A_429, %add3A_430 : vector<256x1xi32>
    %broadcast_in_dim3A_432 = vector.shape_cast %add3A_431 : vector<256x1xi32> to vector<256x1xi32>
    %broadcast_in_dim3A_433 = vector.broadcast %broadcast_in_dim3A_432 : vector<256x1xi32> to vector<256x16xi32>
    %select_n3A_434 = arith.select %eq3A_428, %broadcast_in_dim3A_433, %select_n3A_409 : vector<256x16xi1>, vector<256x16xi32>
    %eq3A_435 = vector.broadcast %broadcast_in_dim3A_425 : vector<256x1xf32> to vector<256x2048xf32>
    %eq3A_436 = arith.cmpf oeq, %convert_element_type3A, %eq3A_435 : vector<256x2048xf32>
    %jit3A_437 = arith.constant 0x7F800000 : f32
    %broadcast_in_dim3A_438 = vector.broadcast %jit3A_437 : f32 to vector<256x2048xf32>
    %select_n3A_439 = arith.select %eq3A_436, %broadcast_in_dim3A_438, %select_n3A_414 : vector<256x2048xi1>, vector<256x2048xf32>
    %reduce_min3A_440 = arith.constant dense<0x7F800000> : vector<256xf32>
    %reduce_min3A_441 = vector.multi_reduction <minimumf>, %select_n3A_439, %reduce_min3A_440 [1] : vector<256x2048xf32> to vector<256xf32>
    %broadcast_in_dim3A_442 = vector.shape_cast %reduce_min3A_441 : vector<256xf32> to vector<256x1xf32>
    %eq3A_443 = vector.broadcast %broadcast_in_dim3A_442 : vector<256x1xf32> to vector<256x2048xf32>
    %eq3A_444 = arith.cmpf oeq, %select_n3A_439, %eq3A_443 : vector<256x2048xf32>
    %jit3A_445 = arith.constant 2.048000e+03 : f32
    %broadcast_in_dim3A_446 = vector.broadcast %jit3A_445 : f32 to vector<256x2048xf32>
    %select_n3A_447 = arith.select %eq3A_444, %convert_element_type3A, %broadcast_in_dim3A_446 : vector<256x2048xi1>, vector<256x2048xf32>
    %reduce_min3A_448 = arith.constant dense<0x7F800000> : vector<256xf32>
    %reduce_min3A_449 = vector.multi_reduction <minimumf>, %select_n3A_447, %reduce_min3A_448 [1] : vector<256x2048xf32> to vector<256xf32>
    %broadcast_in_dim3A_450 = vector.shape_cast %reduce_min3A_449 : vector<256xf32> to vector<256x1xf32>
    %eq3A_451 = arith.constant 13 : i32
    %eq3A_452 = vector.broadcast %eq3A_451 : i32 to vector<256x16xi32>
    %eq3A_453 = arith.cmpi eq, %iota3A_114, %eq3A_452 : vector<256x16xi32>
    %convert_element_type3A_454 = arith.fptosi %broadcast_in_dim3A_450 : vector<256x1xf32> to vector<256x1xi32>
    %add3A_455 = vector.broadcast %mul3A_116 : i32 to vector<256x1xi32>
    %add3A_456 = arith.addi %convert_element_type3A_454, %add3A_455 : vector<256x1xi32>
    %broadcast_in_dim3A_457 = vector.shape_cast %add3A_456 : vector<256x1xi32> to vector<256x1xi32>
    %broadcast_in_dim3A_458 = vector.broadcast %broadcast_in_dim3A_457 : vector<256x1xi32> to vector<256x16xi32>
    %select_n3A_459 = arith.select %eq3A_453, %broadcast_in_dim3A_458, %select_n3A_434 : vector<256x16xi1>, vector<256x16xi32>
    %eq3A_460 = vector.broadcast %broadcast_in_dim3A_450 : vector<256x1xf32> to vector<256x2048xf32>
    %eq3A_461 = arith.cmpf oeq, %convert_element_type3A, %eq3A_460 : vector<256x2048xf32>
    %jit3A_462 = arith.constant 0x7F800000 : f32
    %broadcast_in_dim3A_463 = vector.broadcast %jit3A_462 : f32 to vector<256x2048xf32>
    %select_n3A_464 = arith.select %eq3A_461, %broadcast_in_dim3A_463, %select_n3A_439 : vector<256x2048xi1>, vector<256x2048xf32>
    %reduce_min3A_465 = arith.constant dense<0x7F800000> : vector<256xf32>
    %reduce_min3A_466 = vector.multi_reduction <minimumf>, %select_n3A_464, %reduce_min3A_465 [1] : vector<256x2048xf32> to vector<256xf32>
    %broadcast_in_dim3A_467 = vector.shape_cast %reduce_min3A_466 : vector<256xf32> to vector<256x1xf32>
    %eq3A_468 = vector.broadcast %broadcast_in_dim3A_467 : vector<256x1xf32> to vector<256x2048xf32>
    %eq3A_469 = arith.cmpf oeq, %select_n3A_464, %eq3A_468 : vector<256x2048xf32>
    %jit3A_470 = arith.constant 2.048000e+03 : f32
    %broadcast_in_dim3A_471 = vector.broadcast %jit3A_470 : f32 to vector<256x2048xf32>
    %select_n3A_472 = arith.select %eq3A_469, %convert_element_type3A, %broadcast_in_dim3A_471 : vector<256x2048xi1>, vector<256x2048xf32>
    %reduce_min3A_473 = arith.constant dense<0x7F800000> : vector<256xf32>
    %reduce_min3A_474 = vector.multi_reduction <minimumf>, %select_n3A_472, %reduce_min3A_473 [1] : vector<256x2048xf32> to vector<256xf32>
    %broadcast_in_dim3A_475 = vector.shape_cast %reduce_min3A_474 : vector<256xf32> to vector<256x1xf32>
    %eq3A_476 = arith.constant 14 : i32
    %eq3A_477 = vector.broadcast %eq3A_476 : i32 to vector<256x16xi32>
    %eq3A_478 = arith.cmpi eq, %iota3A_114, %eq3A_477 : vector<256x16xi32>
    %convert_element_type3A_479 = arith.fptosi %broadcast_in_dim3A_475 : vector<256x1xf32> to vector<256x1xi32>
    %add3A_480 = vector.broadcast %mul3A_116 : i32 to vector<256x1xi32>
    %add3A_481 = arith.addi %convert_element_type3A_479, %add3A_480 : vector<256x1xi32>
    %broadcast_in_dim3A_482 = vector.shape_cast %add3A_481 : vector<256x1xi32> to vector<256x1xi32>
    %broadcast_in_dim3A_483 = vector.broadcast %broadcast_in_dim3A_482 : vector<256x1xi32> to vector<256x16xi32>
    %select_n3A_484 = arith.select %eq3A_478, %broadcast_in_dim3A_483, %select_n3A_459 : vector<256x16xi1>, vector<256x16xi32>
    %eq3A_485 = vector.broadcast %broadcast_in_dim3A_475 : vector<256x1xf32> to vector<256x2048xf32>
    %eq3A_486 = arith.cmpf oeq, %convert_element_type3A, %eq3A_485 : vector<256x2048xf32>
    %jit3A_487 = arith.constant 0x7F800000 : f32
    %broadcast_in_dim3A_488 = vector.broadcast %jit3A_487 : f32 to vector<256x2048xf32>
    %select_n3A_489 = arith.select %eq3A_486, %broadcast_in_dim3A_488, %select_n3A_464 : vector<256x2048xi1>, vector<256x2048xf32>
    %reduce_min3A_490 = arith.constant dense<0x7F800000> : vector<256xf32>
    %reduce_min3A_491 = vector.multi_reduction <minimumf>, %select_n3A_489, %reduce_min3A_490 [1] : vector<256x2048xf32> to vector<256xf32>
    %broadcast_in_dim3A_492 = vector.shape_cast %reduce_min3A_491 : vector<256xf32> to vector<256x1xf32>
    %eq3A_493 = vector.broadcast %broadcast_in_dim3A_492 : vector<256x1xf32> to vector<256x2048xf32>
    %eq3A_494 = arith.cmpf oeq, %select_n3A_489, %eq3A_493 : vector<256x2048xf32>
    %jit3A_495 = arith.constant 2.048000e+03 : f32
    %broadcast_in_dim3A_496 = vector.broadcast %jit3A_495 : f32 to vector<256x2048xf32>
    %select_n3A_497 = arith.select %eq3A_494, %convert_element_type3A, %broadcast_in_dim3A_496 : vector<256x2048xi1>, vector<256x2048xf32>
    %reduce_min3A_498 = arith.constant dense<0x7F800000> : vector<256xf32>
    %reduce_min3A_499 = vector.multi_reduction <minimumf>, %select_n3A_497, %reduce_min3A_498 [1] : vector<256x2048xf32> to vector<256xf32>
    %broadcast_in_dim3A_500 = vector.shape_cast %reduce_min3A_499 : vector<256xf32> to vector<256x1xf32>
    %eq3A_501 = arith.constant 15 : i32
    %eq3A_502 = vector.broadcast %eq3A_501 : i32 to vector<256x16xi32>
    %eq3A_503 = arith.cmpi eq, %iota3A_114, %eq3A_502 : vector<256x16xi32>
    %convert_element_type3A_504 = arith.fptosi %broadcast_in_dim3A_500 : vector<256x1xf32> to vector<256x1xi32>
    %add3A_505 = vector.broadcast %mul3A_116 : i32 to vector<256x1xi32>
    %add3A_506 = arith.addi %convert_element_type3A_504, %add3A_505 : vector<256x1xi32>
    %broadcast_in_dim3A_507 = vector.shape_cast %add3A_506 : vector<256x1xi32> to vector<256x1xi32>
    %broadcast_in_dim3A_508 = vector.broadcast %broadcast_in_dim3A_507 : vector<256x1xi32> to vector<256x16xi32>
    %select_n3A_509 = arith.select %eq3A_503, %broadcast_in_dim3A_508, %select_n3A_484 : vector<256x16xi1>, vector<256x16xi32>
    %swap3A_510 = arith.constant 0 : index
    %swap3A_511 = arith.constant 0 : index
    %swap3A_512 = arith.constant 0 : index
    %swap3A_513 = vector.load %arg7[%swap3A_510, %swap3A_511, %swap3A_512] : memref<1x256x16xi32, #tpu.memory_space<vmem>>, vector<1x256x16xi32>
    %swap3A_514 = vector.shape_cast %swap3A_513 : vector<1x256x16xi32> to vector<256x16xi32>
    %swap3A_515 = vector.shape_cast %select_n3A_509 : vector<256x16xi32> to vector<1x256x16xi32>
    tpu.vector_store %arg7[%swap3A_510, %swap3A_511, %swap3A_512], %swap3A_515 {strides = array<i32>} : memref<1x256x16xi32, #tpu.memory_space<vmem>>, vector<1x256x16xi32>,
    return
  }
  func.func @transform_0(%arg0: i32, %arg1: i32) -> (i32, i32, i32) {
    %c0_i32 = arith.constant 0 : i32
    %c0_i32_0 = arith.constant 0 : i32
    return %arg0, %arg1, %c0_i32 : i32, i32, i32
  }
  func.func @transform_1(%arg0: i32, %arg1: i32) -> (i32, i32, i32) {
    %c0_i32 = arith.constant 0 : i32
    %c0_i32_0 = arith.constant 0 : i32
    %c0_i32_1 = arith.constant 0 : i32
    return %arg0, %c0_i32, %c0_i32_0 : i32, i32, i32
  }
  func.func @transform_2(%arg0: i32, %arg1: i32) -> (i32, i32, i32) {
    %c0_i32 = arith.constant 0 : i32
    %c0_i32_0 = arith.constant 0 : i32
    return %arg0, %c0_i32, %arg1 : i32, i32, i32
  }
  func.func @transform_3(%arg0: i32, %arg1: i32) -> (i32, i32) {
    %c0_i32 = arith.constant 0 : i32
    %c0_i32_0 = arith.constant 0 : i32
    %c0_i32_1 = arith.constant 0 : i32
    return %c0_i32, %c0_i32_0 : i32, i32
  }
  func.func @transform_4(%arg0: i32, %arg1: i32) -> (i32, i32) {
    %c0_i32 = arith.constant 0 : i32
    %c0_i32_0 = arith.constant 0 : i32
    %c0_i32_1 = arith.constant 0 : i32
    return %c0_i32, %c0_i32_0 : i32, i32
  }
  func.func @transform_5(%arg0: i32, %arg1: i32) -> (i32, i32, i32) {
    %c0_i32 = arith.constant 0 : i32
    %c0_i32_0 = arith.constant 0 : i32
    return %arg0, %arg1, %c0_i32 : i32, i32, i32
  }
  func.func @transform_6(%arg0: i32, %arg1: i32) -> (i32, i32, i32) {
    %c0_i32 = arith.constant 0 : i32
    %c0_i32_0 = arith.constant 0 : i32
    return %arg0, %arg1, %c0_i32 : i32, i32, i32
  }
  func.func @transform_7(%arg0: i32, %arg1: i32) -> (i32, i32, i32) {
    %c0_i32 = arith.constant 0 : i32
    %c0_i32_0 = arith.constant 0 : i32
    return %arg0, %arg1, %c0_i32 : i32, i32, i32
  }
  func.func @transform_8(%arg0: i32, %arg1: i32) -> (i32, i32, i32) {
    %c0_i32 = arith.constant 0 : i32
    %c0_i32_0 = arith.constant 0 : i32
    return %arg0, %arg1, %c0_i32 : i32, i32, i32
  }
}

module attributes {stable_mosaic.version = 14 : i64} {
  func.func @_fused_body(%arg0: i32, %arg1: memref<2048x256xi32, #tpu.memory_space<vmem>>, %arg2: memref<128x128xf32, #tpu.memory_space<vmem>>, %arg3: memref<128x64xf32, #tpu.memory_space<vmem>>, %arg4: memref<1x64xf32, #tpu.memory_space<vmem>>, %arg5: memref<64x128xbf16, #tpu.memory_space<vmem>>, %arg6: memref<1x128xf32, #tpu.memory_space<vmem>>, %arg7: memref<128x512xbf16, #tpu.memory_space<vmem>>, %arg8: memref<1x512xf32, #tpu.memory_space<vmem>>, %arg9: memref<512x128xbf16, #tpu.memory_space<vmem>>, %arg10: memref<1x128xf32, #tpu.memory_space<vmem>>, %arg11: memref<1x128x128xf32, #tpu.memory_space<vmem>>) attributes {dimension_semantics = [#tpu.dimension_semantics<arbitrary>], iteration_bounds = array<i64: 32>, scalar_prefetch = 0 : i64, scratch_operands = 0 : i64, tpu.core_type = #tpu.core_type<tc>, window_params = [{transform_indices = @transform_0, window_bounds = array<i64: 2048, 256>}, {transform_indices = @transform_1, window_bounds = array<i64: 128, 128>}, {transform_indices = @transform_2, window_bounds = array<i64: 128, 64>}, {pipeline_mode = #tpu.pipeline_mode<synchronous>, transform_indices = @transform_3, window_bounds = array<i64: 1, 64>}, {pipeline_mode = #tpu.pipeline_mode<synchronous>, transform_indices = @transform_4, window_bounds = array<i64: 64, 128>}, {pipeline_mode = #tpu.pipeline_mode<synchronous>, transform_indices = @transform_5, window_bounds = array<i64: 1, 128>}, {pipeline_mode = #tpu.pipeline_mode<synchronous>, transform_indices = @transform_6, window_bounds = array<i64: 128, 512>}, {pipeline_mode = #tpu.pipeline_mode<synchronous>, transform_indices = @transform_7, window_bounds = array<i64: 1, 512>}, {pipeline_mode = #tpu.pipeline_mode<synchronous>, transform_indices = @transform_8, window_bounds = array<i64: 512, 128>}, {pipeline_mode = #tpu.pipeline_mode<synchronous>, transform_indices = @transform_9, window_bounds = array<i64: 1, 128>}, {transform_indices = @transform_10, window_bounds = array<i64: 1, 128, 128>}]} {
    %get3A = arith.constant 0 : index
    %get3A_0 = arith.constant 0 : index
    %get3A_1 = vector.load %arg1[%get3A, %get3A_0] : memref<2048x256xi32, #tpu.memory_space<vmem>>, vector<2048x256xi32>
    %bitcast_convert_type3A = tpu.bitcast %get3A_1 : vector<2048x256xi32> -> vector<2048x256xi32>
    %and3A = arith.constant -65536 : i32
    %and3A_2 = vector.broadcast %and3A : i32 to vector<2048x256xi32>
    %and3A_3 = arith.andi %bitcast_convert_type3A, %and3A_2 : vector<2048x256xi32>
    %bitcast_convert_type3A_4 = tpu.bitcast %and3A_3 : vector<2048x256xi32> -> vector<2048x256xf32>
    %shift_left3A = arith.constant 16 : i32
    %shift_left3A_5 = vector.broadcast %shift_left3A : i32 to vector<2048x256xi32>
    %shift_left3A_6 = arith.shli %bitcast_convert_type3A, %shift_left3A_5 : vector<2048x256xi32>
    %bitcast_convert_type3A_7 = tpu.bitcast %shift_left3A_6 : vector<2048x256xi32> -> vector<2048x256xf32>
    %slice3A = vector.extract_strided_slice %bitcast_convert_type3A_4 {offsets = [0, 0], sizes = [2048, 128], strides = [1, 1]} : vector<2048x256xf32> to vector<2048x128xf32>
    %slice3A_8 = vector.extract_strided_slice %bitcast_convert_type3A_7 {offsets = [0, 0], sizes = [2048, 128], strides = [1, 1]} : vector<2048x256xf32> to vector<2048x128xf32>
    %slice3A_9 = vector.extract_strided_slice %bitcast_convert_type3A_4 {offsets = [0, 128], sizes = [2048, 32], strides = [1, 1]} : vector<2048x256xf32> to vector<2048x32xf32>
    %slice3A_10 = vector.extract_strided_slice %bitcast_convert_type3A_7 {offsets = [0, 128], sizes = [2048, 32], strides = [1, 1]} : vector<2048x256xf32> to vector<2048x32xf32>
    %concatenate3A = tpu.concatenate %slice3A_9, %slice3A_10 in 1 : vector<2048x32xf32>, vector<2048x32xf32> -> vector<2048x64xf32>
    %get3A_11 = arith.constant 0 : index
    %get3A_12 = arith.constant 0 : index
    %get3A_13 = vector.load %arg2[%get3A_11, %get3A_12] : memref<128x128xf32, #tpu.memory_space<vmem>>, vector<128x128xf32>
    %get3A_14 = arith.constant 0 : index
    %get3A_15 = arith.constant 0 : index
    %get3A_16 = vector.load %arg3[%get3A_14, %get3A_15] : memref<128x64xf32, #tpu.memory_space<vmem>>, vector<128x64xf32>
    %broadcast_in_dim3A = vector.shape_cast %get3A_16 : vector<128x64xf32> to vector<128x1x64xf32>
    %broadcast_in_dim3A_17 = vector.shape_cast %broadcast_in_dim3A : vector<128x1x64xf32> to vector<128x1x64xf32>
    %broadcast_in_dim3A_18 = vector.broadcast %broadcast_in_dim3A_17 : vector<128x1x64xf32> to vector<128x16x64xf32>
    %reshape3A = vector.shape_cast %broadcast_in_dim3A_18 : vector<128x16x64xf32> to vector<2048x64xf32>
    %sub3A = arith.subf %reshape3A, %concatenate3A : vector<2048x64xf32>
    %get3A_19 = arith.constant 0 : index
    %get3A_20 = arith.constant 0 : index
    %get3A_21 = vector.load %arg4[%get3A_19, %get3A_20] : memref<1x64xf32, #tpu.memory_space<vmem>>, vector<1x64xf32>
    %add3A = vector.broadcast %get3A_21 : vector<1x64xf32> to vector<2048x64xf32>
    %add3A_22 = arith.addf %sub3A, %add3A : vector<2048x64xf32>
    %max3A = arith.constant 0.000000e+00 : f32
    %max3A_23 = vector.broadcast %max3A : f32 to vector<2048x64xf32>
    %max3A_24 = arith.maximumf %add3A_22, %max3A_23 : vector<2048x64xf32>
    %convert_element_type3A = arith.truncf %max3A_24 : vector<2048x64xf32> to vector<2048x64xbf16>
    %get3A_25 = arith.constant 0 : index
    %get3A_26 = arith.constant 0 : index
    %get3A_27 = vector.load %arg5[%get3A_25, %get3A_26] : memref<64x128xbf16, #tpu.memory_space<vmem>>, vector<64x128xbf16>
    %dot_general3A = arith.constant dense<0.000000e+00> : vector<2048x128xf32>
    %dot_general3A_28 = tpu.matmul %convert_element_type3A, %get3A_27, %dot_general3A {dimension_numbers = #tpu.dot_dimension_numbers<[1], [0], [0], [1], [0, 0, 1, 1], [], []>, transpose_lhs_hint = false} : vector<2048x64xbf16>, vector<64x128xbf16>, vector<2048x128xf32> -> vector<2048x128xf32>
    %get3A_29 = arith.constant 0 : index
    %get3A_30 = arith.constant 0 : index
    %get3A_31 = vector.load %arg6[%get3A_29, %get3A_30] : memref<1x128xf32, #tpu.memory_space<vmem>>, vector<1x128xf32>
    %add3A_32 = vector.broadcast %get3A_31 : vector<1x128xf32> to vector<2048x128xf32>
    %add3A_33 = arith.addf %dot_general3A_28, %add3A_32 : vector<2048x128xf32>
    %broadcast_in_dim3A_34 = vector.shape_cast %get3A_13 : vector<128x128xf32> to vector<128x1x128xf32>
    %broadcast_in_dim3A_35 = vector.shape_cast %broadcast_in_dim3A_34 : vector<128x1x128xf32> to vector<128x1x128xf32>
    %broadcast_in_dim3A_36 = vector.broadcast %broadcast_in_dim3A_35 : vector<128x1x128xf32> to vector<128x16x128xf32>
    %reshape3A_37 = vector.shape_cast %broadcast_in_dim3A_36 : vector<128x16x128xf32> to vector<2048x128xf32>
    %sub3A_38 = arith.subf %reshape3A_37, %slice3A : vector<2048x128xf32>
    %add3A_39 = arith.addf %sub3A_38, %add3A_33 : vector<2048x128xf32>
    %convert_element_type3A_40 = arith.truncf %add3A_39 : vector<2048x128xf32> to vector<2048x128xbf16>
    %get3A_41 = arith.constant 0 : index
    %get3A_42 = arith.constant 0 : index
    %get3A_43 = vector.load %arg7[%get3A_41, %get3A_42] : memref<128x512xbf16, #tpu.memory_space<vmem>>, vector<128x512xbf16>
    %dot_general3A_44 = arith.constant dense<0.000000e+00> : vector<2048x512xf32>
    %dot_general3A_45 = tpu.matmul %convert_element_type3A_40, %get3A_43, %dot_general3A_44 {dimension_numbers = #tpu.dot_dimension_numbers<[1], [0], [0], [1], [0, 0, 1, 1], [], []>, transpose_lhs_hint = false} : vector<2048x128xbf16>, vector<128x512xbf16>, vector<2048x512xf32> -> vector<2048x512xf32>
    %get3A_46 = arith.constant 0 : index
    %get3A_47 = arith.constant 0 : index
    %get3A_48 = vector.load %arg8[%get3A_46, %get3A_47] : memref<1x512xf32, #tpu.memory_space<vmem>>, vector<1x512xf32>
    %add3A_49 = vector.broadcast %get3A_48 : vector<1x512xf32> to vector<2048x512xf32>
    %add3A_50 = arith.addf %dot_general3A_45, %add3A_49 : vector<2048x512xf32>
    %max3A_51 = arith.constant 0.000000e+00 : f32
    %max3A_52 = vector.broadcast %max3A_51 : f32 to vector<2048x512xf32>
    %max3A_53 = arith.maximumf %add3A_50, %max3A_52 : vector<2048x512xf32>
    %convert_element_type3A_54 = arith.truncf %max3A_53 : vector<2048x512xf32> to vector<2048x512xbf16>
    %get3A_55 = arith.constant 0 : index
    %get3A_56 = arith.constant 0 : index
    %get3A_57 = vector.load %arg9[%get3A_55, %get3A_56] : memref<512x128xbf16, #tpu.memory_space<vmem>>, vector<512x128xbf16>
    %dot_general3A_58 = arith.constant dense<0.000000e+00> : vector<2048x128xf32>
    %dot_general3A_59 = tpu.matmul %convert_element_type3A_54, %get3A_57, %dot_general3A_58 {dimension_numbers = #tpu.dot_dimension_numbers<[1], [0], [0], [1], [0, 0, 1, 1], [], []>, transpose_lhs_hint = false} : vector<2048x512xbf16>, vector<512x128xbf16>, vector<2048x128xf32> -> vector<2048x128xf32>
    %get3A_60 = arith.constant 0 : index
    %get3A_61 = arith.constant 0 : index
    %get3A_62 = vector.load %arg10[%get3A_60, %get3A_61] : memref<1x128xf32, #tpu.memory_space<vmem>>, vector<1x128xf32>
    %add3A_63 = vector.broadcast %get3A_62 : vector<1x128xf32> to vector<2048x128xf32>
    %add3A_64 = arith.addf %dot_general3A_59, %add3A_63 : vector<2048x128xf32>
    %reshape3A_65 = vector.shape_cast %add3A_64 : vector<2048x128xf32> to vector<128x16x128xf32>
    %reduce_max3A = arith.constant dense<0xFF800000> : vector<128x128xf32>
    %reduce_max3A_66 = vector.multi_reduction <maximumf>, %reshape3A_65, %reduce_max3A [1] : vector<128x16x128xf32> to vector<128x128xf32>
    %broadcast_in_dim3A_67 = vector.shape_cast %reduce_max3A_66 : vector<128x128xf32> to vector<128x1x128xf32>
    %sub3A_68 = vector.broadcast %broadcast_in_dim3A_67 : vector<128x1x128xf32> to vector<128x16x128xf32>
    %sub3A_69 = arith.subf %reshape3A_65, %sub3A_68 : vector<128x16x128xf32>
    %exp3A = math.exp %sub3A_69 : vector<128x16x128xf32>
    %reduce_sum3A = arith.constant dense<0.000000e+00> : vector<128x128xf32>
    %reduce_sum3A_70 = vector.multi_reduction <add>, %exp3A, %reduce_sum3A [1] : vector<128x16x128xf32> to vector<128x128xf32>
    %broadcast_in_dim3A_71 = vector.shape_cast %reduce_sum3A_70 : vector<128x128xf32> to vector<128x1x128xf32>
    %div3A = vector.broadcast %broadcast_in_dim3A_71 : vector<128x1x128xf32> to vector<128x16x128xf32>
    %div3A_72 = arith.divf %exp3A, %div3A : vector<128x16x128xf32>
    %add3A_73 = arith.addf %slice3A_8, %add3A_33 : vector<2048x128xf32>
    %reshape3A_74 = vector.shape_cast %add3A_73 : vector<2048x128xf32> to vector<128x16x128xf32>
    %mul3A = arith.mulf %div3A_72, %reshape3A_74 : vector<128x16x128xf32>
    %reduce_sum3A_75 = arith.constant dense<0.000000e+00> : vector<128x128xf32>
    %reduce_sum3A_76 = vector.multi_reduction <add>, %mul3A, %reduce_sum3A_75 [1] : vector<128x16x128xf32> to vector<128x128xf32>
    %transpose3A = tpu.transpose %reduce_sum3A_76, [1, 0] : vector<128x128xf32> -> vector<128x128xf32>
    %swap3A = arith.constant 0 : index
    %swap3A_77 = arith.constant 0 : index
    %swap3A_78 = arith.constant 0 : index
    %swap3A_79 = vector.load %arg11[%swap3A, %swap3A_77, %swap3A_78] : memref<1x128x128xf32, #tpu.memory_space<vmem>>, vector<1x128x128xf32>
    %swap3A_80 = vector.shape_cast %swap3A_79 : vector<1x128x128xf32> to vector<128x128xf32>
    %swap3A_81 = vector.shape_cast %transpose3A : vector<128x128xf32> to vector<1x128x128xf32>
    tpu.vector_store %arg11[%swap3A, %swap3A_77, %swap3A_78], %swap3A_81 {strides = array<i32>} : memref<1x128x128xf32, #tpu.memory_space<vmem>>, vector<1x128x128xf32>,
    return
  }
  func.func @transform_0(%arg0: i32) -> (i32, i32) {
    %c0_i32 = arith.constant 0 : i32
    %c0_i32_0 = arith.constant 0 : i32
    return %arg0, %c0_i32 : i32, i32
  }
  func.func @transform_1(%arg0: i32) -> (i32, i32) {
    %c0_i32 = arith.constant 0 : i32
    %c0_i32_0 = arith.constant 0 : i32
    return %arg0, %c0_i32 : i32, i32
  }
  func.func @transform_2(%arg0: i32) -> (i32, i32) {
    %c0_i32 = arith.constant 0 : i32
    %c0_i32_0 = arith.constant 0 : i32
    return %arg0, %c0_i32 : i32, i32
  }
  func.func @transform_3(%arg0: i32) -> (i32, i32) {
    %c0_i32 = arith.constant 0 : i32
    %c0_i32_0 = arith.constant 0 : i32
    %c0_i32_1 = arith.constant 0 : i32
    return %c0_i32, %c0_i32_0 : i32, i32
  }
  func.func @transform_4(%arg0: i32) -> (i32, i32) {
    %c0_i32 = arith.constant 0 : i32
    %c0_i32_0 = arith.constant 0 : i32
    %c0_i32_1 = arith.constant 0 : i32
    return %c0_i32, %c0_i32_0 : i32, i32
  }
  func.func @transform_5(%arg0: i32) -> (i32, i32) {
    %c0_i32 = arith.constant 0 : i32
    %c0_i32_0 = arith.constant 0 : i32
    %c0_i32_1 = arith.constant 0 : i32
    return %c0_i32, %c0_i32_0 : i32, i32
  }
  func.func @transform_6(%arg0: i32) -> (i32, i32) {
    %c0_i32 = arith.constant 0 : i32
    %c0_i32_0 = arith.constant 0 : i32
    %c0_i32_1 = arith.constant 0 : i32
    return %c0_i32, %c0_i32_0 : i32, i32
  }
  func.func @transform_7(%arg0: i32) -> (i32, i32) {
    %c0_i32 = arith.constant 0 : i32
    %c0_i32_0 = arith.constant 0 : i32
    %c0_i32_1 = arith.constant 0 : i32
    return %c0_i32, %c0_i32_0 : i32, i32
  }
  func.func @transform_8(%arg0: i32) -> (i32, i32) {
    %c0_i32 = arith.constant 0 : i32
    %c0_i32_0 = arith.constant 0 : i32
    %c0_i32_1 = arith.constant 0 : i32
    return %c0_i32, %c0_i32_0 : i32, i32
  }
  func.func @transform_9(%arg0: i32) -> (i32, i32) {
    %c0_i32 = arith.constant 0 : i32
    %c0_i32_0 = arith.constant 0 : i32
    %c0_i32_1 = arith.constant 0 : i32
    return %c0_i32, %c0_i32_0 : i32, i32
  }
  func.func @transform_10(%arg0: i32) -> (i32, i32, i32) {
    %jit3A = arith.constant 16 : i32
    %div3A = arith.divsi %arg0, %jit3A : i32
    %sign3A = arith.constant 0 : i32
    %sign3A_0 = arith.cmpi sgt, %arg0, %sign3A : i32
    %sign3A_1 = arith.extui %sign3A_0 : i1 to i32
    %sign3A_2 = arith.constant 0 : i32
    %sign3A_3 = arith.cmpi slt, %arg0, %sign3A_2 : i32
    %sign3A_4 = arith.extui %sign3A_3 : i1 to i32
    %sign3A_5 = arith.subi %sign3A_1, %sign3A_4 : i32
    %sign3A_6 = arith.constant 0 : i32
    %sign3A_7 = arith.cmpi sgt, %jit3A, %sign3A_6 : i32
    %sign3A_8 = arith.extui %sign3A_7 : i1 to i32
    %sign3A_9 = arith.constant 0 : i32
    %sign3A_10 = arith.cmpi slt, %jit3A, %sign3A_9 : i32
    %sign3A_11 = arith.extui %sign3A_10 : i1 to i32
    %sign3A_12 = arith.subi %sign3A_8, %sign3A_11 : i32
    %ne3A = arith.cmpi ne, %sign3A_5, %sign3A_12 : i32
    %rem3A = arith.remsi %arg0, %jit3A : i32
    %ne3A_13 = arith.constant 0 : i32
    %ne3A_14 = arith.cmpi ne, %rem3A, %ne3A_13 : i32
    %and3A = arith.andi %ne3A, %ne3A_14 : i1
    %sub3A = arith.constant 1 : i32
    %sub3A_15 = arith.subi %div3A, %sub3A : i32
    %select_n3A = arith.select %and3A, %sub3A_15, %div3A : i32
    %jit3A_16 = arith.constant 16 : i32
    %eq3A = arith.constant 0 : i32
    %eq3A_17 = arith.cmpi eq, %jit3A_16, %eq3A : i32
    %jit3A_18 = arith.constant 1 : i32
    %select_n3A_19 = arith.select %eq3A_17, %jit3A_18, %jit3A_16 : i32
    %rem3A_20 = arith.remsi %arg0, %select_n3A_19 : i32
    %ne3A_21 = arith.constant 0 : i32
    %ne3A_22 = arith.cmpi ne, %rem3A_20, %ne3A_21 : i32
    %lt3A = arith.constant 0 : i32
    %lt3A_23 = arith.cmpi slt, %rem3A_20, %lt3A : i32
    %lt3A_24 = arith.constant 0 : i32
    %lt3A_25 = arith.cmpi slt, %select_n3A_19, %lt3A_24 : i32
    %ne3A_26 = arith.xori %lt3A_23, %lt3A_25 : i1
    %and3A_27 = arith.andi %ne3A_26, %ne3A_22 : i1
    %add3A = arith.addi %rem3A_20, %select_n3A_19 : i32
    %select_n3A_28 = arith.select %and3A_27, %add3A, %rem3A_20 : i32
    %c0_i32 = arith.constant 0 : i32
    %c0_i32_29 = arith.constant 0 : i32
    return %select_n3A, %c0_i32, %select_n3A_28 : i32, i32, i32
  }
}

</mosaic_0001>

<sc_bundles>
// kernel: kernel.11.cloned.1.call-start
scs
__scs_entry_jumppad:
0x0: {  	(pc) =	sbr.rel $0x88, $3  }
0x1: {  	(tag) =	ssettag $0x0;
	lr =	simm.s32 $0x1  }
0x2: {  	[smem:$0x3F96] =	sst lr;
	_ =	strace $0xD0000000  }
0x3: {  	_ = 	snop  }
0x4: {  	_ = 	snop  }
0x5: {  	_ = 	snop  }
0x6: {  	_ = 	snop  }
0x7: {  	_ = 	snop  }
__scs_overlays_trampoline_lowered:
0x8: {  	[smem:$0x3FA5] =	sst s0  }
0x9: {  	[smem:$0x3FA6] =	sst s1  }
0xa: {  	[smem:$0x3FA7] =	sst s2  }
0xb: {  	[smem:$0x3FA8] =	sst s3  }
0xc: {  	[smem:$0x3FA9] =	sst s4  }
0xd: {  	[smem:$0x3FAA] =	sst s5  }
0xe: {  	[smem:$0x3FAB] =	sst s6  }
0xf: {  	[smem:$0x3FAC] =	sst s7  }
0x10: {  	[smem:$0x3FAD] =	sst s8  }
0x11: {  	[smem:$0x3FAE] =	sst s9;
	s0 =	simm.s32 @!p0 $0x0  }
0x12: {  	s1 =	sld [smem:$0x3F94];
	s0 =	simm.s32 @p0 $0x1  }
0x13: {  	[smem:$0x3FAF] =	sst s0;
	s0 =	simm.s32 @!p1 $0x0  }
0x14: {  	s2 =	sld [smem:$0x3F93];
	s0 =	simm.s32 @p1 $0x1  }
0x15: {  	[smem:$0x3FB0] =	sst s0;
	s0 =	simm.s32 @!p2 $0x0  }
0x16: {  	s3 =	sld [smem:$0x3FDB];
	s0 =	simm.s32 @p2 $0x1  }
0x17: {  	s4 =	simm.s32 $0x1BF5;
	[smem:$0x3FB2] =	sst s0  }
0x18: {  	s0 =	sld [smem:$0x3F95];
	_ =	swait.ge [sflag:s4], $0x0  }
0x19: {  	s7 =	sld [smem:$0x3F96]  }
0x1a: {  	s8 =	sadd.s32 $0xFFFFE003, lr  }
0x1b: {  	s9 =	sadd.s32 $0xFFFFFEF7, lr;
	s5 =	simm.s32 $0xFFFFFFFF;
	p2 =	slt.u32 s8, $0xFFFFF086  }
0x1c: {  	p1 =	slt.u32 s9, $0xF7A;
	s5 =	simm.s32 @!p2 $0x0  }
0x1d: {  	s5 =	simm.s32 @p1 $0x1;
	p0 =	seq.s32 s7, s2  }
0x1e: {  	s7 =	smul.u32 @!p0 $0xF7A, s2;
	p2 =	seq.s32 @!p0 s5, $0x0  }
0x1f: {  	s9 =	smul.u32 $0xF7A, s1;
	s8 =	simm.s32 @!p0 $0x1BF5;
	p2 =	por !p2, p0  }
0x20: {  	[sflag:s8] =	ssyncset.s32 @!p0 $0xFFFFF086;
	s6 =	sadd.s32 @!p0 s3, s7;
	s7 =	simm.s32 @!p0 $0x108  }
0x21: {  	s3 =	sadd.s32 s3, s9;
	s6 =	sadd.s32 @!p0 $0x88, s6;
	s7 =	simm.s32 @p2 $0x1082  }
0x22: {  	[simem:s7], [sflag:s8] =	dma.local @!p0 [hbm:s6], $0xF7A  }
0x23: {  	s9 =	sor.u32 $0xD0000000, s2;
	s6 =	simm.s32 $0x108;
	_ =	swait.ge @!p0 [sflag:s8], $0x0  }
0x24: {  	s3 =	sadd.s32 $0x88, s3;
	s6 =	simm.s32 @!p1 $0x1082;
	[sflag:s4] =	ssyncset.s32 $0xFFFFF086  }
0x25: {  	[simem:s6], [sflag:s4] =	dma.local [hbm:s3], $0xF7A  }
0x26: {  	[smem:$0x3F96] =	sst s1;
	(tag) =	ssettag s2;
	_ =	strace s9  }
0x27: {  	s1 =	sld [smem:$0x3FA6]  }
0x28: {  	s2 =	sld [smem:$0x3FA7]  }
0x29: {  	s4 =	sld [smem:$0x3FA9]  }
0x2a: {  	p0 =	seq.s32 s5, $0x0;
	s5 =	sld [smem:$0x3FAA]  }
0x2b: {  	s6 =	sld [smem:$0x3FAB]  }
0x2c: {  	s7 =	sld [smem:$0x3FAC]  }
0x2d: {  	s3 =	simm.s32 $0x108;
	s8 =	sld [smem:$0x3FAD]  }
0x2e: {  	s3 =	simm.s32 @!p0 $0x1082;
	s9 =	sld [smem:$0x3FAE]  }
0x2f: {  	lr =	sadd.s32 s0, s3;
	s0 =	sld [smem:$0x3FA5]  }
0x30: {  	s3 =	sld [smem:$0x3FA8]  }
0x31: {  	[smem:$0x3FB1] =	sst s10  }
0x32: {  	s10 =	sld [smem:$0x3FAF];
	_ =	sdelay $0x3  }
0x33: {  	p0 =	seq.s32 s10, $0x1;
	s10 =	sld [smem:$0x3FB1];
	_ =	sdelay $0x3  }
0x34: {  	[smem:$0x3FB1] =	sst s10  }
0x35: {  	s10 =	sld [smem:$0x3FB0];
	_ =	sdelay $0x3  }
0x36: {  	p1 =	seq.s32 s10, $0x1;
	s10 =	sld [smem:$0x3FB1];
	_ =	sdelay $0x3  }
0x37: {  	[smem:$0x3FB1] =	sst s10  }
0x38: {  	s10 =	sld [smem:$0x3FB2]  }
0x39: {  	_ = 	snop;
	(pc) =	sbr.ind lr, $3  }
0x3a: {  	_ = 	snop  }
0x3b: {  	_ = 	snop  }
0x3c: {  	p2 =	seq.s32 s10, $0x1;
	s10 =	sld [smem:$0x3FB1]  }
0x3d: {  	_ =	shalt  }
0x3e: {  	_ =	shalt  }
0x3f: {  	_ =	shalt  }
0x40: {  	_ =	shalt  }
0x41: {  	_ =	shalt  }
0x42: {  	_ =	shalt  }
0x43: {  	_ =	shalt  }
0x44: {  	_ =	shalt  }
0x45: {  	_ =	shalt  }
0x46: {  	_ =	shalt  }
0x47: {  	_ =	shalt  }
0x48: {  	_ =	shalt  }
0x49: {  	_ =	shalt  }
0x4a: {  	_ =	shalt  }
0x4b: {  	_ =	shalt  }
0x4c: {  	_ =	shalt  }
0x4d: {  	_ =	shalt  }
0x4e: {  	_ =	shalt  }
0x4f: {  	_ =	shalt  }
0x50: {  	_ =	shalt  }
0x51: {  	_ =	shalt  }
0x52: {  	_ =	shalt  }
0x53: {  	_ =	shalt  }
0x54: {  	_ =	shalt  }
0x55: {  	_ =	shalt  }
0x56: {  	_ =	shalt  }
0x57: {  	_ =	shalt  }
0x58: {  	_ =	shalt  }
0x59: {  	_ =	shalt  }
0x5a: {  	_ =	shalt  }
0x5b: {  	_ =	shalt  }
0x5c: {  	_ =	shalt  }
0x5d: {  	_ =	shalt  }
0x5e: {  	_ =	shalt  }
0x5f: {  	_ =	shalt  }
0x60: {  	_ =	shalt  }
0x61: {  	_ =	shalt  }
0x62: {  	_ =	shalt  }
0x63: {  	_ =	shalt  }
0x64: {  	_ =	shalt  }
0x65: {  	_ =	shalt  }
0x66: {  	_ =	shalt  }
0x67: {  	_ =	shalt  }
0x68: {  	_ =	shalt  }
0x69: {  	_ =	shalt  }
0x6a: {  	_ =	shalt  }
0x6b: {  	_ =	shalt  }
0x6c: {  	_ =	shalt  }
0x6d: {  	_ =	shalt  }
0x6e: {  	_ =	shalt  }
0x6f: {  	_ =	shalt  }
0x70: {  	_ =	shalt  }
0x71: {  	_ =	shalt  }
0x72: {  	_ =	shalt  }
0x73: {  	_ =	shalt  }
0x74: {  	_ =	shalt  }
0x75: {  	_ =	shalt  }
0x76: {  	_ =	shalt  }
0x77: {  	_ =	shalt  }
0x78: {  	_ =	shalt  }
0x79: {  	_ =	shalt  }
0x7a: {  	_ =	shalt  }
0x7b: {  	_ =	shalt  }
0x7c: {  	_ =	shalt  }
0x7d: {  	_ =	shalt  }
0x7e: {  	_ =	shalt  }
0x7f: {  	_ =	shalt  }
0x80: {  	_ =	shalt  }
0x81: {  	_ =	shalt  }
0x82: {  	_ =	shalt  }
0x83: {  	_ =	shalt  }
0x84: {  	_ =	shalt  }
0x85: {  	_ =	shalt  }
0x86: {  	_ =	shalt  }
0x87: {  	_ =	shalt  }
.Lfunc_end0:
.L_simem_size_0:
called_computation.1_lowered:
.L_overlay_start_0:
0x88: {  	s2 =	sld [smem:$0x3FD9]  }
0x89: {  	s3 =	sld [smem:$0x3FFE];
	_ =	sdelay $0x1  }
0x8a: {  	s1 =	srdreg.scid  }
0x8b: {  	s0 =	sand.u32 $0x1, s1  }
0x8c: {  	s17 =	sshll.u32 s0, $0xA;
	s2 =	sadd.s32 s3, s2  }
0x8d: {  	s2 =	sadd.s32 s2, s17  }
0x8e: {  	[smem:$0x3FBD] =	sst s2  }
0x8f: {  	_ = 	snop  }
0x90: {  	s18 =	sld [smem:$0x3FD0];
	(tm) =	ssettm $0x1  }
0x91: {  	s19 =	sld [smem:$0x3FFB];
	_ =	sdelay $0x3  }
0x92: {  	_ =	strace s19  }
0x93: {  	s2 =	sld [smem:$0x3FFC];
	_ =	sdelay $0x3  }
0x94: {  	_ =	strace s2  }
0x95: {  	s2 =	sld [smem:$0x3FFD];
	_ =	sdelay $0x3  }
0x96: {  	_ =	strace s2  }
0x97: {  	_ =	strace $0x8FFFFFFF  }
0x98: {  	s20 =	sld [smem:$0x3FDB];
	_ =	sdelay $0x1  }
0x99: {  	s4 =	simm.s32 $_scs_section_size  }
0x9a: {  	s5 =	simm.s32 $_size__tile_overlayer_lowered;
	s6 =	simm.s32 $_tile_overlayer_lowered  }
0x9b: {  	s7 =	simm.s32 $0x1BFF;
	s21 =	sshll.u32 s6, $0x1;
	s4 =	sadd.s32 s4, s20  }
0x9c: {  	s22 =	simm.s32 $0x0;
	s5 =	sshll.u32 s5, $0x1;
	s6 =	sadd.s32 s21, s4  }
0x9d: {  	[timem:s22], [sflag:s7] =	dma.local [hbm:s6], s5  }
0x9e: {  	_ =	swait.ge [sflag:s7], s5  }
0x9f: {  	s5 =	ssub.s32 $0x0, s5;
	[sflag:s7] =	ssyncset.done $0x0  }
0xa0: {  	[sflag:s7] =	ssyncadd.s32 s5;
	_ =	sdelay $0x1  }
0xa1: {  	s23 =	simm.s32 $0x1B8B  }
0xa2: {  	_ =	swait.ge [sflag:s23], $0x1  }
0xa3: {  	[sflag:s23] =	ssyncset.done $0x0  }
0xa4: {  	[sflag:s23] =	ssyncadd.s32 $0xFFFFFFFF  }
0xa5: {  	s5 =	sld [smem:$0x0]  }
0xa6: {  	s6 =	sand.u32 $0xFFFFFFFE, s1  }
0xa7: {  	p0 =	sne.s32 s1, s6  }
0xa8: {  	s6 =	sshll.u32 @p0 s6, $0xE  }
0xa9: {  	s6 =	sadd.s32 @p0 $0x11B8D, s6;
	s7 =	sshll.u32 @p0 s5, $0x11  }
0xaa: {  	s6 =	sor.u32 @p0 s7, s6  }
0xab: {  	[sflag:s6] =	ssyncadd.remote.s32 @p0 $0x1;
	_ =	sdelay $0x1  }
0xac: {  	s6 =	simm.s32 @p0 $0x1B8D  }
0xad: {  	_ =	swait.eq @p0 [sflag:s6], $0x1  }
0xae: {  	[sflag:s6] =	ssyncadd.s32 @p0 $0xFFFFFFFF  }
0xaf: {  	s7 =	sshll.u32 @!p0 s1, $0xE  }
0xb0: {  	s7 =	sor.u32 @!p0 $0x4000, s7;
	s6 =	simm.s32 @!p0 $0x1B8D  }
0xb1: {  	s5 =	sshll.u32 @!p0 s5, $0x11;
	s7 =	sadd.s32 @!p0 $0x11B8D, s7;
	_ =	swait.eq @!p0 [sflag:s6], $0x1  }
0xb2: {  	s5 =	sor.u32 @!p0 s5, s7;
	[sflag:s6] =	ssyncadd.s32 @!p0 $0xFFFFFFFF  }
0xb3: {  	s25 =	simm.s32 $0x1B8E;
	s24 =	sld [smem:$0x3FFE];
	[sflag:s5] =	ssyncadd.remote.s32 @!p0 $0x1  }
0xb4: {  	s26 =	simm.s32 $execute0_lowered;
	[smem:$0x3FD2] =	sst s25  }
0xb5: {  	s6 =	sshll.u32 s26, $0x1;
	_ =	strace $0x80000049;
	[dreg:$0x1] =	wrdreg $0xFFFFFFFF  }
0xb6: {  	s28 =	simm.s32 $_size_execute0_lowered;
	s4 =	sadd.s32 s4, s6;
	[dreg:$0x0] =	wrdreg $0x0  }
0xb7: {  	s6 =	sshll.u32 s28, $0x1;
	[dreg:$0x2] =	wrdreg s4  }
0xb8: {  	[dreg:$0x3] =	wrdreg s6  }
0xb9: {  	[dreg:$0x4] =	wrdreg $0xC0  }
0xba: {  	_ =	task [dreg:s22], $0x5FFFF  }
0xbb: {  	[dreg:$0x1] =	wrdreg $0xFFFFFFFF  }
0xbc: {  	[dreg:$0x0] =	wrdreg $0x60  }
0xbd: {  	[dreg:$0x2] =	wrdreg s18  }
0xbe: {  	[dreg:$0x3] =	wrdreg s24  }
0xbf: {  	[dreg:$0x4] =	wrdreg $0xA  }
0xc0: {  	_ =	task.clear_ibuf [dreg:s22], $0x5FFFF;
	_ =	strace $0x90000049  }
0xc1: {  	s29 =	simm.s32 $0xA;
	_ =	strace $0x8000004B  }
0xc2: {  	_ =	swait.ge [sflag:s29], $0x1  }
0xc3: {  	[sflag:s29] =	ssyncadd.s32 $0xFFFFFFFF  }
0xc4: {  	_ =	strace $0x9000004B  }
0xc5: {  	_ =	sfence  }
0xc6: {  	s30 =	sld [smem:$0x0];
	_ =	sdelay $0x2  }
0xc7: {  	s31 =	sshll.u32 s1, $0xD;
	s1 =	sshrl.u32 s1, $0x2  }
0xc8: {  	s4 =	sand.u32 $0x4000, s31;
	s1 =	sadd.s32 s1, s30  }
0xc9: {  	s0 =	sor.u32 s4, s0;
	s1 =	sshll.u32 s1, $0x11  }
0xca: {  	s0 =	sor.u32 s1, s0  }
0xcb: {  	s0 =	sadd.s32 $0x8F2B, s0  }
0xcc: {  	[sflag:s0] =	ssyncadd.remote.s32 $0x1  }
0xcd: {  	_ =	sfence.sel $0xFFFF  }
0xce: {  	[dreg:$0x0] =	wrdreg $0xFFFFFFFF;
	(pc) =	sbr.abs _section_cstart, $3  }
0xcf: {  	[dreg:$0x1] =	wrdreg $0xFFFFFFFF  }
0xd0: {  	_ =	task.clear_ibuf [dreg:s22], $0x2FFFF;
	_ =	strace $0x9FFFFFFF  }
0xd1: {  	(tm) =	ssettm $0x7FFFFFFF  }
tec
execute0_lowered:
.L_overlay_start_1:
0x0: {  	(tag) =	ssettag $0x1  }
0x1: {  	s1 =	rddreg [dreg:$0x0]  }
0x2: {  	s0 =	rddreg [dreg:$0x1];
	s3 =	simm.s32 $0x0;
	s2 =	srdreg.scid  }
0x3: {  	s8 =	stileid.u32;
	s10 =	simm.s32 $0x80;
	s11 =	simm.s32 $0x100  }
0x4: {  	s13 =	simm.s32 $0x8A00;
	s14 =	simm.s32 $0x9200;
	[smem:$0x7FF] =	sst s3  }
0x5: {  	s15 =	simm.s32 $0x9A00;
	_ =	strace $0x8000004A;
	[dreg:$0x4] =	wrdreg s10  }
0x6: {  	s17 =	simm.s32 $0xA200;
	s19 =	simm.s32 $0xAA00;
	[dreg:$0x5] =	wrdreg s11  }
0x7: {  	s20 =	simm.s32 $0xB200;
	s21 =	simm.s32 $0xBA00;
	[dreg:$0x6] =	wrdreg s13  }
0x8: {  	s22 =	simm.s32 $0xC200;
	s24 =	simm.s32 $0xCA00;
	[dreg:$0x7] =	wrdreg s14  }
0x9: {  	s26 =	simm.s32 $0xD200;
	s28 =	simm.s32 $0x8200;
	[dreg:$0x8] =	wrdreg s15  }
0xa: {  	s29 =	simm.s32 $0x10200;
	s30 =	simm.s32 $0x1;
	[dreg:$0x9] =	wrdreg s17  }
0xb: {  	s31 =	simm.s32 $0x0;
	s4 =	sadd.s32 $0x247400, s0;
	[dreg:$0xa] =	wrdreg s19  }
0xc: {  	s2 =	sand.u32 $0x1, s2;
	s5 =	sshll.u32 s8, $0x11;
	[dreg:$0xb] =	wrdreg s20  }
0xd: {  	s0 =	sadd.s32 $0x245400, s0;
	s12 =	sshll.u32 s8, $0xC;
	[dreg:$0xc] =	wrdreg s21  }
0xe: {  	s5 =	sadd.s32 s5, s4;
	s6 =	sshll.u32 s2, $0x10;
	[dreg:$0xd] =	wrdreg s22  }
0xf: {  	s7 =	ssub.s32 $0x2, s2;
	s2 =	sshll.u32 s2, $0xB;
	[dreg:$0xe] =	wrdreg s24  }
0x10: {  	[dreg:$0xf] =	wrdreg s26;
	s10 =	simm.s32 $0xF200;
	s11 =	simm.s32 $0xFA00  }
0x11: {  	s13 =	simm.s32 $0x11200;
	s14 =	simm.s32 $0x11A00;
	[dreg:$0x13] =	wrdreg s10  }
0x12: {  	s15 =	simm.s32 $0x12200;
	s17 =	simm.s32 $0x13200;
	[dreg:$0x14] =	wrdreg s11  }
0x13: {  	s19 =	simm.s32 $0x14200;
	s20 =	simm.s32 $0x14A00;
	[dreg:$0x16] =	wrdreg s13  }
0x14: {  	s21 =	simm.s32 $0x15200;
	s22 =	simm.s32 $0x15A00;
	[dreg:$0x17] =	wrdreg s14  }
0x15: {  	s24 =	simm.s32 $0x16A00;
	s26 =	simm.s32 $0x17A00;
	[dreg:$0x18] =	wrdreg s15  }
0x16: {  	s5 =	sadd.s32 s6, s5;
	s9 =	sshrl.u32 s7, $0x1;
	[dreg:$0x1a] =	wrdreg s17  }
0x17: {  	s10 =	simm.s32 $0x2;
	s11 =	simm.s32 $0x200;
	[dreg:$0x1c] =	wrdreg s19  }
0x18: {  	s13 =	simm.s32 $0x1200;
	s14 =	simm.s32 $0x1A00;
	[dreg:$0x1d] =	wrdreg s20  }
0x19: {  	s15 =	simm.s32 $0x2200;
	s17 =	simm.s32 $0x3200;
	[dreg:$0x1e] =	wrdreg s21  }
0x1a: {  	s19 =	simm.s32 $0x4200;
	[dreg:$0x1f] =	wrdreg s22;
	s20 =	simm.s32 $0x4A00  }
0x1b: {  	s21 =	simm.s32 $0x5200;
	[smem:$0x7FB] =	sst s24;
	s22 =	simm.s32 $0x5A00  }
0x1c: {  	s24 =	simm.s32 $0x6A00;
	[smem:$0x7FD] =	sst s26;
	s26 =	simm.s32 $0x7A00  }
0x1d: {  	[dreg:$0x3] =	wrdreg s5;
	s6 =	ssub.s32 s7, s9;
	s9 =	simm.s32 $0xEA00  }
0x1e: {  	s7 =	sor.u32 s2, s12;
	s12 =	simm.s32 $0x10A00;
	[dreg:$0x12] =	wrdreg s9  }
0x1f: {  	s16 =	sor.u32 $0x780, s7;
	s23 =	smax.u32 s6, $0x1;
	[dreg:$0x15] =	wrdreg s12  }
0x20: {  	s6 =	simm.s32 $0xE200;
	s18 =	sshrl.u32 s16, $0x3;
	[smem:$0x7F8] =	sst s23  }
0x21: {  	s5 =	sshll.u32 s16, $0x5;
	[dreg:$0x11] =	wrdreg s6;
	s16 =	simm.s32 $0x12A00  }
0x22: {  	s25 =	sor.u32 $0x100, s7;
	s23 =	simm.s32 $0x16200;
	[dreg:$0x19] =	wrdreg s16  }
0x23: {  	s12 =	simm.s32 $0xA00;
	s8 =	sadd.s32 s0, s18;
	[smem:$0x7FA] =	sst s23  }
0x24: {  	s4 =	sadd.s32 s4, s5;
	s5 =	simm.s32 $0xDA00;
	[smem:$0x7F6] =	sst s8  }
0x25: {  	s18 =	simm.s32 $0x13A00;
	s16 =	simm.s32 $0x2A00;
	[smem:$0x7F7] =	sst s4  }
0x26: {  	s23 =	simm.s32 $0x6200;
	s4 =	sshrl.u32 s25, $0x3;
	[dreg:$0x10] =	wrdreg s5  }
0x27: {  	s8 =	sor.u32 $0x80, s7;
	s7 =	sshrl.u32 s7, $0x3;
	[dreg:$0x1b] =	wrdreg s18  }
0x28: {  	v2 =	vlaneseq.u32;
	s18 =	simm.s32 $0x3A00;
	s25 =	simm.s32 $0x17200;
	s4 =	sadd.s32 s4, s0  }
0x29: {  	vm0 =	vmmov $0xffff;
	v1 =	vshrl.u32 v2, $0x3;
	s5 =	sshrl.u32 s8, $0x3;
	[smem:$0x7FC] =	sst s25;
	s25 =	simm.s32 $0x7200  }
0x2a: {  	v0 =	vand.u32 $0x7, v2;
	v2 =	vor.u32 $0x8, v2;
	v1 =	vmul.u32 $0x8, v1;
	[smem:$0x7F9] =	sst s4;
	s2 =	sadd.s32 s5, s0;
	s0 =	sadd.s32 s7, s0  }
.LBB2_1:
0x2b: {  	s9 =	smov.u32 s0  }
0x2c: {  	s8 =	smov.u32 s2;
	s7 =	sld [smem:$0x7F9];
	s5 =	simm.s32 $0x0  }
.LBB2_2:
0x2d: {  	[tilespmem:s3], [sflag:$0x2] =	stream.linear.gather [hbm4b:s9+s3], $0x80, $0x38;
	[tilespmem:$0x18200] =	vst v63  }
0x2e: {  	_ =	swait.ge [sflag:s10], $0x80  }
0x2f: {  	[sflag:s10] =	ssyncset.done $0x0  }
0x30: {  	s6 =	rddreg [dreg:$0x4];
	[sflag:s10] =	ssyncadd.s32 $0xFFFFFF80  }
0x31: {  	[tilespmem:s6], [sflag:$0x2] =	stream.linear.gather [hbm4b:s8+s3], $0x80, $0x38;
	[tilespmem:$0x18200] =	vst v63  }
0x32: {  	_ =	swait.ge [sflag:s10], $0x80  }
0x33: {  	[sflag:s10] =	ssyncset.done $0x0  }
0x34: {  	s4 =	rddreg [dreg:$0x5];
	[sflag:s10] =	ssyncadd.s32 $0xFFFFFF80  }
0x35: {  	[tilespmem:s4], [sflag:$0x2] =	stream.linear.gather [hbm4b:s7+s3], $0x80, $0x38;
	[tilespmem:$0x18200] =	vst v63  }
0x36: {  	_ =	swait.ge [sflag:s10], $0x80  }
0x37: {  	[sflag:s10] =	ssyncset.done $0x0  }
0x38: {  	[sflag:s10] =	ssyncadd.s32 $0xFFFFFF80  }
0x39: {  	v3 =	vld [tilespmem:$0x0];
	_ =	sdelay $0x4  }
0x3a: {  	v4 =	vshll.u32 v3, $0x1  }
0x3b: {  	v3 =	vand.u32 $0x7, v3;
	v4 =	vand.u32 $0xFFFFFFF0, v4  }
0x3c: {  	v3 =	vor.u32 v3, v4  }
0x3d: {  	v4 =	vperm.xlane v3, v0;
	_ =	sdelay $0x1  }
0x3e: {  	v3 =	vperm.xlane v3, v2;
	v4 =	vadd.s32 v1, v4;
	_ =	sdelay $0x1  }
0x3f: {  	v3 =	vadd.s32 v1, v3;
	_ =	sdelay $0x2  }
0x40: {  	[tilespmem:s11], [sflag:$0x1] =	stream.indirect_vreg.gather [hbm4b:s1+s3], $0x80, v4, vm0, $0xb8;
	[tilespmem:$0x18200] =	vst v63  }
0x41: {  	_ = 	snop  }
0x42: {  	[tilespmem:s12], [sflag:$0x1] =	stream.indirect_vreg.gather [hbm4b:s1+s3], $0x80, v3, vm0, $0xb8;
	[tilespmem:$0x18200] =	vst v63  }
0x43: {  	v3 =	vld [tilespmem:$0x10];
	_ =	sdelay $0x4  }
0x44: {  	v41 =	vshll.u32 v3, $0x1  }
0x45: {  	v3 =	vand.u32 $0x7, v3;
	v4 =	vand.u32 $0xFFFFFFF0, v41  }
0x46: {  	v3 =	vor.u32 v3, v4  }
0x47: {  	v4 =	vperm.xlane v3, v0;
	_ =	sdelay $0x1  }
0x48: {  	v3 =	vperm.xlane v3, v2;
	v4 =	vadd.s32 v1, v4;
	_ =	sdelay $0x1  }
0x49: {  	v3 =	vadd.s32 v1, v3;
	_ =	sdelay $0x2  }
0x4a: {  	[tilespmem:s13], [sflag:$0x1] =	stream.indirect_vreg.gather [hbm4b:s1+s3], $0x80, v4, vm0, $0xb8;
	[tilespmem:$0x18200] =	vst v63  }
0x4b: {  	_ = 	snop  }
0x4c: {  	[tilespmem:s14], [sflag:$0x1] =	stream.indirect_vreg.gather [hbm4b:s1+s3], $0x80, v3, vm0, $0xb8;
	[tilespmem:$0x18200] =	vst v63  }
0x4d: {  	v3 =	vld [tilespmem:$0x20];
	_ =	sdelay $0x4  }
0x4e: {  	v42 =	vshll.u32 v3, $0x1  }
0x4f: {  	v3 =	vand.u32 $0x7, v3;
	v4 =	vand.u32 $0xFFFFFFF0, v42  }
0x50: {  	v3 =	vor.u32 v3, v4  }
0x51: {  	v4 =	vperm.xlane v3, v0;
	_ =	sdelay $0x1  }
0x52: {  	v3 =	vperm.xlane v3, v2;
	v4 =	vadd.s32 v1, v4;
	_ =	sdelay $0x1  }
0x53: {  	v3 =	vadd.s32 v1, v3;
	_ =	sdelay $0x2  }
0x54: {  	[tilespmem:s15], [sflag:$0x1] =	stream.indirect_vreg.gather [hbm4b:s1+s3], $0x80, v4, vm0, $0xb8;
	[tilespmem:$0x18200] =	vst v63  }
0x55: {  	_ = 	snop  }
0x56: {  	[tilespmem:s16], [sflag:$0x1] =	stream.indirect_vreg.gather [hbm4b:s1+s3], $0x80, v3, vm0, $0xb8;
	[tilespmem:$0x18200] =	vst v63  }
0x57: {  	v3 =	vld [tilespmem:$0x30];
	_ =	sdelay $0x4  }
0x58: {  	v43 =	vshll.u32 v3, $0x1  }
0x59: {  	v3 =	vand.u32 $0x7, v3;
	v4 =	vand.u32 $0xFFFFFFF0, v43  }
0x5a: {  	v3 =	vor.u32 v3, v4  }
0x5b: {  	v4 =	vperm.xlane v3, v0;
	_ =	sdelay $0x1  }
0x5c: {  	v3 =	vperm.xlane v3, v2;
	v4 =	vadd.s32 v1, v4;
	_ =	sdelay $0x1  }
0x5d: {  	v3 =	vadd.s32 v1, v3;
	_ =	sdelay $0x2  }
0x5e: {  	[tilespmem:s17], [sflag:$0x1] =	stream.indirect_vreg.gather [hbm4b:s1+s3], $0x80, v4, vm0, $0xb8;
	[tilespmem:$0x18200] =	vst v63  }
0x5f: {  	_ = 	snop  }
0x60: {  	[tilespmem:s18], [sflag:$0x1] =	stream.indirect_vreg.gather [hbm4b:s1+s3], $0x80, v3, vm0, $0xb8;
	[tilespmem:$0x18200] =	vst v63  }
0x61: {  	v3 =	vld [tilespmem:$0x40];
	_ =	sdelay $0x4  }
0x62: {  	v44 =	vshll.u32 v3, $0x1  }
0x63: {  	v3 =	vand.u32 $0x7, v3;
	v4 =	vand.u32 $0xFFFFFFF0, v44  }
0x64: {  	v3 =	vor.u32 v3, v4  }
0x65: {  	v4 =	vperm.xlane v3, v0;
	_ =	sdelay $0x1  }
0x66: {  	v3 =	vperm.xlane v3, v2;
	v4 =	vadd.s32 v1, v4;
	_ =	sdelay $0x1  }
0x67: {  	v3 =	vadd.s32 v1, v3;
	_ =	sdelay $0x2  }
0x68: {  	[tilespmem:s19], [sflag:$0x1] =	stream.indirect_vreg.gather [hbm4b:s1+s3], $0x80, v4, vm0, $0xb8;
	[tilespmem:$0x18200] =	vst v63  }
0x69: {  	_ = 	snop  }
0x6a: {  	[tilespmem:s20], [sflag:$0x1] =	stream.indirect_vreg.gather [hbm4b:s1+s3], $0x80, v3, vm0, $0xb8;
	[tilespmem:$0x18200] =	vst v63  }
0x6b: {  	v3 =	vld [tilespmem:$0x50];
	_ =	sdelay $0x4  }
0x6c: {  	v45 =	vshll.u32 v3, $0x1  }
0x6d: {  	v3 =	vand.u32 $0x7, v3;
	v4 =	vand.u32 $0xFFFFFFF0, v45  }
0x6e: {  	v3 =	vor.u32 v3, v4  }
0x6f: {  	v4 =	vperm.xlane v3, v0;
	_ =	sdelay $0x1  }
0x70: {  	v3 =	vperm.xlane v3, v2;
	v4 =	vadd.s32 v1, v4;
	_ =	sdelay $0x1  }
0x71: {  	v3 =	vadd.s32 v1, v3;
	_ =	sdelay $0x2  }
0x72: {  	[tilespmem:s21], [sflag:$0x1] =	stream.indirect_vreg.gather [hbm4b:s1+s3], $0x80, v4, vm0, $0xb8;
	[tilespmem:$0x18200] =	vst v63  }
0x73: {  	_ = 	snop  }
0x74: {  	[tilespmem:s22], [sflag:$0x1] =	stream.indirect_vreg.gather [hbm4b:s1+s3], $0x80, v3, vm0, $0xb8;
	[tilespmem:$0x18200] =	vst v63  }
0x75: {  	v3 =	vld [tilespmem:$0x60];
	_ =	sdelay $0x4  }
0x76: {  	v46 =	vshll.u32 v3, $0x1  }
0x77: {  	v3 =	vand.u32 $0x7, v3;
	v4 =	vand.u32 $0xFFFFFFF0, v46  }
0x78: {  	v3 =	vor.u32 v3, v4  }
0x79: {  	v4 =	vperm.xlane v3, v0;
	_ =	sdelay $0x1  }
0x7a: {  	v3 =	vperm.xlane v3, v2;
	v4 =	vadd.s32 v1, v4;
	_ =	sdelay $0x1  }
0x7b: {  	v3 =	vadd.s32 v1, v3;
	_ =	sdelay $0x2  }
0x7c: {  	[tilespmem:s23], [sflag:$0x1] =	stream.indirect_vreg.gather [hbm4b:s1+s3], $0x80, v4, vm0, $0xb8;
	[tilespmem:$0x18200] =	vst v63  }
0x7d: {  	_ = 	snop  }
0x7e: {  	[tilespmem:s24], [sflag:$0x1] =	stream.indirect_vreg.gather [hbm4b:s1+s3], $0x80, v3, vm0, $0xb8;
	[tilespmem:$0x18200] =	vst v63  }
0x7f: {  	v3 =	vld [tilespmem:$0x70];
	_ =	sdelay $0x4  }
0x80: {  	v47 =	vshll.u32 v3, $0x1  }
0x81: {  	v3 =	vand.u32 $0x7, v3;
	v4 =	vand.u32 $0xFFFFFFF0, v47  }
0x82: {  	v3 =	vor.u32 v3, v4  }
0x83: {  	v4 =	vperm.xlane v3, v0;
	_ =	sdelay $0x1  }
0x84: {  	v3 =	vperm.xlane v3, v2;
	v4 =	vadd.s32 v1, v4;
	_ =	sdelay $0x1  }
0x85: {  	v3 =	vadd.s32 v1, v3;
	_ =	sdelay $0x2  }
0x86: {  	[tilespmem:s25], [sflag:$0x1] =	stream.indirect_vreg.gather [hbm4b:s1+s3], $0x80, v4, vm0, $0xb8;
	[tilespmem:$0x18200] =	vst v63  }
0x87: {  	_ = 	snop  }
0x88: {  	[tilespmem:s26], [sflag:$0x1] =	stream.indirect_vreg.gather [hbm4b:s1+s3], $0x80, v3, vm0, $0xb8;
	[tilespmem:$0x18200] =	vst v63  }
0x89: {  	v3 =	vld [tilespmem:$0x80];
	_ =	sdelay $0x4  }
0x8a: {  	v48 =	vshll.u32 v3, $0x1  }
0x8b: {  	v3 =	vand.u32 $0x7, v3;
	v4 =	vand.u32 $0xFFFFFFF0, v48  }
0x8c: {  	v3 =	vor.u32 v3, v4  }
0x8d: {  	v4 =	vperm.xlane v3, v0;
	_ =	sdelay $0x1  }
0x8e: {  	v3 =	vperm.xlane v3, v2;
	v4 =	vadd.s32 v1, v4;
	_ =	sdelay $0x1  }
0x8f: {  	v3 =	vadd.s32 v1, v3;
	_ =	sdelay $0x2  }
0x90: {  	[tilespmem:s28], [sflag:$0x1] =	stream.indirect_vreg.gather [hbm4b:s1+s3], $0x80, v4, vm0, $0xb8;
	[tilespmem:$0x18200] =	vst v63  }
0x91: {  	s4 =	rddreg [dreg:$0x6]  }
0x92: {  	[tilespmem:s4], [sflag:$0x1] =	stream.indirect_vreg.gather [hbm4b:s1+s3], $0x80, v3, vm0, $0xb8;
	[tilespmem:$0x18200] =	vst v63  }
0x93: {  	v3 =	vld [tilespmem:$0x90];
	_ =	sdelay $0x4  }
0x94: {  	v49 =	vshll.u32 v3, $0x1  }
0x95: {  	v3 =	vand.u32 $0x7, v3;
	v4 =	vand.u32 $0xFFFFFFF0, v49  }
0x96: {  	v3 =	vor.u32 v3, v4  }
0x97: {  	v4 =	vperm.xlane v3, v0;
	_ =	sdelay $0x1  }
0x98: {  	v3 =	vperm.xlane v3, v2;
	v4 =	vadd.s32 v1, v4;
	_ =	sdelay $0x1  }
0x99: {  	v3 =	vadd.s32 v1, v3;
	_ =	sdelay $0x1  }
0x9a: {  	s6 =	rddreg [dreg:$0x7]  }
0x9b: {  	[tilespmem:s6], [sflag:$0x1] =	stream.indirect_vreg.gather [hbm4b:s1+s3], $0x80, v4, vm0, $0xb8;
	[tilespmem:$0x18200] =	vst v63  }
0x9c: {  	s4 =	rddreg [dreg:$0x8]  }
0x9d: {  	[tilespmem:s4], [sflag:$0x1] =	stream.indirect_vreg.gather [hbm4b:s1+s3], $0x80, v3, vm0, $0xb8;
	[tilespmem:$0x18200] =	vst v63  }
0x9e: {  	v3 =	vld [tilespmem:$0xA0];
	_ =	sdelay $0x4  }
0x9f: {  	v50 =	vshll.u32 v3, $0x1  }
0xa0: {  	v3 =	vand.u32 $0x7, v3;
	v4 =	vand.u32 $0xFFFFFFF0, v50  }
0xa1: {  	v3 =	vor.u32 v3, v4  }
0xa2: {  	v4 =	vperm.xlane v3, v0;
	_ =	sdelay $0x1  }
0xa3: {  	v3 =	vperm.xlane v3, v2;
	v4 =	vadd.s32 v1, v4;
	_ =	sdelay $0x1  }
0xa4: {  	v3 =	vadd.s32 v1, v3;
	_ =	sdelay $0x1  }
0xa5: {  	s4 =	rddreg [dreg:$0x9]  }
0xa6: {  	[tilespmem:s4], [sflag:$0x1] =	stream.indirect_vreg.gather [hbm4b:s1+s3], $0x80, v4, vm0, $0xb8;
	[tilespmem:$0x18200] =	vst v63  }
0xa7: {  	s6 =	rddreg [dreg:$0xa]  }
0xa8: {  	[tilespmem:s6], [sflag:$0x1] =	stream.indirect_vreg.gather [hbm4b:s1+s3], $0x80, v3, vm0, $0xb8;
	[tilespmem:$0x18200] =	vst v63  }
0xa9: {  	v3 =	vld [tilespmem:$0xB0];
	_ =	sdelay $0x4  }
0xaa: {  	v51 =	vshll.u32 v3, $0x1  }
0xab: {  	v3 =	vand.u32 $0x7, v3;
	v4 =	vand.u32 $0xFFFFFFF0, v51  }
0xac: {  	v3 =	vor.u32 v3, v4  }
0xad: {  	v4 =	vperm.xlane v3, v0;
	_ =	sdelay $0x1  }
0xae: {  	v3 =	vperm.xlane v3, v2;
	v4 =	vadd.s32 v1, v4;
	_ =	sdelay $0x1  }
0xaf: {  	v3 =	vadd.s32 v1, v3;
	_ =	sdelay $0x1  }
0xb0: {  	s4 =	rddreg [dreg:$0xb]  }
0xb1: {  	[tilespmem:s4], [sflag:$0x1] =	stream.indirect_vreg.gather [hbm4b:s1+s3], $0x80, v4, vm0, $0xb8;
	[tilespmem:$0x18200] =	vst v63  }
0xb2: {  	s6 =	rddreg [dreg:$0xc]  }
0xb3: {  	[tilespmem:s6], [sflag:$0x1] =	stream.indirect_vreg.gather [hbm4b:s1+s3], $0x80, v3, vm0, $0xb8;
	[tilespmem:$0x18200] =	vst v63  }
0xb4: {  	v3 =	vld [tilespmem:$0xC0];
	_ =	sdelay $0x4  }
0xb5: {  	v52 =	vshll.u32 v3, $0x1  }
0xb6: {  	v3 =	vand.u32 $0x7, v3;
	v4 =	vand.u32 $0xFFFFFFF0, v52  }
0xb7: {  	v3 =	vor.u32 v3, v4  }
0xb8: {  	v4 =	vperm.xlane v3, v0;
	_ =	sdelay $0x1  }
0xb9: {  	v3 =	vperm.xlane v3, v2;
	v4 =	vadd.s32 v1, v4;
	_ =	sdelay $0x1  }
0xba: {  	v3 =	vadd.s32 v1, v3;
	_ =	sdelay $0x1  }
0xbb: {  	s4 =	rddreg [dreg:$0xd]  }
0xbc: {  	[tilespmem:s4], [sflag:$0x1] =	stream.indirect_vreg.gather [hbm4b:s1+s3], $0x80, v4, vm0, $0xb8;
	[tilespmem:$0x18200] =	vst v63  }
0xbd: {  	s6 =	rddreg [dreg:$0xe]  }
0xbe: {  	[tilespmem:s6], [sflag:$0x1] =	stream.indirect_vreg.gather [hbm4b:s1+s3], $0x80, v3, vm0, $0xb8;
	[tilespmem:$0x18200] =	vst v63  }
0xbf: {  	v3 =	vld [tilespmem:$0xD0];
	_ =	sdelay $0x4  }
0xc0: {  	v53 =	vshll.u32 v3, $0x1  }
0xc1: {  	v3 =	vand.u32 $0x7, v3;
	v4 =	vand.u32 $0xFFFFFFF0, v53  }
0xc2: {  	v3 =	vor.u32 v3, v4  }
0xc3: {  	v4 =	vperm.xlane v3, v0;
	_ =	sdelay $0x1  }
0xc4: {  	v3 =	vperm.xlane v3, v2;
	v4 =	vadd.s32 v1, v4;
	_ =	sdelay $0x1  }
0xc5: {  	v3 =	vadd.s32 v1, v3;
	_ =	sdelay $0x1  }
0xc6: {  	s4 =	rddreg [dreg:$0xf]  }
0xc7: {  	[tilespmem:s4], [sflag:$0x1] =	stream.indirect_vreg.gather [hbm4b:s1+s3], $0x80, v4, vm0, $0xb8;
	[tilespmem:$0x18200] =	vst v63  }
0xc8: {  	s6 =	rddreg [dreg:$0x10]  }
0xc9: {  	[tilespmem:s6], [sflag:$0x1] =	stream.indirect_vreg.gather [hbm4b:s1+s3], $0x80, v3, vm0, $0xb8;
	[tilespmem:$0x18200] =	vst v63  }
0xca: {  	v3 =	vld [tilespmem:$0xE0];
	_ =	sdelay $0x4  }
0xcb: {  	v54 =	vshll.u32 v3, $0x1  }
0xcc: {  	v3 =	vand.u32 $0x7, v3;
	v4 =	vand.u32 $0xFFFFFFF0, v54  }
0xcd: {  	v3 =	vor.u32 v3, v4  }
0xce: {  	v4 =	vperm.xlane v3, v0;
	_ =	sdelay $0x1  }
0xcf: {  	v3 =	vperm.xlane v3, v2;
	v4 =	vadd.s32 v1, v4;
	_ =	sdelay $0x1  }
0xd0: {  	v3 =	vadd.s32 v1, v3;
	_ =	sdelay $0x1  }
0xd1: {  	s4 =	rddreg [dreg:$0x11]  }
0xd2: {  	[tilespmem:s4], [sflag:$0x1] =	stream.indirect_vreg.gather [hbm4b:s1+s3], $0x80, v4, vm0, $0xb8;
	[tilespmem:$0x18200] =	vst v63  }
0xd3: {  	s6 =	rddreg [dreg:$0x12]  }
0xd4: {  	[tilespmem:s6], [sflag:$0x1] =	stream.indirect_vreg.gather [hbm4b:s1+s3], $0x80, v3, vm0, $0xb8;
	[tilespmem:$0x18200] =	vst v63  }
0xd5: {  	v3 =	vld [tilespmem:$0xF0];
	_ =	sdelay $0x4  }
0xd6: {  	v55 =	vshll.u32 v3, $0x1  }
0xd7: {  	v3 =	vand.u32 $0x7, v3;
	v4 =	vand.u32 $0xFFFFFFF0, v55  }
0xd8: {  	v3 =	vor.u32 v3, v4  }
0xd9: {  	v4 =	vperm.xlane v3, v0;
	_ =	sdelay $0x1  }
0xda: {  	v3 =	vperm.xlane v3, v2;
	v4 =	vadd.s32 v1, v4;
	_ =	sdelay $0x1  }
0xdb: {  	v3 =	vadd.s32 v1, v3;
	_ =	sdelay $0x1  }
0xdc: {  	s4 =	rddreg [dreg:$0x13]  }
0xdd: {  	[tilespmem:s4], [sflag:$0x1] =	stream.indirect_vreg.gather [hbm4b:s1+s3], $0x80, v4, vm0, $0xb8;
	[tilespmem:$0x18200] =	vst v63  }
0xde: {  	s6 =	rddreg [dreg:$0x14]  }
0xdf: {  	[tilespmem:s6], [sflag:$0x1] =	stream.indirect_vreg.gather [hbm4b:s1+s3], $0x80, v3, vm0, $0xb8;
	[tilespmem:$0x18200] =	vst v63  }
0xe0: {  	v3 =	vld [tilespmem:$0x100];
	_ =	sdelay $0x4  }
0xe1: {  	v56 =	vshll.u32 v3, $0x1  }
0xe2: {  	v3 =	vand.u32 $0x7, v3;
	v4 =	vand.u32 $0xFFFFFFF0, v56  }
0xe3: {  	v3 =	vor.u32 v3, v4  }
0xe4: {  	v4 =	vperm.xlane v3, v0;
	_ =	sdelay $0x1  }
0xe5: {  	v3 =	vperm.xlane v3, v2;
	v4 =	vadd.s32 v1, v4;
	_ =	sdelay $0x1  }
0xe6: {  	v3 =	vadd.s32 v1, v3;
	_ =	sdelay $0x2  }
0xe7: {  	[tilespmem:s29], [sflag:$0x1] =	stream.indirect_vreg.gather [hbm4b:s1+s3], $0x80, v4, vm0, $0xb8;
	[tilespmem:$0x18200] =	vst v63  }
0xe8: {  	s6 =	rddreg [dreg:$0x15]  }
0xe9: {  	[tilespmem:s6], [sflag:$0x1] =	stream.indirect_vreg.gather [hbm4b:s1+s3], $0x80, v3, vm0, $0xb8;
	[tilespmem:$0x18200] =	vst v63  }
0xea: {  	v3 =	vld [tilespmem:$0x110];
	_ =	sdelay $0x4  }
0xeb: {  	v57 =	vshll.u32 v3, $0x1  }
0xec: {  	v3 =	vand.u32 $0x7, v3;
	v4 =	vand.u32 $0xFFFFFFF0, v57  }
0xed: {  	v3 =	vor.u32 v3, v4  }
0xee: {  	v4 =	vperm.xlane v3, v0;
	_ =	sdelay $0x1  }
0xef: {  	v3 =	vperm.xlane v3, v2;
	v4 =	vadd.s32 v1, v4;
	_ =	sdelay $0x1  }
0xf0: {  	v3 =	vadd.s32 v1, v3;
	_ =	sdelay $0x1  }
0xf1: {  	s4 =	rddreg [dreg:$0x16]  }
0xf2: {  	[tilespmem:s4], [sflag:$0x1] =	stream.indirect_vreg.gather [hbm4b:s1+s3], $0x80, v4, vm0, $0xb8;
	[tilespmem:$0x18200] =	vst v63  }
0xf3: {  	s6 =	rddreg [dreg:$0x17]  }
0xf4: {  	[tilespmem:s6], [sflag:$0x1] =	stream.indirect_vreg.gather [hbm4b:s1+s3], $0x80, v3, vm0, $0xb8;
	[tilespmem:$0x18200] =	vst v63  }
0xf5: {  	v3 =	vld [tilespmem:$0x120];
	_ =	sdelay $0x4  }
0xf6: {  	v58 =	vshll.u32 v3, $0x1  }
0xf7: {  	v3 =	vand.u32 $0x7, v3;
	v4 =	vand.u32 $0xFFFFFFF0, v58  }
0xf8: {  	v3 =	vor.u32 v3, v4  }
0xf9: {  	v4 =	vperm.xlane v3, v0;
	_ =	sdelay $0x1  }
0xfa: {  	v3 =	vperm.xlane v3, v2;
	v4 =	vadd.s32 v1, v4;
	_ =	sdelay $0x1  }
0xfb: {  	v3 =	vadd.s32 v1, v3;
	_ =	sdelay $0x1  }
0xfc: {  	s4 =	rddreg [dreg:$0x18]  }
0xfd: {  	[tilespmem:s4], [sflag:$0x1] =	stream.indirect_vreg.gather [hbm4b:s1+s3], $0x80, v4, vm0, $0xb8;
	[tilespmem:$0x18200] =	vst v63  }
0xfe: {  	s6 =	rddreg [dreg:$0x19]  }
0xff: {  	[tilespmem:s6], [sflag:$0x1] =	stream.indirect_vreg.gather [hbm4b:s1+s3], $0x80, v3, vm0, $0xb8;
	[tilespmem:$0x18200] =	vst v63  }
0x100: {  	v3 =	vld [tilespmem:$0x130];
	_ =	sdelay $0x4  }
0x101: {  	v59 =	vshll.u32 v3, $0x1  }
0x102: {  	v3 =	vand.u32 $0x7, v3;
	v4 =	vand.u32 $0xFFFFFFF0, v59  }
0x103: {  	v3 =	vor.u32 v3, v4  }
0x104: {  	v4 =	vperm.xlane v3, v0;
	_ =	sdelay $0x1  }
0x105: {  	v3 =	vperm.xlane v3, v2;
	v4 =	vadd.s32 v1, v4;
	_ =	sdelay $0x1  }
0x106: {  	v3 =	vadd.s32 v1, v3;
	_ =	sdelay $0x1  }
0x107: {  	s4 =	rddreg [dreg:$0x1a]  }
0x108: {  	[tilespmem:s4], [sflag:$0x1] =	stream.indirect_vreg.gather [hbm4b:s1+s3], $0x80, v4, vm0, $0xb8;
	[tilespmem:$0x18200] =	vst v63  }
0x109: {  	s6 =	rddreg [dreg:$0x1b]  }
0x10a: {  	[tilespmem:s6], [sflag:$0x1] =	stream.indirect_vreg.gather [hbm4b:s1+s3], $0x80, v3, vm0, $0xb8;
	[tilespmem:$0x18200] =	vst v63  }
0x10b: {  	v3 =	vld [tilespmem:$0x140];
	_ =	sdelay $0x4  }
0x10c: {  	v60 =	vshll.u32 v3, $0x1  }
0x10d: {  	v3 =	vand.u32 $0x7, v3;
	v4 =	vand.u32 $0xFFFFFFF0, v60  }
0x10e: {  	v3 =	vor.u32 v3, v4  }
0x10f: {  	v4 =	vperm.xlane v3, v0;
	_ =	sdelay $0x1  }
0x110: {  	v3 =	vperm.xlane v3, v2;
	v4 =	vadd.s32 v1, v4;
	_ =	sdelay $0x1  }
0x111: {  	v3 =	vadd.s32 v1, v3;
	_ =	sdelay $0x1  }
0x112: {  	s4 =	rddreg [dreg:$0x1c]  }
0x113: {  	[tilespmem:s4], [sflag:$0x1] =	stream.indirect_vreg.gather [hbm4b:s1+s3], $0x80, v4, vm0, $0xb8;
	[tilespmem:$0x18200] =	vst v63  }
0x114: {  	s6 =	rddreg [dreg:$0x1d]  }
0x115: {  	[tilespmem:s6], [sflag:$0x1] =	stream.indirect_vreg.gather [hbm4b:s1+s3], $0x80, v3, vm0, $0xb8;
	[tilespmem:$0x18200] =	vst v63  }
0x116: {  	v3 =	vld [tilespmem:$0x150];
	_ =	sdelay $0x4  }
0x117: {  	v61 =	vshll.u32 v3, $0x1  }
0x118: {  	v3 =	vand.u32 $0x7, v3;
	v4 =	vand.u32 $0xFFFFFFF0, v61  }
0x119: {  	v3 =	vor.u32 v3, v4  }
0x11a: {  	v4 =	vperm.xlane v3, v0;
	_ =	sdelay $0x1  }
0x11b: {  	v3 =	vperm.xlane v3, v2;
	v4 =	vadd.s32 v1, v4;
	_ =	sdelay $0x1  }
0x11c: {  	v3 =	vadd.s32 v1, v3;
	_ =	sdelay $0x1  }
0x11d: {  	s4 =	rddreg [dreg:$0x1e]  }
0x11e: {  	[tilespmem:s4], [sflag:$0x1] =	stream.indirect_vreg.gather [hbm4b:s1+s3], $0x80, v4, vm0, $0xb8;
	[tilespmem:$0x18200] =	vst v63  }
0x11f: {  	s6 =	rddreg [dreg:$0x1f]  }
0x120: {  	[tilespmem:s6], [sflag:$0x1] =	stream.indirect_vreg.gather [hbm4b:s1+s3], $0x80, v3, vm0, $0xb8;
	[tilespmem:$0x18200] =	vst v63  }
0x121: {  	v3 =	vld [tilespmem:$0x160];
	_ =	sdelay $0x4  }
0x122: {  	v62 =	vshll.u32 v3, $0x1  }
0x123: {  	v3 =	vand.u32 $0x7, v3;
	v4 =	vand.u32 $0xFFFFFFF0, v62  }
0x124: {  	v3 =	vor.u32 v3, v4  }
0x125: {  	v4 =	vperm.xlane v3, v0;
	_ =	sdelay $0x1  }
0x126: {  	v3 =	vperm.xlane v3, v2;
	v4 =	vadd.s32 v1, v4;
	_ =	sdelay $0x1  }
0x127: {  	s4 =	sld [smem:$0x7FA];
	v3 =	vadd.s32 v1, v3;
	_ =	sdelay $0x1  }
0x128: {  	s6 =	sld [smem:$0x7FB]  }
0x129: {  	[tilespmem:s4], [sflag:$0x1] =	stream.indirect_vreg.gather [hbm4b:s1+s3], $0x80, v4, vm0, $0xb8;
	[tilespmem:$0x18200] =	vst v63  }
0x12a: {  	_ = 	snop  }
0x12b: {  	[tilespmem:s6], [sflag:$0x1] =	stream.indirect_vreg.gather [hbm4b:s1+s3], $0x80, v3, vm0, $0xb8;
	[tilespmem:$0x18200] =	vst v63  }
0x12c: {  	v3 =	vld [tilespmem:$0x170];
	_ =	sdelay $0x4  }
0x12d: {  	v63 =	vshll.u32 v3, $0x1  }
0x12e: {  	v3 =	vand.u32 $0x7, v3;
	v4 =	vand.u32 $0xFFFFFFF0, v63  }
0x12f: {  	v3 =	vor.u32 v3, v4  }
0x130: {  	v4 =	vperm.xlane v3, v0;
	_ =	sdelay $0x1  }
0x131: {  	v3 =	vperm.xlane v3, v2;
	v4 =	vadd.s32 v1, v4;
	_ =	sdelay $0x1  }
0x132: {  	s4 =	sld [smem:$0x7FC];
	v3 =	vadd.s32 v1, v3;
	_ =	sdelay $0x1  }
0x133: {  	s6 =	sld [smem:$0x7FD]  }
0x134: {  	[tilespmem:s4], [sflag:$0x1] =	stream.indirect_vreg.gather [hbm4b:s1+s3], $0x80, v4, vm0, $0xb8;
	[tilespmem:$0x18200] =	vst v63  }
0x135: {  	_ = 	snop  }
0x136: {  	[tilespmem:s6], [sflag:$0x1] =	stream.indirect_vreg.gather [hbm4b:s1+s3], $0x80, v3, vm0, $0xb8;
	[tilespmem:$0x18200] =	vst v63  }
0x137: {  	_ =	swait.ge [sflag:s30], $0x8000  }
0x138: {  	s6 =	rddreg [dreg:$0x3];
	[sflag:s30] =	ssyncset.done $0x0  }
0x139: {  	[sflag:s30] =	ssyncadd.s32 $0xFFFF8000;
	s4 =	sadd.s32 s5, s6  }
0x13a: {  	[hbm4b:s4+s3] =	stream.linear.scatter [tilespmem:s11], [sflag:$0x2], $0x8000, $0x38;
	[tilespmem:$0x18200] =	vst v63  }
0x13b: {  	_ =	swait.ge [sflag:s10], $0x8000  }
0x13c: {  	[sflag:s10] =	ssyncset.done $0x0  }
0x13d: {  	[sflag:s10] =	ssyncadd.s32 $0xFFFF8000  }
0x13e: {  	_ =	swait.ge [sflag:s30], $0x8000  }
0x13f: {  	[sflag:s30] =	ssyncset.done $0x0  }
0x140: {  	s6 =	sadd.s32 $0x1000, s4;
	[sflag:s30] =	ssyncadd.s32 $0xFFFF8000  }
0x141: {  	[hbm4b:s6+s3] =	stream.linear.scatter [tilespmem:s28], [sflag:$0x2], $0x8000, $0x38;
	[tilespmem:$0x18200] =	vst v63  }
0x142: {  	_ =	swait.ge [sflag:s10], $0x8000  }
0x143: {  	[sflag:s10] =	ssyncset.done $0x0  }
0x144: {  	[sflag:s10] =	ssyncadd.s32 $0xFFFF8000  }
0x145: {  	_ =	swait.ge [sflag:s30], $0x8000  }
0x146: {  	p0 =	sne.s32 s5, $0xC000;
	[sflag:s30] =	ssyncset.done $0x0  }
.Ltmp0:
0x147: {  	s4 =	sadd.s32 $0x2000, s4;
	[sflag:s30] =	ssyncadd.s32 $0xFFFF8000;
	(pc) =	sbr.rel @p0 .LBB2_2-.Ltmp0, $4  }
0x148: {  	[hbm4b:s4+s3] =	stream.linear.scatter [tilespmem:s29], [sflag:$0x2], $0x8000, $0x38;
	[tilespmem:$0x18200] =	vst v63  }
0x149: {  	_ =	swait.ge [sflag:s10], $0x8000  }
0x14a: {  	s9 =	sadd.s32 $0x30, s9;
	s8 =	sadd.s32 $0x30, s8;
	[sflag:s10] =	ssyncset.done $0x0  }
0x14b: {  	s7 =	sadd.s32 $0x30, s7;
	s5 =	sadd.s32 $0x3000, s5;
	[sflag:s10] =	ssyncadd.s32 $0xFFFF8000  }
0x14c: {  	s4 =	sld [smem:$0x7F6];
	_ =	sdelay $0x2  }
0x14d: {  	[tilespmem:s3], [sflag:$0x2] =	stream.linear.gather [hbm4b:s4+s3], $0x80, $0x38;
	[tilespmem:$0x18200] =	vst v63  }
0x14e: {  	_ =	swait.ge [sflag:s10], $0x80  }
0x14f: {  	[sflag:s10] =	ssyncset.done $0x0  }
0x150: {  	[sflag:s10] =	ssyncadd.s32 $0xFFFFFF80  }
0x151: {  	v3 =	vld [tilespmem:$0x0];
	_ =	sdelay $0x4  }
0x152: {  	v4 =	vshll.u32 v3, $0x1  }
0x153: {  	v3 =	vand.u32 $0x7, v3;
	v4 =	vand.u32 $0xFFFFFFF0, v4  }
0x154: {  	v3 =	vor.u32 v3, v4  }
0x155: {  	v4 =	vperm.xlane v3, v0;
	_ =	sdelay $0x1  }
0x156: {  	v3 =	vperm.xlane v3, v2;
	v4 =	vadd.s32 v1, v4;
	_ =	sdelay $0x1  }
0x157: {  	v3 =	vadd.s32 v1, v3;
	_ =	sdelay $0x2  }
0x158: {  	[tilespmem:s11], [sflag:$0x1] =	stream.indirect_vreg.gather [hbm4b:s1+s3], $0x80, v4, vm0, $0xb8;
	[tilespmem:$0x18200] =	vst v63  }
0x159: {  	_ = 	snop  }
0x15a: {  	[tilespmem:s12], [sflag:$0x1] =	stream.indirect_vreg.gather [hbm4b:s1+s3], $0x80, v3, vm0, $0xb8;
	[tilespmem:$0x18200] =	vst v63  }
0x15b: {  	v3 =	vld [tilespmem:$0x10];
	_ =	sdelay $0x4  }
0x15c: {  	v57 =	vshll.u32 v3, $0x1  }
0x15d: {  	v3 =	vand.u32 $0x7, v3;
	v4 =	vand.u32 $0xFFFFFFF0, v57  }
0x15e: {  	v3 =	vor.u32 v3, v4  }
0x15f: {  	v4 =	vperm.xlane v3, v0;
	_ =	sdelay $0x1  }
0x160: {  	v3 =	vperm.xlane v3, v2;
	v4 =	vadd.s32 v1, v4;
	_ =	sdelay $0x1  }
0x161: {  	v3 =	vadd.s32 v1, v3;
	_ =	sdelay $0x2  }
0x162: {  	[tilespmem:s13], [sflag:$0x1] =	stream.indirect_vreg.gather [hbm4b:s1+s3], $0x80, v4, vm0, $0xb8;
	[tilespmem:$0x18200] =	vst v63  }
0x163: {  	_ = 	snop  }
0x164: {  	[tilespmem:s14], [sflag:$0x1] =	stream.indirect_vreg.gather [hbm4b:s1+s3], $0x80, v3, vm0, $0xb8;
	[tilespmem:$0x18200] =	vst v63  }
0x165: {  	v3 =	vld [tilespmem:$0x20];
	_ =	sdelay $0x4  }
0x166: {  	v58 =	vshll.u32 v3, $0x1  }
0x167: {  	v3 =	vand.u32 $0x7, v3;
	v4 =	vand.u32 $0xFFFFFFF0, v58  }
0x168: {  	v3 =	vor.u32 v3, v4  }
0x169: {  	v4 =	vperm.xlane v3, v0;
	_ =	sdelay $0x1  }
0x16a: {  	v3 =	vperm.xlane v3, v2;
	v4 =	vadd.s32 v1, v4;
	_ =	sdelay $0x1  }
0x16b: {  	v3 =	vadd.s32 v1, v3;
	_ =	sdelay $0x2  }
0x16c: {  	[tilespmem:s15], [sflag:$0x1] =	stream.indirect_vreg.gather [hbm4b:s1+s3], $0x80, v4, vm0, $0xb8;
	[tilespmem:$0x18200] =	vst v63  }
0x16d: {  	_ = 	snop  }
0x16e: {  	[tilespmem:s16], [sflag:$0x1] =	stream.indirect_vreg.gather [hbm4b:s1+s3], $0x80, v3, vm0, $0xb8;
	[tilespmem:$0x18200] =	vst v63  }
0x16f: {  	v3 =	vld [tilespmem:$0x30];
	_ =	sdelay $0x4  }
0x170: {  	v59 =	vshll.u32 v3, $0x1  }
0x171: {  	v3 =	vand.u32 $0x7, v3;
	v4 =	vand.u32 $0xFFFFFFF0, v59  }
0x172: {  	v3 =	vor.u32 v3, v4  }
0x173: {  	v4 =	vperm.xlane v3, v0;
	_ =	sdelay $0x1  }
0x174: {  	v3 =	vperm.xlane v3, v2;
	v4 =	vadd.s32 v1, v4;
	_ =	sdelay $0x1  }
0x175: {  	v3 =	vadd.s32 v1, v3;
	_ =	sdelay $0x2  }
0x176: {  	[tilespmem:s17], [sflag:$0x1] =	stream.indirect_vreg.gather [hbm4b:s1+s3], $0x80, v4, vm0, $0xb8;
	[tilespmem:$0x18200] =	vst v63  }
0x177: {  	_ = 	snop  }
0x178: {  	[tilespmem:s18], [sflag:$0x1] =	stream.indirect_vreg.gather [hbm4b:s1+s3], $0x80, v3, vm0, $0xb8;
	[tilespmem:$0x18200] =	vst v63  }
0x179: {  	v3 =	vld [tilespmem:$0x40];
	_ =	sdelay $0x4  }
0x17a: {  	v60 =	vshll.u32 v3, $0x1  }
0x17b: {  	v3 =	vand.u32 $0x7, v3;
	v4 =	vand.u32 $0xFFFFFFF0, v60  }
0x17c: {  	v3 =	vor.u32 v3, v4  }
0x17d: {  	v4 =	vperm.xlane v3, v0;
	_ =	sdelay $0x1  }
0x17e: {  	v3 =	vperm.xlane v3, v2;
	v4 =	vadd.s32 v1, v4;
	_ =	sdelay $0x1  }
0x17f: {  	v3 =	vadd.s32 v1, v3;
	_ =	sdelay $0x2  }
0x180: {  	[tilespmem:s19], [sflag:$0x1] =	stream.indirect_vreg.gather [hbm4b:s1+s3], $0x80, v4, vm0, $0xb8;
	[tilespmem:$0x18200] =	vst v63  }
0x181: {  	_ = 	snop  }
0x182: {  	[tilespmem:s20], [sflag:$0x1] =	stream.indirect_vreg.gather [hbm4b:s1+s3], $0x80, v3, vm0, $0xb8;
	[tilespmem:$0x18200] =	vst v63  }
0x183: {  	v3 =	vld [tilespmem:$0x50];
	_ =	sdelay $0x4  }
0x184: {  	v61 =	vshll.u32 v3, $0x1  }
0x185: {  	v3 =	vand.u32 $0x7, v3;
	v4 =	vand.u32 $0xFFFFFFF0, v61  }
0x186: {  	v3 =	vor.u32 v3, v4  }
0x187: {  	v4 =	vperm.xlane v3, v0;
	_ =	sdelay $0x1  }
0x188: {  	v3 =	vperm.xlane v3, v2;
	v4 =	vadd.s32 v1, v4;
	_ =	sdelay $0x1  }
0x189: {  	v3 =	vadd.s32 v1, v3;
	_ =	sdelay $0x2  }
0x18a: {  	[tilespmem:s21], [sflag:$0x1] =	stream.indirect_vreg.gather [hbm4b:s1+s3], $0x80, v4, vm0, $0xb8;
	[tilespmem:$0x18200] =	vst v63  }
0x18b: {  	_ = 	snop  }
0x18c: {  	[tilespmem:s22], [sflag:$0x1] =	stream.indirect_vreg.gather [hbm4b:s1+s3], $0x80, v3, vm0, $0xb8;
	[tilespmem:$0x18200] =	vst v63  }
0x18d: {  	v3 =	vld [tilespmem:$0x60];
	_ =	sdelay $0x4  }
0x18e: {  	v62 =	vshll.u32 v3, $0x1  }
0x18f: {  	v3 =	vand.u32 $0x7, v3;
	v4 =	vand.u32 $0xFFFFFFF0, v62  }
0x190: {  	v3 =	vor.u32 v3, v4  }
0x191: {  	v4 =	vperm.xlane v3, v0;
	_ =	sdelay $0x1  }
0x192: {  	v3 =	vperm.xlane v3, v2;
	v4 =	vadd.s32 v1, v4;
	_ =	sdelay $0x1  }
0x193: {  	v3 =	vadd.s32 v1, v3;
	_ =	sdelay $0x2  }
0x194: {  	[tilespmem:s23], [sflag:$0x1] =	stream.indirect_vreg.gather [hbm4b:s1+s3], $0x80, v4, vm0, $0xb8;
	[tilespmem:$0x18200] =	vst v63  }
0x195: {  	_ = 	snop  }
0x196: {  	[tilespmem:s24], [sflag:$0x1] =	stream.indirect_vreg.gather [hbm4b:s1+s3], $0x80, v3, vm0, $0xb8;
	[tilespmem:$0x18200] =	vst v63  }
0x197: {  	v3 =	vld [tilespmem:$0x70];
	_ =	sdelay $0x4  }
0x198: {  	v63 =	vshll.u32 v3, $0x1  }
0x199: {  	v3 =	vand.u32 $0x7, v3;
	v4 =	vand.u32 $0xFFFFFFF0, v63  }
0x19a: {  	v3 =	vor.u32 v3, v4  }
0x19b: {  	v4 =	vperm.xlane v3, v0;
	_ =	sdelay $0x1  }
0x19c: {  	v3 =	vperm.xlane v3, v2;
	v4 =	vadd.s32 v1, v4;
	_ =	sdelay $0x1  }
0x19d: {  	v3 =	vadd.s32 v1, v3;
	_ =	sdelay $0x2  }
0x19e: {  	[tilespmem:s25], [sflag:$0x1] =	stream.indirect_vreg.gather [hbm4b:s1+s3], $0x80, v4, vm0, $0xb8;
	[tilespmem:$0x18200] =	vst v63  }
0x19f: {  	_ = 	snop  }
0x1a0: {  	[tilespmem:s26], [sflag:$0x1] =	stream.indirect_vreg.gather [hbm4b:s1+s3], $0x80, v3, vm0, $0xb8;
	[tilespmem:$0x18200] =	vst v63  }
0x1a1: {  	_ =	swait.ge [sflag:s30], $0x8000  }
0x1a2: {  	s8 =	sld [smem:$0x7F7]  }
0x1a3: {  	[sflag:s30] =	ssyncset.done $0x0  }
0x1a4: {  	[sflag:s30] =	ssyncadd.s32 $0xFFFF8000  }
0x1a5: {  	[hbm4b:s8+s3] =	stream.linear.scatter [tilespmem:s11], [sflag:$0x2], $0x8000, $0x38;
	[tilespmem:$0x18200] =	vst v63  }
0x1a6: {  	_ =	swait.ge [sflag:s10], $0x8000  }
0x1a7: {  	s9 =	sld [smem:$0x7F8];
	_ =	sdelay $0x1  }
0x1a8: {  	s31 =	sadd.s32 $0x1, s31  }
0x1a9: {  	p0 =	sne.s32 s31, s9  }
.Ltmp1:
0x1aa: {  	_ = 	snop;
	(pc) =	sbr.rel @p0 .LBB2_1-.Ltmp1, $3  }
0x1ab: {  	_ =	sdelay $0x1  }
0x1ac: {  	[sflag:s10] =	ssyncset.done $0x0  }
0x1ad: {  	[sflag:s10] =	ssyncadd.s32 $0xFFFF8000  }
0x1ae: {  	_ =	sfence.sel $0x180000  }
0x1af: {  	[bflag:$0x0] =	sbarrier.arrive $0xFFFF  }
0x1b0: {  	_ =	strace $0x9000004A  }
0x1b1: {  	s0 =	stileid.u32;
	[bflag:$0x2] =	sbarrier.arrive $0xFFFF  }
0x1b2: {  	p0 =	sne.s32 s0, $0x0;
	s0 =	rddreg [dreg:$0x2]  }
0x1b3: {  	s0 =	sadd.s32 @!p0 $0x100000, s0  }
0x1b4: {  	[sflag:s0] =	ssyncadd.tile.s32 @!p0 $0x1;
	_ =	shalt  }
.Lfunc_end2:
_tile_overlayer_lowered:
.L_overlay_start_2:
0x1b5: {  	(tag) =	ssettag $0x2  }
0x1b6: {  	s0 =	rddreg [dreg:$0x0];
	s2 =	stileid.u32  }
0x1b7: {  	s1 =	rddreg [dreg:$0x1];
	p0 =	sne.s32 s2, $0x0  }
0x1b8: {  	s3 =	rddreg [dreg:$0x2];
	[bflag:$0x3] =	sbarrier.arrive $0xFFFF;
	s2 =	simm.s32 @!p0 $0x1C02  }
0x1b9: {  	[timem:s3], [sflag:s2] =	dma.local @!p0 [hbm:s0], s1  }
0x1ba: {  	s0 =	simm.s32 @!p0 $0x2  }
0x1bb: {  	_ =	swait.ge @!p0 [sflag:s0], s1  }
0x1bc: {  	s1 =	ssub.s32 @!p0 $0x0, s1;
	[sflag:s0] =	ssyncset.done @!p0 $0x0  }
0x1bd: {  	[sflag:s0] =	ssyncadd.s32 @!p0 s1  }
0x1be: {  	[bflag:$0x3] =	sbarrier.arrive $0xFFFF  }
0x1bf: {  	_ =	shalt  }

// kernel: kernel.8.cloned.1.call-start
scs
__scs_entry_jumppad:
0x0: {  	(pc) =	sbr.rel $0x88, $3  }
0x1: {  	(tag) =	ssettag $0x0;
	lr =	simm.s32 $0x1  }
0x2: {  	[smem:$0x3F96] =	sst lr;
	_ =	strace $0xD0000000  }
0x3: {  	_ = 	snop  }
0x4: {  	_ = 	snop  }
0x5: {  	_ = 	snop  }
0x6: {  	_ = 	snop  }
0x7: {  	_ = 	snop  }
__scs_overlays_trampoline_lowered:
0x8: {  	[smem:$0x3FA5] =	sst s0  }
0x9: {  	[smem:$0x3FA6] =	sst s1  }
0xa: {  	[smem:$0x3FA7] =	sst s2  }
0xb: {  	[smem:$0x3FA8] =	sst s3  }
0xc: {  	[smem:$0x3FA9] =	sst s4  }
0xd: {  	[smem:$0x3FAA] =	sst s5  }
0xe: {  	[smem:$0x3FAB] =	sst s6  }
0xf: {  	[smem:$0x3FAC] =	sst s7  }
0x10: {  	[smem:$0x3FAD] =	sst s8  }
0x11: {  	[smem:$0x3FAE] =	sst s9;
	s0 =	simm.s32 @!p0 $0x0  }
0x12: {  	s1 =	sld [smem:$0x3F94];
	s0 =	simm.s32 @p0 $0x1  }
0x13: {  	[smem:$0x3FAF] =	sst s0;
	s0 =	simm.s32 @!p1 $0x0  }
0x14: {  	s2 =	sld [smem:$0x3F93];
	s0 =	simm.s32 @p1 $0x1  }
0x15: {  	[smem:$0x3FB0] =	sst s0;
	s0 =	simm.s32 @!p2 $0x0  }
0x16: {  	s3 =	sld [smem:$0x3FDB];
	s0 =	simm.s32 @p2 $0x1  }
0x17: {  	s4 =	simm.s32 $0x1BF5;
	[smem:$0x3FB2] =	sst s0  }
0x18: {  	s0 =	sld [smem:$0x3F95];
	_ =	swait.ge [sflag:s4], $0x0  }
0x19: {  	s7 =	sld [smem:$0x3F96]  }
0x1a: {  	s8 =	sadd.s32 $0xFFFFE003, lr  }
0x1b: {  	s9 =	sadd.s32 $0xFFFFFEF7, lr;
	s5 =	simm.s32 $0xFFFFFFFF;
	p2 =	slt.u32 s8, $0xFFFFF086  }
0x1c: {  	p1 =	slt.u32 s9, $0xF7A;
	s5 =	simm.s32 @!p2 $0x0  }
0x1d: {  	s5 =	simm.s32 @p1 $0x1;
	p0 =	seq.s32 s7, s2  }
0x1e: {  	s7 =	smul.u32 @!p0 $0xF7A, s2;
	p2 =	seq.s32 @!p0 s5, $0x0  }
0x1f: {  	s9 =	smul.u32 $0xF7A, s1;
	s8 =	simm.s32 @!p0 $0x1BF5;
	p2 =	por !p2, p0  }
0x20: {  	[sflag:s8] =	ssyncset.s32 @!p0 $0xFFFFF086;
	s6 =	sadd.s32 @!p0 s3, s7;
	s7 =	simm.s32 @!p0 $0x108  }
0x21: {  	s3 =	sadd.s32 s3, s9;
	s6 =	sadd.s32 @!p0 $0x88, s6;
	s7 =	simm.s32 @p2 $0x1082  }
0x22: {  	[simem:s7], [sflag:s8] =	dma.local @!p0 [hbm:s6], $0xF7A  }
0x23: {  	s9 =	sor.u32 $0xD0000000, s2;
	s6 =	simm.s32 $0x108;
	_ =	swait.ge @!p0 [sflag:s8], $0x0  }
0x24: {  	s3 =	sadd.s32 $0x88, s3;
	s6 =	simm.s32 @!p1 $0x1082;
	[sflag:s4] =	ssyncset.s32 $0xFFFFF086  }
0x25: {  	[simem:s6], [sflag:s4] =	dma.local [hbm:s3], $0xF7A  }
0x26: {  	[smem:$0x3F96] =	sst s1;
	(tag) =	ssettag s2;
	_ =	strace s9  }
0x27: {  	s1 =	sld [smem:$0x3FA6]  }
0x28: {  	s2 =	sld [smem:$0x3FA7]  }
0x29: {  	s4 =	sld [smem:$0x3FA9]  }
0x2a: {  	p0 =	seq.s32 s5, $0x0;
	s5 =	sld [smem:$0x3FAA]  }
0x2b: {  	s6 =	sld [smem:$0x3FAB]  }
0x2c: {  	s7 =	sld [smem:$0x3FAC]  }
0x2d: {  	s3 =	simm.s32 $0x108;
	s8 =	sld [smem:$0x3FAD]  }
0x2e: {  	s3 =	simm.s32 @!p0 $0x1082;
	s9 =	sld [smem:$0x3FAE]  }
0x2f: {  	lr =	sadd.s32 s0, s3;
	s0 =	sld [smem:$0x3FA5]  }
0x30: {  	s3 =	sld [smem:$0x3FA8]  }
0x31: {  	[smem:$0x3FB1] =	sst s10  }
0x32: {  	s10 =	sld [smem:$0x3FAF];
	_ =	sdelay $0x3  }
0x33: {  	p0 =	seq.s32 s10, $0x1;
	s10 =	sld [smem:$0x3FB1];
	_ =	sdelay $0x3  }
0x34: {  	[smem:$0x3FB1] =	sst s10  }
0x35: {  	s10 =	sld [smem:$0x3FB0];
	_ =	sdelay $0x3  }
0x36: {  	p1 =	seq.s32 s10, $0x1;
	s10 =	sld [smem:$0x3FB1];
	_ =	sdelay $0x3  }
0x37: {  	[smem:$0x3FB1] =	sst s10  }
0x38: {  	s10 =	sld [smem:$0x3FB2]  }
0x39: {  	_ = 	snop;
	(pc) =	sbr.ind lr, $3  }
0x3a: {  	_ = 	snop  }
0x3b: {  	_ = 	snop  }
0x3c: {  	p2 =	seq.s32 s10, $0x1;
	s10 =	sld [smem:$0x3FB1]  }
0x3d: {  	_ =	shalt  }
0x3e: {  	_ =	shalt  }
0x3f: {  	_ =	shalt  }
0x40: {  	_ =	shalt  }
0x41: {  	_ =	shalt  }
0x42: {  	_ =	shalt  }
0x43: {  	_ =	shalt  }
0x44: {  	_ =	shalt  }
0x45: {  	_ =	shalt  }
0x46: {  	_ =	shalt  }
0x47: {  	_ =	shalt  }
0x48: {  	_ =	shalt  }
0x49: {  	_ =	shalt  }
0x4a: {  	_ =	shalt  }
0x4b: {  	_ =	shalt  }
0x4c: {  	_ =	shalt  }
0x4d: {  	_ =	shalt  }
0x4e: {  	_ =	shalt  }
0x4f: {  	_ =	shalt  }
0x50: {  	_ =	shalt  }
0x51: {  	_ =	shalt  }
0x52: {  	_ =	shalt  }
0x53: {  	_ =	shalt  }
0x54: {  	_ =	shalt  }
0x55: {  	_ =	shalt  }
0x56: {  	_ =	shalt  }
0x57: {  	_ =	shalt  }
0x58: {  	_ =	shalt  }
0x59: {  	_ =	shalt  }
0x5a: {  	_ =	shalt  }
0x5b: {  	_ =	shalt  }
0x5c: {  	_ =	shalt  }
0x5d: {  	_ =	shalt  }
0x5e: {  	_ =	shalt  }
0x5f: {  	_ =	shalt  }
0x60: {  	_ =	shalt  }
0x61: {  	_ =	shalt  }
0x62: {  	_ =	shalt  }
0x63: {  	_ =	shalt  }
0x64: {  	_ =	shalt  }
0x65: {  	_ =	shalt  }
0x66: {  	_ =	shalt  }
0x67: {  	_ =	shalt  }
0x68: {  	_ =	shalt  }
0x69: {  	_ =	shalt  }
0x6a: {  	_ =	shalt  }
0x6b: {  	_ =	shalt  }
0x6c: {  	_ =	shalt  }
0x6d: {  	_ =	shalt  }
0x6e: {  	_ =	shalt  }
0x6f: {  	_ =	shalt  }
0x70: {  	_ =	shalt  }
0x71: {  	_ =	shalt  }
0x72: {  	_ =	shalt  }
0x73: {  	_ =	shalt  }
0x74: {  	_ =	shalt  }
0x75: {  	_ =	shalt  }
0x76: {  	_ =	shalt  }
0x77: {  	_ =	shalt  }
0x78: {  	_ =	shalt  }
0x79: {  	_ =	shalt  }
0x7a: {  	_ =	shalt  }
0x7b: {  	_ =	shalt  }
0x7c: {  	_ =	shalt  }
0x7d: {  	_ =	shalt  }
0x7e: {  	_ =	shalt  }
0x7f: {  	_ =	shalt  }
0x80: {  	_ =	shalt  }
0x81: {  	_ =	shalt  }
0x82: {  	_ =	shalt  }
0x83: {  	_ =	shalt  }
0x84: {  	_ =	shalt  }
0x85: {  	_ =	shalt  }
0x86: {  	_ =	shalt  }
0x87: {  	_ =	shalt  }
.Lfunc_end0:
.L_simem_size_0:
called_computation_lowered:
.L_overlay_start_0:
0x88: {  	s2 =	sld [smem:$0x3FD9]  }
0x89: {  	s3 =	sld [smem:$0x3FFE];
	_ =	sdelay $0x1  }
0x8a: {  	s1 =	srdreg.scid  }
0x8b: {  	s0 =	sand.u32 $0x1, s1  }
0x8c: {  	s16 =	sshll.u32 s0, $0xA;
	s2 =	sadd.s32 s3, s2  }
0x8d: {  	s2 =	sadd.s32 s2, s16  }
0x8e: {  	[smem:$0x3FBD] =	sst s2  }
0x8f: {  	_ = 	snop  }
0x90: {  	(tm) =	ssettm $0x1  }
0x91: {  	s17 =	sld [smem:$0x3FFB];
	_ =	sdelay $0x3  }
0x92: {  	_ =	strace s17  }
0x93: {  	s2 =	sld [smem:$0x3FFC];
	_ =	sdelay $0x3  }
0x94: {  	_ =	strace s2  }
0x95: {  	s2 =	sld [smem:$0x3FFD];
	_ =	sdelay $0x3  }
0x96: {  	_ =	strace s2  }
0x97: {  	_ =	strace $0x8FFFFFFF  }
0x98: {  	s18 =	sld [smem:$0x3FDB];
	_ =	sdelay $0x1  }
0x99: {  	s19 =	simm.s32 $_scs_section_size  }
0x9a: {  	s4 =	simm.s32 $_size__tile_overlayer_lowered;
	s5 =	simm.s32 $_tile_overlayer_lowered  }
0x9b: {  	s22 =	simm.s32 $0x1BFF;
	s21 =	sshll.u32 s5, $0x1;
	s2 =	sadd.s32 s19, s18  }
0x9c: {  	s6 =	simm.s32 $0x0;
	s20 =	sshll.u32 s4, $0x1;
	s4 =	sadd.s32 s21, s2  }
0x9d: {  	[timem:s6], [sflag:s22] =	dma.local [hbm:s4], s20  }
0x9e: {  	_ =	swait.ge [sflag:s22], s20  }
0x9f: {  	s3 =	ssub.s32 $0x0, s20;
	[sflag:s22] =	ssyncset.done $0x0  }
0xa0: {  	[sflag:s22] =	ssyncadd.s32 s3;
	_ =	sdelay $0x1  }
0xa1: {  	s23 =	simm.s32 $0x1B8B  }
0xa2: {  	_ =	swait.ge [sflag:s23], $0x1  }
0xa3: {  	[sflag:s23] =	ssyncset.done $0x0  }
0xa4: {  	s25 =	simm.s32 $0x1B8E;
	s24 =	sld [smem:$0x3FFE];
	[sflag:s23] =	ssyncadd.s32 $0xFFFFFFFF  }
0xa5: {  	s26 =	simm.s32 $execute0_lowered;
	[smem:$0x3FD2] =	sst s25  }
0xa6: {  	s4 =	sshll.u32 s26, $0x1;
	_ =	strace $0x80000046;
	[dreg:$0x1] =	wrdreg $0xFFFFFFFF  }
0xa7: {  	s28 =	simm.s32 $_size_execute0_lowered;
	s2 =	sadd.s32 s2, s4;
	[dreg:$0x0] =	wrdreg $0x0  }
0xa8: {  	s4 =	sshll.u32 s28, $0x1;
	[dreg:$0x2] =	wrdreg s2  }
0xa9: {  	[dreg:$0x3] =	wrdreg s4  }
0xaa: {  	[dreg:$0x4] =	wrdreg $0xC0  }
0xab: {  	_ =	task [dreg:s6], $0x5FFFF  }
0xac: {  	[dreg:$0x1] =	wrdreg $0xFFFFFFFF  }
0xad: {  	[dreg:$0x0] =	wrdreg $0x60  }
0xae: {  	[dreg:$0x2] =	wrdreg s24  }
0xaf: {  	[dreg:$0x3] =	wrdreg $0x9  }
0xb0: {  	_ =	task.clear_ibuf [dreg:s6], $0x4FFFF;
	_ =	strace $0x90000046  }
0xb1: {  	s29 =	simm.s32 $0x9;
	_ =	strace $0x80000048  }
0xb2: {  	_ =	swait.ge [sflag:s29], $0x1  }
0xb3: {  	[sflag:s29] =	ssyncadd.s32 $0xFFFFFFFF  }
0xb4: {  	_ =	strace $0x90000048  }
0xb5: {  	_ =	sfence  }
0xb6: {  	s30 =	sld [smem:$0x0];
	_ =	sdelay $0x2  }
0xb7: {  	s31 =	sshll.u32 s1, $0xD;
	s1 =	sshrl.u32 s1, $0x2  }
0xb8: {  	s3 =	sand.u32 $0x4000, s31;
	s1 =	sadd.s32 s1, s30  }
0xb9: {  	s0 =	sor.u32 s3, s0;
	s1 =	sshll.u32 s1, $0x11  }
0xba: {  	s0 =	sor.u32 s1, s0  }
0xbb: {  	s0 =	sadd.s32 $0x8F2B, s0  }
0xbc: {  	[sflag:s0] =	ssyncadd.remote.s32 $0x1  }
0xbd: {  	_ =	sfence.sel $0xFFFF  }
0xbe: {  	[dreg:$0x0] =	wrdreg $0xFFFFFFFF;
	(pc) =	sbr.abs _section_cstart, $3  }
0xbf: {  	[dreg:$0x1] =	wrdreg $0xFFFFFFFF  }
0xc0: {  	_ =	task.clear_ibuf [dreg:s6], $0x2FFFF;
	_ =	strace $0x9FFFFFFF  }
0xc1: {  	(tm) =	ssettm $0x7FFFFFFF  }
tec
execute0_lowered:
.L_overlay_start_1:
0x0: {  	(tag) =	ssettag $0x1  }
0x1: {  	s0 =	rddreg [dreg:$0x0]  }
0x2: {  	s2 =	simm.s32 $0x0;
	s1 =	srdreg.scid;
	s8 =	stileid.u32  }
0x3: {  	s10 =	simm.s32 $0x80;
	s11 =	simm.s32 $0x100;
	s13 =	simm.s32 $0x8A00  }
0x4: {  	s14 =	simm.s32 $0x9200;
	s15 =	simm.s32 $0x9A00;
	[smem:$0x7FF] =	sst s2  }
0x5: {  	s17 =	simm.s32 $0xA200;
	_ =	strace $0x80000047;
	[dreg:$0x3] =	wrdreg s10  }
0x6: {  	s19 =	simm.s32 $0xAA00;
	s20 =	simm.s32 $0xB200;
	[dreg:$0x4] =	wrdreg s11  }
0x7: {  	s21 =	simm.s32 $0xBA00;
	s22 =	simm.s32 $0xC200;
	[dreg:$0x5] =	wrdreg s13  }
0x8: {  	s24 =	simm.s32 $0xCA00;
	s26 =	simm.s32 $0xD200;
	[dreg:$0x6] =	wrdreg s14  }
0x9: {  	s28 =	simm.s32 $0x8200;
	s29 =	simm.s32 $0x10200;
	[dreg:$0x7] =	wrdreg s15  }
0xa: {  	s30 =	simm.s32 $0x1;
	s31 =	simm.s32 $0x0;
	[dreg:$0x8] =	wrdreg s17  }
0xb: {  	s4 =	sadd.s32 $0x45400, s0;
	s1 =	sand.u32 $0x1, s1;
	[dreg:$0x9] =	wrdreg s19  }
0xc: {  	s5 =	sshll.u32 s8, $0x11;
	s3 =	sadd.s32 $0x3400, s0;
	[dreg:$0xa] =	wrdreg s20  }
0xd: {  	s0 =	sadd.s32 $0x43400, s0;
	s12 =	sshll.u32 s8, $0xC;
	[dreg:$0xb] =	wrdreg s21  }
0xe: {  	s5 =	sadd.s32 s5, s4;
	s6 =	sshll.u32 s1, $0x10;
	[dreg:$0xc] =	wrdreg s22  }
0xf: {  	s7 =	ssub.s32 $0x2, s1;
	s1 =	sshll.u32 s1, $0xB;
	[dreg:$0xd] =	wrdreg s24  }
0x10: {  	[dreg:$0xe] =	wrdreg s26;
	s10 =	simm.s32 $0xF200;
	s11 =	simm.s32 $0xFA00  }
0x11: {  	s13 =	simm.s32 $0x11200;
	s14 =	simm.s32 $0x11A00;
	[dreg:$0x12] =	wrdreg s10  }
0x12: {  	s15 =	simm.s32 $0x12200;
	s17 =	simm.s32 $0x13200;
	[dreg:$0x13] =	wrdreg s11  }
0x13: {  	s19 =	simm.s32 $0x14200;
	s20 =	simm.s32 $0x14A00;
	[dreg:$0x15] =	wrdreg s13  }
0x14: {  	s21 =	simm.s32 $0x15200;
	s22 =	simm.s32 $0x15A00;
	[dreg:$0x16] =	wrdreg s14  }
0x15: {  	s24 =	simm.s32 $0x16A00;
	s26 =	simm.s32 $0x17A00;
	[dreg:$0x17] =	wrdreg s15  }
0x16: {  	s5 =	sadd.s32 s6, s5;
	s9 =	sshrl.u32 s7, $0x1;
	[dreg:$0x19] =	wrdreg s17  }
0x17: {  	s10 =	simm.s32 $0x2;
	s11 =	simm.s32 $0x200;
	[dreg:$0x1b] =	wrdreg s19  }
0x18: {  	s13 =	simm.s32 $0x1200;
	s14 =	simm.s32 $0x1A00;
	[dreg:$0x1c] =	wrdreg s20  }
0x19: {  	s15 =	simm.s32 $0x2200;
	s17 =	simm.s32 $0x3200;
	[dreg:$0x1d] =	wrdreg s21  }
0x1a: {  	s19 =	simm.s32 $0x4200;
	[dreg:$0x1e] =	wrdreg s22;
	s20 =	simm.s32 $0x4A00  }
0x1b: {  	s21 =	simm.s32 $0x5200;
	[smem:$0x7FB] =	sst s24;
	s22 =	simm.s32 $0x5A00  }
0x1c: {  	s24 =	simm.s32 $0x6A00;
	[smem:$0x7FD] =	sst s26;
	s26 =	simm.s32 $0x7A00  }
0x1d: {  	[dreg:$0x2] =	wrdreg s5;
	s6 =	ssub.s32 s7, s9;
	s9 =	simm.s32 $0xEA00  }
0x1e: {  	s7 =	sor.u32 s1, s12;
	s12 =	simm.s32 $0x10A00;
	[dreg:$0x11] =	wrdreg s9  }
0x1f: {  	s16 =	sor.u32 $0x780, s7;
	s23 =	smax.u32 s6, $0x1;
	[dreg:$0x14] =	wrdreg s12  }
0x20: {  	s6 =	simm.s32 $0xE200;
	s18 =	sshrl.u32 s16, $0x3;
	[smem:$0x7F9] =	sst s23  }
0x21: {  	s5 =	sshll.u32 s16, $0x5;
	[dreg:$0x10] =	wrdreg s6;
	s16 =	simm.s32 $0x12A00  }
0x22: {  	s25 =	sor.u32 $0x100, s7;
	s23 =	simm.s32 $0x16200;
	[dreg:$0x18] =	wrdreg s16  }
0x23: {  	s12 =	simm.s32 $0xA00;
	s8 =	sadd.s32 s0, s18;
	[dreg:$0x1f] =	wrdreg s23  }
0x24: {  	s4 =	sadd.s32 s4, s5;
	s5 =	simm.s32 $0xDA00;
	[smem:$0x7F7] =	sst s8  }
0x25: {  	s18 =	simm.s32 $0x13A00;
	s16 =	simm.s32 $0x2A00;
	[smem:$0x7F8] =	sst s4  }
0x26: {  	s23 =	simm.s32 $0x6200;
	s4 =	sshrl.u32 s25, $0x3;
	[dreg:$0xf] =	wrdreg s5  }
0x27: {  	s8 =	sor.u32 $0x80, s7;
	s7 =	sshrl.u32 s7, $0x3;
	[dreg:$0x1a] =	wrdreg s18  }
0x28: {  	v2 =	vlaneseq.u32;
	s18 =	simm.s32 $0x3A00;
	s25 =	simm.s32 $0x17200;
	s4 =	sadd.s32 s4, s0  }
0x29: {  	vm0 =	vmmov $0xffff;
	v1 =	vshrl.u32 v2, $0x3;
	s5 =	sshrl.u32 s8, $0x3;
	[smem:$0x7FC] =	sst s25;
	s25 =	simm.s32 $0x7200  }
0x2a: {  	v0 =	vand.u32 $0x7, v2;
	v2 =	vor.u32 $0x8, v2;
	v1 =	vmul.u32 $0x8, v1;
	[smem:$0x7FA] =	sst s4;
	s1 =	sadd.s32 s5, s0;
	s0 =	sadd.s32 s7, s0  }
.LBB2_1:
0x2b: {  	s9 =	smov.u32 s0  }
0x2c: {  	s8 =	smov.u32 s1;
	s7 =	sld [smem:$0x7FA];
	s5 =	simm.s32 $0x0  }
.LBB2_2:
0x2d: {  	[tilespmem:s2], [sflag:$0x2] =	stream.linear.gather [hbm4b:s9+s2], $0x80, $0x38;
	[tilespmem:$0x18200] =	vst v63  }
0x2e: {  	_ =	swait.ge [sflag:s10], $0x80  }
0x2f: {  	[sflag:s10] =	ssyncset.done $0x0  }
0x30: {  	s6 =	rddreg [dreg:$0x3];
	[sflag:s10] =	ssyncadd.s32 $0xFFFFFF80  }
0x31: {  	[tilespmem:s6], [sflag:$0x2] =	stream.linear.gather [hbm4b:s8+s2], $0x80, $0x38;
	[tilespmem:$0x18200] =	vst v63  }
0x32: {  	_ =	swait.ge [sflag:s10], $0x80  }
0x33: {  	[sflag:s10] =	ssyncset.done $0x0  }
0x34: {  	s4 =	rddreg [dreg:$0x4];
	[sflag:s10] =	ssyncadd.s32 $0xFFFFFF80  }
0x35: {  	[tilespmem:s4], [sflag:$0x2] =	stream.linear.gather [hbm4b:s7+s2], $0x80, $0x38;
	[tilespmem:$0x18200] =	vst v63  }
0x36: {  	_ =	swait.ge [sflag:s10], $0x80  }
0x37: {  	[sflag:s10] =	ssyncset.done $0x0  }
0x38: {  	[sflag:s10] =	ssyncadd.s32 $0xFFFFFF80  }
0x39: {  	v3 =	vld [tilespmem:$0x0];
	_ =	sdelay $0x4  }
0x3a: {  	v4 =	vshll.u32 v3, $0x1  }
0x3b: {  	v3 =	vand.u32 $0x7, v3;
	v4 =	vand.u32 $0xFFFFFFF0, v4  }
0x3c: {  	v3 =	vor.u32 v3, v4  }
0x3d: {  	v4 =	vperm.xlane v3, v0;
	_ =	sdelay $0x1  }
0x3e: {  	v3 =	vperm.xlane v3, v2;
	v4 =	vadd.s32 v1, v4;
	_ =	sdelay $0x1  }
0x3f: {  	v3 =	vadd.s32 v1, v3;
	_ =	sdelay $0x2  }
0x40: {  	[tilespmem:s11], [sflag:$0x1] =	stream.indirect_vreg.gather [hbm4b:s3+s2], $0x80, v4, vm0, $0xb8;
	[tilespmem:$0x18200] =	vst v63  }
0x41: {  	_ = 	snop  }
0x42: {  	[tilespmem:s12], [sflag:$0x1] =	stream.indirect_vreg.gather [hbm4b:s3+s2], $0x80, v3, vm0, $0xb8;
	[tilespmem:$0x18200] =	vst v63  }
0x43: {  	v3 =	vld [tilespmem:$0x10];
	_ =	sdelay $0x4  }
0x44: {  	v41 =	vshll.u32 v3, $0x1  }
0x45: {  	v3 =	vand.u32 $0x7, v3;
	v4 =	vand.u32 $0xFFFFFFF0, v41  }
0x46: {  	v3 =	vor.u32 v3, v4  }
0x47: {  	v4 =	vperm.xlane v3, v0;
	_ =	sdelay $0x1  }
0x48: {  	v3 =	vperm.xlane v3, v2;
	v4 =	vadd.s32 v1, v4;
	_ =	sdelay $0x1  }
0x49: {  	v3 =	vadd.s32 v1, v3;
	_ =	sdelay $0x2  }
0x4a: {  	[tilespmem:s13], [sflag:$0x1] =	stream.indirect_vreg.gather [hbm4b:s3+s2], $0x80, v4, vm0, $0xb8;
	[tilespmem:$0x18200] =	vst v63  }
0x4b: {  	_ = 	snop  }
0x4c: {  	[tilespmem:s14], [sflag:$0x1] =	stream.indirect_vreg.gather [hbm4b:s3+s2], $0x80, v3, vm0, $0xb8;
	[tilespmem:$0x18200] =	vst v63  }
0x4d: {  	v3 =	vld [tilespmem:$0x20];
	_ =	sdelay $0x4  }
0x4e: {  	v42 =	vshll.u32 v3, $0x1  }
0x4f: {  	v3 =	vand.u32 $0x7, v3;
	v4 =	vand.u32 $0xFFFFFFF0, v42  }
0x50: {  	v3 =	vor.u32 v3, v4  }
0x51: {  	v4 =	vperm.xlane v3, v0;
	_ =	sdelay $0x1  }
0x52: {  	v3 =	vperm.xlane v3, v2;
	v4 =	vadd.s32 v1, v4;
	_ =	sdelay $0x1  }
0x53: {  	v3 =	vadd.s32 v1, v3;
	_ =	sdelay $0x2  }
0x54: {  	[tilespmem:s15], [sflag:$0x1] =	stream.indirect_vreg.gather [hbm4b:s3+s2], $0x80, v4, vm0, $0xb8;
	[tilespmem:$0x18200] =	vst v63  }
0x55: {  	_ = 	snop  }
0x56: {  	[tilespmem:s16], [sflag:$0x1] =	stream.indirect_vreg.gather [hbm4b:s3+s2], $0x80, v3, vm0, $0xb8;
	[tilespmem:$0x18200] =	vst v63  }
0x57: {  	v3 =	vld [tilespmem:$0x30];
	_ =	sdelay $0x4  }
0x58: {  	v43 =	vshll.u32 v3, $0x1  }
0x59: {  	v3 =	vand.u32 $0x7, v3;
	v4 =	vand.u32 $0xFFFFFFF0, v43  }
0x5a: {  	v3 =	vor.u32 v3, v4  }
0x5b: {  	v4 =	vperm.xlane v3, v0;
	_ =	sdelay $0x1  }
0x5c: {  	v3 =	vperm.xlane v3, v2;
	v4 =	vadd.s32 v1, v4;
	_ =	sdelay $0x1  }
0x5d: {  	v3 =	vadd.s32 v1, v3;
	_ =	sdelay $0x2  }
0x5e: {  	[tilespmem:s17], [sflag:$0x1] =	stream.indirect_vreg.gather [hbm4b:s3+s2], $0x80, v4, vm0, $0xb8;
	[tilespmem:$0x18200] =	vst v63  }
0x5f: {  	_ = 	snop  }
0x60: {  	[tilespmem:s18], [sflag:$0x1] =	stream.indirect_vreg.gather [hbm4b:s3+s2], $0x80, v3, vm0, $0xb8;
	[tilespmem:$0x18200] =	vst v63  }
0x61: {  	v3 =	vld [tilespmem:$0x40];
	_ =	sdelay $0x4  }
0x62: {  	v44 =	vshll.u32 v3, $0x1  }
0x63: {  	v3 =	vand.u32 $0x7, v3;
	v4 =	vand.u32 $0xFFFFFFF0, v44  }
0x64: {  	v3 =	vor.u32 v3, v4  }
0x65: {  	v4 =	vperm.xlane v3, v0;
	_ =	sdelay $0x1  }
0x66: {  	v3 =	vperm.xlane v3, v2;
	v4 =	vadd.s32 v1, v4;
	_ =	sdelay $0x1  }
0x67: {  	v3 =	vadd.s32 v1, v3;
	_ =	sdelay $0x2  }
0x68: {  	[tilespmem:s19], [sflag:$0x1] =	stream.indirect_vreg.gather [hbm4b:s3+s2], $0x80, v4, vm0, $0xb8;
	[tilespmem:$0x18200] =	vst v63  }
0x69: {  	_ = 	snop  }
0x6a: {  	[tilespmem:s20], [sflag:$0x1] =	stream.indirect_vreg.gather [hbm4b:s3+s2], $0x80, v3, vm0, $0xb8;
	[tilespmem:$0x18200] =	vst v63  }
0x6b: {  	v3 =	vld [tilespmem:$0x50];
	_ =	sdelay $0x4  }
0x6c: {  	v45 =	vshll.u32 v3, $0x1  }
0x6d: {  	v3 =	vand.u32 $0x7, v3;
	v4 =	vand.u32 $0xFFFFFFF0, v45  }
0x6e: {  	v3 =	vor.u32 v3, v4  }
0x6f: {  	v4 =	vperm.xlane v3, v0;
	_ =	sdelay $0x1  }
0x70: {  	v3 =	vperm.xlane v3, v2;
	v4 =	vadd.s32 v1, v4;
	_ =	sdelay $0x1  }
0x71: {  	v3 =	vadd.s32 v1, v3;
	_ =	sdelay $0x2  }
0x72: {  	[tilespmem:s21], [sflag:$0x1] =	stream.indirect_vreg.gather [hbm4b:s3+s2], $0x80, v4, vm0, $0xb8;
	[tilespmem:$0x18200] =	vst v63  }
0x73: {  	_ = 	snop  }
0x74: {  	[tilespmem:s22], [sflag:$0x1] =	stream.indirect_vreg.gather [hbm4b:s3+s2], $0x80, v3, vm0, $0xb8;
	[tilespmem:$0x18200] =	vst v63  }
0x75: {  	v3 =	vld [tilespmem:$0x60];
	_ =	sdelay $0x4  }
0x76: {  	v46 =	vshll.u32 v3, $0x1  }
0x77: {  	v3 =	vand.u32 $0x7, v3;
	v4 =	vand.u32 $0xFFFFFFF0, v46  }
0x78: {  	v3 =	vor.u32 v3, v4  }
0x79: {  	v4 =	vperm.xlane v3, v0;
	_ =	sdelay $0x1  }
0x7a: {  	v3 =	vperm.xlane v3, v2;
	v4 =	vadd.s32 v1, v4;
	_ =	sdelay $0x1  }
0x7b: {  	v3 =	vadd.s32 v1, v3;
	_ =	sdelay $0x2  }
0x7c: {  	[tilespmem:s23], [sflag:$0x1] =	stream.indirect_vreg.gather [hbm4b:s3+s2], $0x80, v4, vm0, $0xb8;
	[tilespmem:$0x18200] =	vst v63  }
0x7d: {  	_ = 	snop  }
0x7e: {  	[tilespmem:s24], [sflag:$0x1] =	stream.indirect_vreg.gather [hbm4b:s3+s2], $0x80, v3, vm0, $0xb8;
	[tilespmem:$0x18200] =	vst v63  }
0x7f: {  	v3 =	vld [tilespmem:$0x70];
	_ =	sdelay $0x4  }
0x80: {  	v47 =	vshll.u32 v3, $0x1  }
0x81: {  	v3 =	vand.u32 $0x7, v3;
	v4 =	vand.u32 $0xFFFFFFF0, v47  }
0x82: {  	v3 =	vor.u32 v3, v4  }
0x83: {  	v4 =	vperm.xlane v3, v0;
	_ =	sdelay $0x1  }
0x84: {  	v3 =	vperm.xlane v3, v2;
	v4 =	vadd.s32 v1, v4;
	_ =	sdelay $0x1  }
0x85: {  	v3 =	vadd.s32 v1, v3;
	_ =	sdelay $0x2  }
0x86: {  	[tilespmem:s25], [sflag:$0x1] =	stream.indirect_vreg.gather [hbm4b:s3+s2], $0x80, v4, vm0, $0xb8;
	[tilespmem:$0x18200] =	vst v63  }
0x87: {  	_ = 	snop  }
0x88: {  	[tilespmem:s26], [sflag:$0x1] =	stream.indirect_vreg.gather [hbm4b:s3+s2], $0x80, v3, vm0, $0xb8;
	[tilespmem:$0x18200] =	vst v63  }
0x89: {  	v3 =	vld [tilespmem:$0x80];
	_ =	sdelay $0x4  }
0x8a: {  	v48 =	vshll.u32 v3, $0x1  }
0x8b: {  	v3 =	vand.u32 $0x7, v3;
	v4 =	vand.u32 $0xFFFFFFF0, v48  }
0x8c: {  	v3 =	vor.u32 v3, v4  }
0x8d: {  	v4 =	vperm.xlane v3, v0;
	_ =	sdelay $0x1  }
0x8e: {  	v3 =	vperm.xlane v3, v2;
	v4 =	vadd.s32 v1, v4;
	_ =	sdelay $0x1  }
0x8f: {  	v3 =	vadd.s32 v1, v3;
	_ =	sdelay $0x2  }
0x90: {  	[tilespmem:s28], [sflag:$0x1] =	stream.indirect_vreg.gather [hbm4b:s3+s2], $0x80, v4, vm0, $0xb8;
	[tilespmem:$0x18200] =	vst v63  }
0x91: {  	s4 =	rddreg [dreg:$0x5]  }
0x92: {  	[tilespmem:s4], [sflag:$0x1] =	stream.indirect_vreg.gather [hbm4b:s3+s2], $0x80, v3, vm0, $0xb8;
	[tilespmem:$0x18200] =	vst v63  }
0x93: {  	v3 =	vld [tilespmem:$0x90];
	_ =	sdelay $0x4  }
0x94: {  	v49 =	vshll.u32 v3, $0x1  }
0x95: {  	v3 =	vand.u32 $0x7, v3;
	v4 =	vand.u32 $0xFFFFFFF0, v49  }
0x96: {  	v3 =	vor.u32 v3, v4  }
0x97: {  	v4 =	vperm.xlane v3, v0;
	_ =	sdelay $0x1  }
0x98: {  	v3 =	vperm.xlane v3, v2;
	v4 =	vadd.s32 v1, v4;
	_ =	sdelay $0x1  }
0x99: {  	v3 =	vadd.s32 v1, v3;
	_ =	sdelay $0x1  }
0x9a: {  	s6 =	rddreg [dreg:$0x6]  }
0x9b: {  	[tilespmem:s6], [sflag:$0x1] =	stream.indirect_vreg.gather [hbm4b:s3+s2], $0x80, v4, vm0, $0xb8;
	[tilespmem:$0x18200] =	vst v63  }
0x9c: {  	s4 =	rddreg [dreg:$0x7]  }
0x9d: {  	[tilespmem:s4], [sflag:$0x1] =	stream.indirect_vreg.gather [hbm4b:s3+s2], $0x80, v3, vm0, $0xb8;
	[tilespmem:$0x18200] =	vst v63  }
0x9e: {  	v3 =	vld [tilespmem:$0xA0];
	_ =	sdelay $0x4  }
0x9f: {  	v50 =	vshll.u32 v3, $0x1  }
0xa0: {  	v3 =	vand.u32 $0x7, v3;
	v4 =	vand.u32 $0xFFFFFFF0, v50  }
0xa1: {  	v3 =	vor.u32 v3, v4  }
0xa2: {  	v4 =	vperm.xlane v3, v0;
	_ =	sdelay $0x1  }
0xa3: {  	v3 =	vperm.xlane v3, v2;
	v4 =	vadd.s32 v1, v4;
	_ =	sdelay $0x1  }
0xa4: {  	v3 =	vadd.s32 v1, v3;
	_ =	sdelay $0x1  }
0xa5: {  	s4 =	rddreg [dreg:$0x8]  }
0xa6: {  	[tilespmem:s4], [sflag:$0x1] =	stream.indirect_vreg.gather [hbm4b:s3+s2], $0x80, v4, vm0, $0xb8;
	[tilespmem:$0x18200] =	vst v63  }
0xa7: {  	s6 =	rddreg [dreg:$0x9]  }
0xa8: {  	[tilespmem:s6], [sflag:$0x1] =	stream.indirect_vreg.gather [hbm4b:s3+s2], $0x80, v3, vm0, $0xb8;
	[tilespmem:$0x18200] =	vst v63  }
0xa9: {  	v3 =	vld [tilespmem:$0xB0];
	_ =	sdelay $0x4  }
0xaa: {  	v51 =	vshll.u32 v3, $0x1  }
0xab: {  	v3 =	vand.u32 $0x7, v3;
	v4 =	vand.u32 $0xFFFFFFF0, v51  }
0xac: {  	v3 =	vor.u32 v3, v4  }
0xad: {  	v4 =	vperm.xlane v3, v0;
	_ =	sdelay $0x1  }
0xae: {  	v3 =	vperm.xlane v3, v2;
	v4 =	vadd.s32 v1, v4;
	_ =	sdelay $0x1  }
0xaf: {  	v3 =	vadd.s32 v1, v3;
	_ =	sdelay $0x1  }
0xb0: {  	s4 =	rddreg [dreg:$0xa]  }
0xb1: {  	[tilespmem:s4], [sflag:$0x1] =	stream.indirect_vreg.gather [hbm4b:s3+s2], $0x80, v4, vm0, $0xb8;
	[tilespmem:$0x18200] =	vst v63  }
0xb2: {  	s6 =	rddreg [dreg:$0xb]  }
0xb3: {  	[tilespmem:s6], [sflag:$0x1] =	stream.indirect_vreg.gather [hbm4b:s3+s2], $0x80, v3, vm0, $0xb8;
	[tilespmem:$0x18200] =	vst v63  }
0xb4: {  	v3 =	vld [tilespmem:$0xC0];
	_ =	sdelay $0x4  }
0xb5: {  	v52 =	vshll.u32 v3, $0x1  }
0xb6: {  	v3 =	vand.u32 $0x7, v3;
	v4 =	vand.u32 $0xFFFFFFF0, v52  }
0xb7: {  	v3 =	vor.u32 v3, v4  }
0xb8: {  	v4 =	vperm.xlane v3, v0;
	_ =	sdelay $0x1  }
0xb9: {  	v3 =	vperm.xlane v3, v2;
	v4 =	vadd.s32 v1, v4;
	_ =	sdelay $0x1  }
0xba: {  	v3 =	vadd.s32 v1, v3;
	_ =	sdelay $0x1  }
0xbb: {  	s4 =	rddreg [dreg:$0xc]  }
0xbc: {  	[tilespmem:s4], [sflag:$0x1] =	stream.indirect_vreg.gather [hbm4b:s3+s2], $0x80, v4, vm0, $0xb8;
	[tilespmem:$0x18200] =	vst v63  }
0xbd: {  	s6 =	rddreg [dreg:$0xd]  }
0xbe: {  	[tilespmem:s6], [sflag:$0x1] =	stream.indirect_vreg.gather [hbm4b:s3+s2], $0x80, v3, vm0, $0xb8;
	[tilespmem:$0x18200] =	vst v63  }
0xbf: {  	v3 =	vld [tilespmem:$0xD0];
	_ =	sdelay $0x4  }
0xc0: {  	v53 =	vshll.u32 v3, $0x1  }
0xc1: {  	v3 =	vand.u32 $0x7, v3;
	v4 =	vand.u32 $0xFFFFFFF0, v53  }
0xc2: {  	v3 =	vor.u32 v3, v4  }
0xc3: {  	v4 =	vperm.xlane v3, v0;
	_ =	sdelay $0x1  }
0xc4: {  	v3 =	vperm.xlane v3, v2;
	v4 =	vadd.s32 v1, v4;
	_ =	sdelay $0x1  }
0xc5: {  	v3 =	vadd.s32 v1, v3;
	_ =	sdelay $0x1  }
0xc6: {  	s4 =	rddreg [dreg:$0xe]  }
0xc7: {  	[tilespmem:s4], [sflag:$0x1] =	stream.indirect_vreg.gather [hbm4b:s3+s2], $0x80, v4, vm0, $0xb8;
	[tilespmem:$0x18200] =	vst v63  }
0xc8: {  	s6 =	rddreg [dreg:$0xf]  }
0xc9: {  	[tilespmem:s6], [sflag:$0x1] =	stream.indirect_vreg.gather [hbm4b:s3+s2], $0x80, v3, vm0, $0xb8;
	[tilespmem:$0x18200] =	vst v63  }
0xca: {  	v3 =	vld [tilespmem:$0xE0];
	_ =	sdelay $0x4  }
0xcb: {  	v54 =	vshll.u32 v3, $0x1  }
0xcc: {  	v3 =	vand.u32 $0x7, v3;
	v4 =	vand.u32 $0xFFFFFFF0, v54  }
0xcd: {  	v3 =	vor.u32 v3, v4  }
0xce: {  	v4 =	vperm.xlane v3, v0;
	_ =	sdelay $0x1  }
0xcf: {  	v3 =	vperm.xlane v3, v2;
	v4 =	vadd.s32 v1, v4;
	_ =	sdelay $0x1  }
0xd0: {  	v3 =	vadd.s32 v1, v3;
	_ =	sdelay $0x1  }
0xd1: {  	s4 =	rddreg [dreg:$0x10]  }
0xd2: {  	[tilespmem:s4], [sflag:$0x1] =	stream.indirect_vreg.gather [hbm4b:s3+s2], $0x80, v4, vm0, $0xb8;
	[tilespmem:$0x18200] =	vst v63  }
0xd3: {  	s6 =	rddreg [dreg:$0x11]  }
0xd4: {  	[tilespmem:s6], [sflag:$0x1] =	stream.indirect_vreg.gather [hbm4b:s3+s2], $0x80, v3, vm0, $0xb8;
	[tilespmem:$0x18200] =	vst v63  }
0xd5: {  	v3 =	vld [tilespmem:$0xF0];
	_ =	sdelay $0x4  }
0xd6: {  	v55 =	vshll.u32 v3, $0x1  }
0xd7: {  	v3 =	vand.u32 $0x7, v3;
	v4 =	vand.u32 $0xFFFFFFF0, v55  }
0xd8: {  	v3 =	vor.u32 v3, v4  }
0xd9: {  	v4 =	vperm.xlane v3, v0;
	_ =	sdelay $0x1  }
0xda: {  	v3 =	vperm.xlane v3, v2;
	v4 =	vadd.s32 v1, v4;
	_ =	sdelay $0x1  }
0xdb: {  	v3 =	vadd.s32 v1, v3;
	_ =	sdelay $0x1  }
0xdc: {  	s4 =	rddreg [dreg:$0x12]  }
0xdd: {  	[tilespmem:s4], [sflag:$0x1] =	stream.indirect_vreg.gather [hbm4b:s3+s2], $0x80, v4, vm0, $0xb8;
	[tilespmem:$0x18200] =	vst v63  }
0xde: {  	s6 =	rddreg [dreg:$0x13]  }
0xdf: {  	[tilespmem:s6], [sflag:$0x1] =	stream.indirect_vreg.gather [hbm4b:s3+s2], $0x80, v3, vm0, $0xb8;
	[tilespmem:$0x18200] =	vst v63  }
0xe0: {  	v3 =	vld [tilespmem:$0x100];
	_ =	sdelay $0x4  }
0xe1: {  	v56 =	vshll.u32 v3, $0x1  }
0xe2: {  	v3 =	vand.u32 $0x7, v3;
	v4 =	vand.u32 $0xFFFFFFF0, v56  }
0xe3: {  	v3 =	vor.u32 v3, v4  }
0xe4: {  	v4 =	vperm.xlane v3, v0;
	_ =	sdelay $0x1  }
0xe5: {  	v3 =	vperm.xlane v3, v2;
	v4 =	vadd.s32 v1, v4;
	_ =	sdelay $0x1  }
0xe6: {  	v3 =	vadd.s32 v1, v3;
	_ =	sdelay $0x2  }
0xe7: {  	[tilespmem:s29], [sflag:$0x1] =	stream.indirect_vreg.gather [hbm4b:s3+s2], $0x80, v4, vm0, $0xb8;
	[tilespmem:$0x18200] =	vst v63  }
0xe8: {  	s6 =	rddreg [dreg:$0x14]  }
0xe9: {  	[tilespmem:s6], [sflag:$0x1] =	stream.indirect_vreg.gather [hbm4b:s3+s2], $0x80, v3, vm0, $0xb8;
	[tilespmem:$0x18200] =	vst v63  }
0xea: {  	v3 =	vld [tilespmem:$0x110];
	_ =	sdelay $0x4  }
0xeb: {  	v57 =	vshll.u32 v3, $0x1  }
0xec: {  	v3 =	vand.u32 $0x7, v3;
	v4 =	vand.u32 $0xFFFFFFF0, v57  }
0xed: {  	v3 =	vor.u32 v3, v4  }
0xee: {  	v4 =	vperm.xlane v3, v0;
	_ =	sdelay $0x1  }
0xef: {  	v3 =	vperm.xlane v3, v2;
	v4 =	vadd.s32 v1, v4;
	_ =	sdelay $0x1  }
0xf0: {  	v3 =	vadd.s32 v1, v3;
	_ =	sdelay $0x1  }
0xf1: {  	s4 =	rddreg [dreg:$0x15]  }
0xf2: {  	[tilespmem:s4], [sflag:$0x1] =	stream.indirect_vreg.gather [hbm4b:s3+s2], $0x80, v4, vm0, $0xb8;
	[tilespmem:$0x18200] =	vst v63  }
0xf3: {  	s6 =	rddreg [dreg:$0x16]  }
0xf4: {  	[tilespmem:s6], [sflag:$0x1] =	stream.indirect_vreg.gather [hbm4b:s3+s2], $0x80, v3, vm0, $0xb8;
	[tilespmem:$0x18200] =	vst v63  }
0xf5: {  	v3 =	vld [tilespmem:$0x120];
	_ =	sdelay $0x4  }
0xf6: {  	v58 =	vshll.u32 v3, $0x1  }
0xf7: {  	v3 =	vand.u32 $0x7, v3;
	v4 =	vand.u32 $0xFFFFFFF0, v58  }
0xf8: {  	v3 =	vor.u32 v3, v4  }
0xf9: {  	v4 =	vperm.xlane v3, v0;
	_ =	sdelay $0x1  }
0xfa: {  	v3 =	vperm.xlane v3, v2;
	v4 =	vadd.s32 v1, v4;
	_ =	sdelay $0x1  }
0xfb: {  	v3 =	vadd.s32 v1, v3;
	_ =	sdelay $0x1  }
0xfc: {  	s4 =	rddreg [dreg:$0x17]  }
0xfd: {  	[tilespmem:s4], [sflag:$0x1] =	stream.indirect_vreg.gather [hbm4b:s3+s2], $0x80, v4, vm0, $0xb8;
	[tilespmem:$0x18200] =	vst v63  }
0xfe: {  	s6 =	rddreg [dreg:$0x18]  }
0xff: {  	[tilespmem:s6], [sflag:$0x1] =	stream.indirect_vreg.gather [hbm4b:s3+s2], $0x80, v3, vm0, $0xb8;
	[tilespmem:$0x18200] =	vst v63  }
0x100: {  	v3 =	vld [tilespmem:$0x130];
	_ =	sdelay $0x4  }
0x101: {  	v59 =	vshll.u32 v3, $0x1  }
0x102: {  	v3 =	vand.u32 $0x7, v3;
	v4 =	vand.u32 $0xFFFFFFF0, v59  }
0x103: {  	v3 =	vor.u32 v3, v4  }
0x104: {  	v4 =	vperm.xlane v3, v0;
	_ =	sdelay $0x1  }
0x105: {  	v3 =	vperm.xlane v3, v2;
	v4 =	vadd.s32 v1, v4;
	_ =	sdelay $0x1  }
0x106: {  	v3 =	vadd.s32 v1, v3;
	_ =	sdelay $0x1  }
0x107: {  	s4 =	rddreg [dreg:$0x19]  }
0x108: {  	[tilespmem:s4], [sflag:$0x1] =	stream.indirect_vreg.gather [hbm4b:s3+s2], $0x80, v4, vm0, $0xb8;
	[tilespmem:$0x18200] =	vst v63  }
0x109: {  	s6 =	rddreg [dreg:$0x1a]  }
0x10a: {  	[tilespmem:s6], [sflag:$0x1] =	stream.indirect_vreg.gather [hbm4b:s3+s2], $0x80, v3, vm0, $0xb8;
	[tilespmem:$0x18200] =	vst v63  }
0x10b: {  	v3 =	vld [tilespmem:$0x140];
	_ =	sdelay $0x4  }
0x10c: {  	v60 =	vshll.u32 v3, $0x1  }
0x10d: {  	v3 =	vand.u32 $0x7, v3;
	v4 =	vand.u32 $0xFFFFFFF0, v60  }
0x10e: {  	v3 =	vor.u32 v3, v4  }
0x10f: {  	v4 =	vperm.xlane v3, v0;
	_ =	sdelay $0x1  }
0x110: {  	v3 =	vperm.xlane v3, v2;
	v4 =	vadd.s32 v1, v4;
	_ =	sdelay $0x1  }
0x111: {  	v3 =	vadd.s32 v1, v3;
	_ =	sdelay $0x1  }
0x112: {  	s4 =	rddreg [dreg:$0x1b]  }
0x113: {  	[tilespmem:s4], [sflag:$0x1] =	stream.indirect_vreg.gather [hbm4b:s3+s2], $0x80, v4, vm0, $0xb8;
	[tilespmem:$0x18200] =	vst v63  }
0x114: {  	s6 =	rddreg [dreg:$0x1c]  }
0x115: {  	[tilespmem:s6], [sflag:$0x1] =	stream.indirect_vreg.gather [hbm4b:s3+s2], $0x80, v3, vm0, $0xb8;
	[tilespmem:$0x18200] =	vst v63  }
0x116: {  	v3 =	vld [tilespmem:$0x150];
	_ =	sdelay $0x4  }
0x117: {  	v61 =	vshll.u32 v3, $0x1  }
0x118: {  	v3 =	vand.u32 $0x7, v3;
	v4 =	vand.u32 $0xFFFFFFF0, v61  }
0x119: {  	v3 =	vor.u32 v3, v4  }
0x11a: {  	v4 =	vperm.xlane v3, v0;
	_ =	sdelay $0x1  }
0x11b: {  	v3 =	vperm.xlane v3, v2;
	v4 =	vadd.s32 v1, v4;
	_ =	sdelay $0x1  }
0x11c: {  	v3 =	vadd.s32 v1, v3;
	_ =	sdelay $0x1  }
0x11d: {  	s4 =	rddreg [dreg:$0x1d]  }
0x11e: {  	[tilespmem:s4], [sflag:$0x1] =	stream.indirect_vreg.gather [hbm4b:s3+s2], $0x80, v4, vm0, $0xb8;
	[tilespmem:$0x18200] =	vst v63  }
0x11f: {  	s6 =	rddreg [dreg:$0x1e]  }
0x120: {  	[tilespmem:s6], [sflag:$0x1] =	stream.indirect_vreg.gather [hbm4b:s3+s2], $0x80, v3, vm0, $0xb8;
	[tilespmem:$0x18200] =	vst v63  }
0x121: {  	v3 =	vld [tilespmem:$0x160];
	_ =	sdelay $0x4  }
0x122: {  	v62 =	vshll.u32 v3, $0x1  }
0x123: {  	v3 =	vand.u32 $0x7, v3;
	v4 =	vand.u32 $0xFFFFFFF0, v62  }
0x124: {  	v3 =	vor.u32 v3, v4  }
0x125: {  	v4 =	vperm.xlane v3, v0;
	_ =	sdelay $0x1  }
0x126: {  	v3 =	vperm.xlane v3, v2;
	v4 =	vadd.s32 v1, v4;
	_ =	sdelay $0x1  }
0x127: {  	v3 =	vadd.s32 v1, v3  }
0x128: {  	s4 =	rddreg [dreg:$0x1f]  }
0x129: {  	s6 =	sld [smem:$0x7FB]  }
0x12a: {  	[tilespmem:s4], [sflag:$0x1] =	stream.indirect_vreg.gather [hbm4b:s3+s2], $0x80, v4, vm0, $0xb8;
	[tilespmem:$0x18200] =	vst v63  }
0x12b: {  	_ = 	snop  }
0x12c: {  	[tilespmem:s6], [sflag:$0x1] =	stream.indirect_vreg.gather [hbm4b:s3+s2], $0x80, v3, vm0, $0xb8;
	[tilespmem:$0x18200] =	vst v63  }
0x12d: {  	v3 =	vld [tilespmem:$0x170];
	_ =	sdelay $0x4  }
0x12e: {  	v63 =	vshll.u32 v3, $0x1  }
0x12f: {  	v3 =	vand.u32 $0x7, v3;
	v4 =	vand.u32 $0xFFFFFFF0, v63  }
0x130: {  	v3 =	vor.u32 v3, v4  }
0x131: {  	v4 =	vperm.xlane v3, v0;
	_ =	sdelay $0x1  }
0x132: {  	v3 =	vperm.xlane v3, v2;
	v4 =	vadd.s32 v1, v4;
	_ =	sdelay $0x1  }
0x133: {  	s4 =	sld [smem:$0x7FC];
	v3 =	vadd.s32 v1, v3;
	_ =	sdelay $0x1  }
0x134: {  	s6 =	sld [smem:$0x7FD]  }
0x135: {  	[tilespmem:s4], [sflag:$0x1] =	stream.indirect_vreg.gather [hbm4b:s3+s2], $0x80, v4, vm0, $0xb8;
	[tilespmem:$0x18200] =	vst v63  }
0x136: {  	_ = 	snop  }
0x137: {  	[tilespmem:s6], [sflag:$0x1] =	stream.indirect_vreg.gather [hbm4b:s3+s2], $0x80, v3, vm0, $0xb8;
	[tilespmem:$0x18200] =	vst v63  }
0x138: {  	_ =	swait.ge [sflag:s30], $0x8000  }
0x139: {  	s6 =	rddreg [dreg:$0x2];
	[sflag:s30] =	ssyncset.done $0x0  }
0x13a: {  	[sflag:s30] =	ssyncadd.s32 $0xFFFF8000;
	s4 =	sadd.s32 s5, s6  }
0x13b: {  	[hbm4b:s4+s2] =	stream.linear.scatter [tilespmem:s11], [sflag:$0x2], $0x8000, $0x38;
	[tilespmem:$0x18200] =	vst v63  }
0x13c: {  	_ =	swait.ge [sflag:s10], $0x8000  }
0x13d: {  	[sflag:s10] =	ssyncset.done $0x0  }
0x13e: {  	[sflag:s10] =	ssyncadd.s32 $0xFFFF8000  }
0x13f: {  	_ =	swait.ge [sflag:s30], $0x8000  }
0x140: {  	[sflag:s30] =	ssyncset.done $0x0  }
0x141: {  	s6 =	sadd.s32 $0x1000, s4;
	[sflag:s30] =	ssyncadd.s32 $0xFFFF8000  }
0x142: {  	[hbm4b:s6+s2] =	stream.linear.scatter [tilespmem:s28], [sflag:$0x2], $0x8000, $0x38;
	[tilespmem:$0x18200] =	vst v63  }
0x143: {  	_ =	swait.ge [sflag:s10], $0x8000  }
0x144: {  	[sflag:s10] =	ssyncset.done $0x0  }
0x145: {  	[sflag:s10] =	ssyncadd.s32 $0xFFFF8000  }
0x146: {  	_ =	swait.ge [sflag:s30], $0x8000  }
0x147: {  	p0 =	sne.s32 s5, $0xC000;
	[sflag:s30] =	ssyncset.done $0x0  }
.Ltmp0:
0x148: {  	s4 =	sadd.s32 $0x2000, s4;
	[sflag:s30] =	ssyncadd.s32 $0xFFFF8000;
	(pc) =	sbr.rel @p0 .LBB2_2-.Ltmp0, $4  }
0x149: {  	[hbm4b:s4+s2] =	stream.linear.scatter [tilespmem:s29], [sflag:$0x2], $0x8000, $0x38;
	[tilespmem:$0x18200] =	vst v63  }
0x14a: {  	_ =	swait.ge [sflag:s10], $0x8000  }
0x14b: {  	s9 =	sadd.s32 $0x30, s9;
	s8 =	sadd.s32 $0x30, s8;
	[sflag:s10] =	ssyncset.done $0x0  }
0x14c: {  	s7 =	sadd.s32 $0x30, s7;
	s5 =	sadd.s32 $0x3000, s5;
	[sflag:s10] =	ssyncadd.s32 $0xFFFF8000  }
0x14d: {  	s4 =	sld [smem:$0x7F7];
	_ =	sdelay $0x2  }
0x14e: {  	[tilespmem:s2], [sflag:$0x2] =	stream.linear.gather [hbm4b:s4+s2], $0x80, $0x38;
	[tilespmem:$0x18200] =	vst v63  }
0x14f: {  	_ =	swait.ge [sflag:s10], $0x80  }
0x150: {  	[sflag:s10] =	ssyncset.done $0x0  }
0x151: {  	[sflag:s10] =	ssyncadd.s32 $0xFFFFFF80  }
0x152: {  	v3 =	vld [tilespmem:$0x0];
	_ =	sdelay $0x4  }
0x153: {  	v4 =	vshll.u32 v3, $0x1  }
0x154: {  	v3 =	vand.u32 $0x7, v3;
	v4 =	vand.u32 $0xFFFFFFF0, v4  }
0x155: {  	v3 =	vor.u32 v3, v4  }
0x156: {  	v4 =	vperm.xlane v3, v0;
	_ =	sdelay $0x1  }
0x157: {  	v3 =	vperm.xlane v3, v2;
	v4 =	vadd.s32 v1, v4;
	_ =	sdelay $0x1  }
0x158: {  	v3 =	vadd.s32 v1, v3;
	_ =	sdelay $0x2  }
0x159: {  	[tilespmem:s11], [sflag:$0x1] =	stream.indirect_vreg.gather [hbm4b:s3+s2], $0x80, v4, vm0, $0xb8;
	[tilespmem:$0x18200] =	vst v63  }
0x15a: {  	_ = 	snop  }
0x15b: {  	[tilespmem:s12], [sflag:$0x1] =	stream.indirect_vreg.gather [hbm4b:s3+s2], $0x80, v3, vm0, $0xb8;
	[tilespmem:$0x18200] =	vst v63  }
0x15c: {  	v3 =	vld [tilespmem:$0x10];
	_ =	sdelay $0x4  }
0x15d: {  	v57 =	vshll.u32 v3, $0x1  }
0x15e: {  	v3 =	vand.u32 $0x7, v3;
	v4 =	vand.u32 $0xFFFFFFF0, v57  }
0x15f: {  	v3 =	vor.u32 v3, v4  }
0x160: {  	v4 =	vperm.xlane v3, v0;
	_ =	sdelay $0x1  }
0x161: {  	v3 =	vperm.xlane v3, v2;
	v4 =	vadd.s32 v1, v4;
	_ =	sdelay $0x1  }
0x162: {  	v3 =	vadd.s32 v1, v3;
	_ =	sdelay $0x2  }
0x163: {  	[tilespmem:s13], [sflag:$0x1] =	stream.indirect_vreg.gather [hbm4b:s3+s2], $0x80, v4, vm0, $0xb8;
	[tilespmem:$0x18200] =	vst v63  }
0x164: {  	_ = 	snop  }
0x165: {  	[tilespmem:s14], [sflag:$0x1] =	stream.indirect_vreg.gather [hbm4b:s3+s2], $0x80, v3, vm0, $0xb8;
	[tilespmem:$0x18200] =	vst v63  }
0x166: {  	v3 =	vld [tilespmem:$0x20];
	_ =	sdelay $0x4  }
0x167: {  	v58 =	vshll.u32 v3, $0x1  }
0x168: {  	v3 =	vand.u32 $0x7, v3;
	v4 =	vand.u32 $0xFFFFFFF0, v58  }
0x169: {  	v3 =	vor.u32 v3, v4  }
0x16a: {  	v4 =	vperm.xlane v3, v0;
	_ =	sdelay $0x1  }
0x16b: {  	v3 =	vperm.xlane v3, v2;
	v4 =	vadd.s32 v1, v4;
	_ =	sdelay $0x1  }
0x16c: {  	v3 =	vadd.s32 v1, v3;
	_ =	sdelay $0x2  }
0x16d: {  	[tilespmem:s15], [sflag:$0x1] =	stream.indirect_vreg.gather [hbm4b:s3+s2], $0x80, v4, vm0, $0xb8;
	[tilespmem:$0x18200] =	vst v63  }
0x16e: {  	_ = 	snop  }
0x16f: {  	[tilespmem:s16], [sflag:$0x1] =	stream.indirect_vreg.gather [hbm4b:s3+s2], $0x80, v3, vm0, $0xb8;
	[tilespmem:$0x18200] =	vst v63  }
0x170: {  	v3 =	vld [tilespmem:$0x30];
	_ =	sdelay $0x4  }
0x171: {  	v59 =	vshll.u32 v3, $0x1  }
0x172: {  	v3 =	vand.u32 $0x7, v3;
	v4 =	vand.u32 $0xFFFFFFF0, v59  }
0x173: {  	v3 =	vor.u32 v3, v4  }
0x174: {  	v4 =	vperm.xlane v3, v0;
	_ =	sdelay $0x1  }
0x175: {  	v3 =	vperm.xlane v3, v2;
	v4 =	vadd.s32 v1, v4;
	_ =	sdelay $0x1  }
0x176: {  	v3 =	vadd.s32 v1, v3;
	_ =	sdelay $0x2  }
0x177: {  	[tilespmem:s17], [sflag:$0x1] =	stream.indirect_vreg.gather [hbm4b:s3+s2], $0x80, v4, vm0, $0xb8;
	[tilespmem:$0x18200] =	vst v63  }
0x178: {  	_ = 	snop  }
0x179: {  	[tilespmem:s18], [sflag:$0x1] =	stream.indirect_vreg.gather [hbm4b:s3+s2], $0x80, v3, vm0, $0xb8;
	[tilespmem:$0x18200] =	vst v63  }
0x17a: {  	v3 =	vld [tilespmem:$0x40];
	_ =	sdelay $0x4  }
0x17b: {  	v60 =	vshll.u32 v3, $0x1  }
0x17c: {  	v3 =	vand.u32 $0x7, v3;
	v4 =	vand.u32 $0xFFFFFFF0, v60  }
0x17d: {  	v3 =	vor.u32 v3, v4  }
0x17e: {  	v4 =	vperm.xlane v3, v0;
	_ =	sdelay $0x1  }
0x17f: {  	v3 =	vperm.xlane v3, v2;
	v4 =	vadd.s32 v1, v4;
	_ =	sdelay $0x1  }
0x180: {  	v3 =	vadd.s32 v1, v3;
	_ =	sdelay $0x2  }
0x181: {  	[tilespmem:s19], [sflag:$0x1] =	stream.indirect_vreg.gather [hbm4b:s3+s2], $0x80, v4, vm0, $0xb8;
	[tilespmem:$0x18200] =	vst v63  }
0x182: {  	_ = 	snop  }
0x183: {  	[tilespmem:s20], [sflag:$0x1] =	stream.indirect_vreg.gather [hbm4b:s3+s2], $0x80, v3, vm0, $0xb8;
	[tilespmem:$0x18200] =	vst v63  }
0x184: {  	v3 =	vld [tilespmem:$0x50];
	_ =	sdelay $0x4  }
0x185: {  	v61 =	vshll.u32 v3, $0x1  }
0x186: {  	v3 =	vand.u32 $0x7, v3;
	v4 =	vand.u32 $0xFFFFFFF0, v61  }
0x187: {  	v3 =	vor.u32 v3, v4  }
0x188: {  	v4 =	vperm.xlane v3, v0;
	_ =	sdelay $0x1  }
0x189: {  	v3 =	vperm.xlane v3, v2;
	v4 =	vadd.s32 v1, v4;
	_ =	sdelay $0x1  }
0x18a: {  	v3 =	vadd.s32 v1, v3;
	_ =	sdelay $0x2  }
0x18b: {  	[tilespmem:s21], [sflag:$0x1] =	stream.indirect_vreg.gather [hbm4b:s3+s2], $0x80, v4, vm0, $0xb8;
	[tilespmem:$0x18200] =	vst v63  }
0x18c: {  	_ = 	snop  }
0x18d: {  	[tilespmem:s22], [sflag:$0x1] =	stream.indirect_vreg.gather [hbm4b:s3+s2], $0x80, v3, vm0, $0xb8;
	[tilespmem:$0x18200] =	vst v63  }
0x18e: {  	v3 =	vld [tilespmem:$0x60];
	_ =	sdelay $0x4  }
0x18f: {  	v62 =	vshll.u32 v3, $0x1  }
0x190: {  	v3 =	vand.u32 $0x7, v3;
	v4 =	vand.u32 $0xFFFFFFF0, v62  }
0x191: {  	v3 =	vor.u32 v3, v4  }
0x192: {  	v4 =	vperm.xlane v3, v0;
	_ =	sdelay $0x1  }
0x193: {  	v3 =	vperm.xlane v3, v2;
	v4 =	vadd.s32 v1, v4;
	_ =	sdelay $0x1  }
0x194: {  	v3 =	vadd.s32 v1, v3;
	_ =	sdelay $0x2  }
0x195: {  	[tilespmem:s23], [sflag:$0x1] =	stream.indirect_vreg.gather [hbm4b:s3+s2], $0x80, v4, vm0, $0xb8;
	[tilespmem:$0x18200] =	vst v63  }
0x196: {  	_ = 	snop  }
0x197: {  	[tilespmem:s24], [sflag:$0x1] =	stream.indirect_vreg.gather [hbm4b:s3+s2], $0x80, v3, vm0, $0xb8;
	[tilespmem:$0x18200] =	vst v63  }
0x198: {  	v3 =	vld [tilespmem:$0x70];
	_ =	sdelay $0x4  }
0x199: {  	v63 =	vshll.u32 v3, $0x1  }
0x19a: {  	v3 =	vand.u32 $0x7, v3;
	v4 =	vand.u32 $0xFFFFFFF0, v63  }
0x19b: {  	v3 =	vor.u32 v3, v4  }
0x19c: {  	v4 =	vperm.xlane v3, v0;
	_ =	sdelay $0x1  }
0x19d: {  	v3 =	vperm.xlane v3, v2;
	v4 =	vadd.s32 v1, v4;
	_ =	sdelay $0x1  }
0x19e: {  	v3 =	vadd.s32 v1, v3;
	_ =	sdelay $0x2  }
0x19f: {  	[tilespmem:s25], [sflag:$0x1] =	stream.indirect_vreg.gather [hbm4b:s3+s2], $0x80, v4, vm0, $0xb8;
	[tilespmem:$0x18200] =	vst v63  }
0x1a0: {  	_ = 	snop  }
0x1a1: {  	[tilespmem:s26], [sflag:$0x1] =	stream.indirect_vreg.gather [hbm4b:s3+s2], $0x80, v3, vm0, $0xb8;
	[tilespmem:$0x18200] =	vst v63  }
0x1a2: {  	_ =	swait.ge [sflag:s30], $0x8000  }
0x1a3: {  	s8 =	sld [smem:$0x7F8]  }
0x1a4: {  	[sflag:s30] =	ssyncset.done $0x0  }
0x1a5: {  	[sflag:s30] =	ssyncadd.s32 $0xFFFF8000  }
0x1a6: {  	[hbm4b:s8+s2] =	stream.linear.scatter [tilespmem:s11], [sflag:$0x2], $0x8000, $0x38;
	[tilespmem:$0x18200] =	vst v63  }
0x1a7: {  	_ =	swait.ge [sflag:s10], $0x8000  }
0x1a8: {  	s9 =	sld [smem:$0x7F9];
	_ =	sdelay $0x1  }
0x1a9: {  	s31 =	sadd.s32 $0x1, s31  }
0x1aa: {  	p0 =	sne.s32 s31, s9  }
.Ltmp1:
0x1ab: {  	_ = 	snop;
	(pc) =	sbr.rel @p0 .LBB2_1-.Ltmp1, $3  }
0x1ac: {  	_ =	sdelay $0x1  }
0x1ad: {  	[sflag:s10] =	ssyncset.done $0x0  }
0x1ae: {  	[sflag:s10] =	ssyncadd.s32 $0xFFFF8000  }
0x1af: {  	_ =	sfence.sel $0x180000  }
0x1b0: {  	[bflag:$0x0] =	sbarrier.arrive $0xFFFF  }
0x1b1: {  	_ =	strace $0x90000047  }
0x1b2: {  	s0 =	stileid.u32;
	[bflag:$0x2] =	sbarrier.arrive $0xFFFF  }
0x1b3: {  	p0 =	sne.s32 s0, $0x0;
	s0 =	rddreg [dreg:$0x1]  }
0x1b4: {  	s0 =	sadd.s32 @!p0 $0x100000, s0  }
0x1b5: {  	[sflag:s0] =	ssyncadd.tile.s32 @!p0 $0x1;
	_ =	shalt  }
.Lfunc_end2:
_tile_overlayer_lowered:
.L_overlay_start_2:
0x1b6: {  	(tag) =	ssettag $0x2  }
0x1b7: {  	s0 =	rddreg [dreg:$0x0];
	s2 =	stileid.u32  }
0x1b8: {  	s1 =	rddreg [dreg:$0x1];
	p0 =	sne.s32 s2, $0x0  }
0x1b9: {  	s3 =	rddreg [dreg:$0x2];
	[bflag:$0x3] =	sbarrier.arrive $0xFFFF;
	s2 =	simm.s32 @!p0 $0x1C02  }
0x1ba: {  	[timem:s3], [sflag:s2] =	dma.local @!p0 [hbm:s0], s1  }
0x1bb: {  	s0 =	simm.s32 @!p0 $0x2  }
0x1bc: {  	_ =	swait.ge @!p0 [sflag:s0], s1  }
0x1bd: {  	s1 =	ssub.s32 @!p0 $0x0, s1;
	[sflag:s0] =	ssyncset.done @!p0 $0x0  }
0x1be: {  	[sflag:s0] =	ssyncadd.s32 @!p0 s1  }
0x1bf: {  	[bflag:$0x3] =	sbarrier.arrive $0xFFFF  }
0x1c0: {  	_ =	shalt  }

</sc_bundles>
